<compile_context>
chip_gen: v7x
topology: tpu7x:2x2x1
jax: 0.10.2.dev20260603
libtpu: 0.0.44.dev20260713+nightly
codegen_flags: <defaults>
</compile_context>

<pallas_src>
import dataclasses
import functools

import jax
import jax.numpy as jnp
from jax import lax
from jax.experimental import pallas as pl
from jax.experimental.pallas import tpu as pltpu
from jax.experimental.pallas import tpu_sc as plsc

N = 10000
E = 320000
G = 128
EPS = 1e-5

NC = 2
NS = 16
EB = 64
E_PAD = 327680
E_PER_TILE = E_PAD // (NC * NS)
N_CHUNKS = E_PER_TILE // EB
NP = 10240
ROWS_PER_TILE = NP // NS
ZR = 16
IG = 4
GC = N_CHUNKS // IG
NB = 4

_MESH = plsc.VectorSubcoreMesh(core_axis_name="c", subcore_axis_name="s")

_CP = pltpu.CompilerParams()
if "needs_layout_passes" in pltpu.CompilerParams.__dataclass_fields__:
    _CP = dataclasses.replace(_CP, needs_layout_passes=False)


def _zero_fill(buf, rows, d):
    zero16 = jnp.zeros((16,), jnp.float32)

    @pl.loop(0, rows)
    def _(r):
        @pl.loop(0, d, step=16)
        def _(j):
            buf[r, pl.ds(j, 16)] = zero16


@functools.cache
def _sc_degree_kernel():

    @functools.partial(
        pl.kernel,
        mesh=_MESH,
        compiler_params=_CP,
        out_type=jax.ShapeDtypeStruct((NC, NS, NP), jnp.float32),
        scratch_types=[
            pltpu.VMEM((NP,), jnp.float32),
            pltpu.VMEM((GC * EB,), jnp.int32),
        ],
    )
    def k(dst_hbm, out_hbm, cnt_v, di_v):
        c = lax.axis_index("c")
        s = lax.axis_index("s")
        ones16 = jnp.ones((16,), jnp.float32)
        zero16 = jnp.zeros((16,), jnp.float32)

        @pl.loop(0, NP, step=16)
        def _(r):
            cnt_v[pl.ds(r, 16)] = zero16

        @pl.loop(0, IG)
        def _(g):
            pltpu.sync_copy(dst_hbm.at[c, s, g], di_v)

            @pl.loop(0, GC * EB, step=16)
            def _(j):
                dv = di_v[pl.ds(j, 16)]
                plsc.addupdate_scatter(cnt_v, [dv], ones16)

        pltpu.sync_copy(cnt_v, out_hbm.at[c, s])

    return k


@functools.cache
def _sc_scatter_kernel(d):

    @functools.partial(
        pl.kernel,
        mesh=_MESH,
        out_type=jax.ShapeDtypeStruct((NC, NP, d), jnp.float32),
        scratch_types=[
            pltpu.VMEM_SHARED((NP, d), jnp.float32),
        ] + [pltpu.VMEM((EB, d), jnp.float32) for _ in range(NB)] + [
            pltpu.VMEM((GC, EB), jnp.int32),
            pltpu.VMEM((GC, EB), jnp.int32),
            pltpu.VMEM((ZR, d), jnp.float32),
        ] + [pltpu.SemaphoreType.DMA for _ in range(2 * NB)],
    )
    def k(hs_hbm, src_hbm, dst_hbm, out_hbm, acc_sh, b0, b1, b2, b3, si_v,
          di_v, z_v, s0, s1, s2, s3, t0, t1, t2, t3):
        c = lax.axis_index("c")
        s = lax.axis_index("s")
        bufs = [b0, b1, b2, b3]
        sems = [s0, s1, s2, s3]
        ssems = [t0, t1, t2, t3]

        _zero_fill(z_v, ZR, d)

        @pl.loop(0, ROWS_PER_TILE, step=ZR)
        def _(r0):
            pltpu.sync_copy(z_v, acc_sh.at[pl.ds(s * ROWS_PER_TILE + r0, ZR)])

        plsc.subcore_barrier()

        @pl.loop(0, IG)
        def _(g):
            pltpu.sync_copy(src_hbm.at[c, s, g], si_v)
            pltpu.sync_copy(dst_hbm.at[c, s, g], di_v)
            for j in range(NB - 1):
                pltpu.async_copy(hs_hbm.at[si_v.at[j]], bufs[j], sems[j])

            @pl.loop(0, GC // NB)
            def _(kk):
                i0 = NB * kk
                for j in range(NB):
                    i = i0 + j
                    pltpu.make_async_copy(hs_hbm.at[si_v.at[i]], bufs[j],
                                          sems[j]).wait()
                    pltpu.async_copy(bufs[j], acc_sh.at[di_v.at[i]], ssems[j],
                                     add=True)
                    nxt = i + NB - 1
                    jn = (j + NB - 1) % NB
                    in_range = nxt < GC
                    not_first = jnp.logical_and(in_range, kk >= 1) \
                        if j == 0 else in_range

                    @pl.when(not_first)
                    def _():
                        pltpu.make_async_copy(bufs[jn],
                                              acc_sh.at[di_v.at[0]],
                                              ssems[jn]).wait()

                    @pl.when(in_range)
                    def _():
                        pltpu.async_copy(hs_hbm.at[si_v.at[nxt]], bufs[jn],
                                         sems[jn])

            for j in range(NB):
                pltpu.make_async_copy(bufs[j], acc_sh.at[di_v.at[0]],
                                      ssems[j]).wait()

        plsc.subcore_barrier()
        pltpu.sync_copy(
            acc_sh.at[pl.ds(s * ROWS_PER_TILE, ROWS_PER_TILE)],
            out_hbm.at[c, pl.ds(s * ROWS_PER_TILE, ROWS_PER_TILE)],
        )

    return k


def _tc_matmul(x, w):
    def body(x_ref, w_ref, o_ref):
        o_ref[...] = jnp.dot(x_ref[...], w_ref[...],
                             preferred_element_type=jnp.float32)

    return pl.pallas_call(
        body,
        out_shape=jax.ShapeDtypeStruct((x.shape[0], w.shape[1]), jnp.float32),
    )(x, w)


def _tc_prescale(deg_col, x):

    def body(cnt_ref, x_ref, dinv_ref, xs_ref):
        deg = cnt_ref[...] + 1.0
        dinv = lax.rsqrt(deg)
        dinv_ref[...] = dinv
        xs_ref[...] = x_ref[...] * dinv

    return pl.pallas_call(
        body,
        out_shape=(
            jax.ShapeDtypeStruct((N, 1), jnp.float32),
            jax.ShapeDtypeStruct((N, x.shape[1]), jnp.float32),
        ),
    )(deg_col, x)


def _tc_layer1(acc, xs, dinv, w1, b1, g1, be1, w2):

    def body(acc_ref, xs_ref, dinv_ref, w1_ref, b_ref, g_ref, be_ref, w2_ref,
             o_ref):
        px = (acc_ref[0, :N] + acc_ref[1, :N] + xs_ref[...]) * dinv_ref[...]
        t = jnp.dot(px, w1_ref[...],
                    preferred_element_type=jnp.float32) + b_ref[...]
        mean = jnp.mean(t, axis=0, keepdims=True)
        var = jnp.mean((t - mean) ** 2, axis=0, keepdims=True)
        t = (t - mean) * lax.rsqrt(var + EPS) * g_ref[...] + be_ref[...]
        t = jnp.maximum(t, 0.0)
        o_ref[...] = jnp.dot(t, w2_ref[...],
                             preferred_element_type=jnp.float32) * dinv_ref[...]

    return pl.pallas_call(
        body,
        out_shape=jax.ShapeDtypeStruct((N, w2.shape[1]), jnp.float32),
    )(acc, xs, dinv, w1, b1.reshape(1, -1), g1.reshape(1, -1),
      be1.reshape(1, -1), w2)


def _tc_layer2(acc, hs2, dinv, b2, g2, be2):

    def body(acc_ref, hs_ref, dinv_ref, b_ref, g_ref, be_ref, o_ref):
        t = (acc_ref[0, :N] + acc_ref[1, :N] + hs_ref[...]) * dinv_ref[...] \
            + b_ref[...]
        mean = jnp.mean(t, axis=0, keepdims=True)
        var = jnp.mean((t - mean) ** 2, axis=0, keepdims=True)
        t = (t - mean) * lax.rsqrt(var + EPS) * g_ref[...] + be_ref[...]
        t = jnp.maximum(t, 0.0)
        o_ref[...] = t * dinv_ref[...]

    return pl.pallas_call(
        body,
        out_shape=jax.ShapeDtypeStruct((N, hs2.shape[1]), jnp.float32),
    )(acc, hs2, dinv, b2.reshape(1, -1), g2.reshape(1, -1), be2.reshape(1, -1))


def _tc_finish(acc, hs3, dinv, w3, b3, batch2d):

    def body(acc_ref, hs_ref, dinv_ref, w3_ref, b_ref, batch_ref, o_ref):
        ph = (acc_ref[0, :N] + acc_ref[1, :N] + hs_ref[...]) * dinv_ref[...]
        h3 = jnp.dot(ph, w3_ref[...],
                     preferred_element_type=jnp.float32) + b_ref[...]
        gids = lax.broadcasted_iota(jnp.int32, (N, G), 1)
        onehot = (batch_ref[...] == gids).astype(jnp.float32)
        sums = lax.dot_general(onehot, h3, (((0,), (0,)), ((), ())),
                               preferred_element_type=jnp.float32)
        cnts = jnp.sum(onehot, axis=0)[:, None]
        pooled = sums / jnp.maximum(cnts, 1.0)
        m = jnp.max(pooled, axis=1, keepdims=True)
        z = pooled - m
        o_ref[...] = z - jnp.log(jnp.sum(jnp.exp(z), axis=1, keepdims=True))

    return pl.pallas_call(
        body,
        out_shape=jax.ShapeDtypeStruct((G, w3.shape[1]), jnp.float32),
    )(acc, hs3, dinv, w3, b3.reshape(1, -1), batch2d)


def kernel(x, edge_index, batch, W1, b1, g1, be1, W2, b2, g2, be2, W3, b3):
    nt = NC * NS
    pad = E_PER_TILE - E // nt
    pr = jnp.broadcast_to(jnp.arange(pad, dtype=jnp.int32)[None], (nt, pad))
    src = jnp.concatenate([edge_index[0].reshape(nt, -1), pr], axis=1)
    dst = jnp.concatenate([edge_index[1].reshape(nt, -1), N + pr], axis=1)
    src = src.reshape(NC, NS, IG, GC, EB)
    dst = dst.reshape(NC, NS, IG, GC, EB)
    batch2d = batch.reshape(N, 1)

    dst_deg = dst.reshape(NC, NS, IG, GC * EB)
    counts = _sc_degree_kernel()(dst_deg)
    deg_col = counts.sum(axis=(0, 1)).reshape(NP, 1)[:N]
    dinv, xs = _tc_prescale(deg_col, x)

    acc1 = _sc_scatter_kernel(128)(xs, src, dst)
    hs2 = _tc_layer1(acc1, xs, dinv, W1, b1, g1, be1, W2)

    acc2 = _sc_scatter_kernel(128)(hs2, src, dst)
    hs3 = _tc_layer2(acc2, hs2, dinv, b2, g2, be2)

    acc3 = _sc_scatter_kernel(128)(hs3, src, dst)
    return _tc_finish(acc3, hs3, dinv, W3, b3, batch2d)

# --- scband reference (transcript-rebuilt; emitter-appended) ---
"""Pipeline reference for scband-gcn-7481833030017 (READ-ONLY COPY).

The authoritative reference and input builder live on the scoring server;
editing this copy changes nothing except your own understanding.
"""

import jax, jax.numpy as jnp
import numpy as np

N = 10000
E = 320000
F = 128
C = 16
G = 128
EPS = 1e-5


def setup_inputs(seed: int = 0):
    key = jax.random.key(seed)
    ks = jax.random.split(key, 12)
    x = jax.random.normal(ks[0], (N, F), dtype=jnp.float32)
    edge_index = jax.random.randint(ks[1], (2, E), 0, N, dtype=jnp.int32)
    batch = jnp.sort(jax.random.randint(ks[2], (N,), 0, G, dtype=jnp.int32))
    W1 = jax.random.normal(ks[3], (F, 64), dtype=jnp.float32) * (1.0 / np.sqrt(F))
    b1 = jnp.zeros((64,), dtype=jnp.float32)
    g1 = jnp.ones((64,), dtype=jnp.float32)
    be1 = jnp.zeros((64,), dtype=jnp.float32)
    W2 = jax.random.normal(ks[4], (64, 128), dtype=jnp.float32) * (1.0 / np.sqrt(64))
    b2 = jnp.zeros((128,), dtype=jnp.float32)
    g2 = jnp.ones((128,), dtype=jnp.float32)
    be2 = jnp.zeros((128,), dtype=jnp.float32)
    W3 = jax.random.normal(ks[5], (128, C), dtype=jnp.float32) * (1.0 / np.sqrt(128))
    b3 = jnp.zeros((C,), dtype=jnp.float32)
    return {"x": x, "edge_index": edge_index, "batch": batch,
            "W1": W1, "b1": b1, "g1": g1, "be1": be1,
            "W2": W2, "b2": b2, "g2": g2, "be2": be2,
            "W3": W3, "b3": b3}


def _gcn_conv(x, W, b, src, dst, n):
    # GCNConv: x' = D^{-1/2} (A + I) D^{-1/2} (x W) + b
    h = x @ W
    loop = jnp.arange(n, dtype=src.dtype)
    src_sl = jnp.concatenate([src, loop])
    dst_sl = jnp.concatenate([dst, loop])
    deg = jax.ops.segment_sum(jnp.ones_like(dst_sl, dtype=h.dtype), dst_sl, num_segments=n)
    dinv = jnp.where(deg > 0, jax.lax.rsqrt(jnp.maximum(deg, 1e-12)), 0.0)
    norm = dinv[src_sl] * dinv[dst_sl]
    msg = jnp.take(h, src_sl, axis=0) * norm[:, None]
    out = jax.ops.segment_sum(msg, dst_sl, num_segments=n)
    return out + b


def _batch_norm(x, g, be):
    mean = jnp.mean(x, axis=0)
    var = jnp.mean((x - mean) ** 2, axis=0)
    return (x - mean) * jax.lax.rsqrt(var + EPS) * g + be


def reference(x, edge_index, batch, W1, b1, g1, be1, W2, b2, g2, be2, W3, b3):
    src = edge_index[0]
    dst = edge_index[1]
    h = _gcn_conv(x, W1, b1, src, dst, N)
    h = jax.nn.relu(_batch_norm(h, g1, be1))
    # dropout: identity in eval mode
    h = _gcn_conv(h, W2, b2, src, dst, N)
    h = jax.nn.relu(_batch_norm(h, g2, be2))
    h = _gcn_conv(h, W3, b3, src, dst, N)
    # global_mean_pool over graph ids
    sums = jax.ops.segment_sum(h, batch, num_segments=G)
    counts = jax.ops.segment_sum(jnp.ones((N,), dtype=h.dtype), batch, num_segments=G)
    pooled = sums / jnp.maximum(counts, 1.0)[:, None]
    return jax.nn.log_softmax(pooled, axis=1)

if __name__ == "__main__":
    import jax
    _d = setup_inputs()
    print(jax.jit(kernel)(*tuple(_d.values())))

</pallas_src>

<mosaic_0001>
#map = affine_map<(d0, d1) -> (0, 0, 0, 0)>
#map1 = affine_map<(d0, d1) -> (0, 0, 0)>
module attributes {stable_mosaic.version = 14 : i64} {
  func.func @k(%arg0: i32, %arg1: i32, %arg2: memref<2x16x4x2560xi32, #tpu.memory_space<hbm>>, %arg3: memref<2x16x10240xf32, #tpu.memory_space<hbm>>, %arg4: memref<10240xf32, #tpu.memory_space<vmem>>, %arg5: memref<2560xi32, #tpu.memory_space<vmem>>) attributes {dimension_semantics = [#tpu.dimension_semantics<core_parallel>, #tpu.dimension_semantics<subcore_parallel>], iteration_bounds = array<i64: 2, 16>, scalar_prefetch = 0 : i64, scratch_operands = 2 : i64, tpu.core_type = #tpu.core_type<sc_vector_subcore>, window_params = [{transform_indices = #map}, {transform_indices = #map1}]} {
    %broadcast_in_dim3A = arith.constant 1.000000e+00 : f32
    %broadcast_in_dim3A_0 = vector.broadcast %broadcast_in_dim3A : f32 to vector<16xf32>
    %broadcast_in_dim3A_1 = arith.constant 0.000000e+00 : f32
    %broadcast_in_dim3A_2 = vector.broadcast %broadcast_in_dim3A_1 : f32 to vector<16xf32>
    %scan3A = arith.constant 0 : i32
    %scan3A_3 = arith.constant 640 : i32
    %scan3A_4 = arith.addi %scan3A, %scan3A_3 : i32
    %scan3A_5 = arith.constant 1 : i32
    scf.for %scan3A_12 = %scan3A to %scan3A_4 step %scan3A_5  : i32 {
      %mul3A = arith.constant 16 : i32
      %mul3A_13 = arith.muli %scan3A_12, %mul3A : i32
      %add3A = arith.constant 0 : i32
      %add3A_14 = arith.addi %add3A, %mul3A_13 : i32
      %swap3A = arith.index_cast %add3A_14 : i32 to index
      %swap3A_15 = tpu.vector_load %arg4[%swap3A] {strides = array<i32>} : memref<10240xf32, #tpu.memory_space<vmem>>, vector<16xf32>,
      tpu.vector_store %arg4[%swap3A], %broadcast_in_dim3A_2 {strides = array<i32>} : memref<10240xf32, #tpu.memory_space<vmem>>, vector<16xf32>,
    }
    %scan3A_6 = arith.constant 640 : i32
    %scan3A_7 = arith.constant 0 : i32
    %scan3A_8 = arith.constant 4 : i32
    %scan3A_9 = arith.addi %scan3A_7, %scan3A_8 : i32
    %scan3A_10 = arith.constant 1 : i32
    scf.for %scan3A_12 = %scan3A_7 to %scan3A_9 step %scan3A_10  : i32 {
      %mul3A = arith.constant 1 : i32
      %mul3A_13 = arith.muli %scan3A_12, %mul3A : i32
      %add3A = arith.constant 0 : i32
      %add3A_14 = arith.addi %add3A, %mul3A_13 : i32
      "tpu.region"() ({
        %run_scoped3A = tpu.sem_alloc : memref<!tpu.dma_semaphore, #tpu.memory_space<semaphore_mem>>
        %dma_start3A = arith.constant 0 : i32
        %dma_start3A_20 = tpu.memref_slice %arg2[%arg0, %arg1, %add3A_14, %dma_start3A] : memref<2x16x4x2560xi32, #tpu.memory_space<hbm>> -> memref<1x1x1x2560xi32, #tpu.memory_space<hbm>>
        %dma_start3A_21 = tpu.memref_squeeze %dma_start3A_20 : memref<1x1x1x2560xi32, #tpu.memory_space<hbm>> -> memref<2560xi32, #tpu.memory_space<hbm>>
        %dma_start3A_22 = arith.constant 0 : i32
        %dma_start3A_23 = tpu.memref_slice %arg2[%arg0, %arg1, %add3A_14, %dma_start3A_22] : memref<2x16x4x2560xi32, #tpu.memory_space<hbm>> -> memref<1x1x1x2560xi32, #tpu.memory_space<hbm>>
        %dma_start3A_24 = tpu.memref_squeeze %dma_start3A_23 : memref<1x1x1x2560xi32, #tpu.memory_space<hbm>> -> memref<2560xi32, #tpu.memory_space<hbm>>
        tpu.enqueue_dma source(%dma_start3A_24 : memref<2560xi32, #tpu.memory_space<hbm>>) target(%arg5 : memref<2560xi32, #tpu.memory_space<vmem>>) target_semaphore(%run_scoped3A : memref<!tpu.dma_semaphore, #tpu.memory_space<semaphore_mem>>)
        %dma_wait3A = arith.constant 0 : i32
        %dma_wait3A_25 = tpu.memref_slice %arg2[%arg0, %arg1, %add3A_14, %dma_wait3A] : memref<2x16x4x2560xi32, #tpu.memory_space<hbm>> -> memref<1x1x1x2560xi32, #tpu.memory_space<hbm>>
        %dma_wait3A_26 = tpu.memref_squeeze %dma_wait3A_25 : memref<1x1x1x2560xi32, #tpu.memory_space<hbm>> -> memref<2560xi32, #tpu.memory_space<hbm>>
        %dma_wait3A_27 = arith.constant 0 : i32
        %dma_wait3A_28 = tpu.memref_slice %arg2[%arg0, %arg1, %add3A_14, %dma_wait3A_27] : memref<2x16x4x2560xi32, #tpu.memory_space<hbm>> -> memref<1x1x1x2560xi32, #tpu.memory_space<hbm>>
        %dma_wait3A_29 = tpu.memref_squeeze %dma_wait3A_28 : memref<1x1x1x2560xi32, #tpu.memory_space<hbm>> -> memref<2560xi32, #tpu.memory_space<hbm>>
        tpu.wait_dma2 semaphore(%run_scoped3A : memref<!tpu.dma_semaphore, #tpu.memory_space<semaphore_mem>>) src(%dma_wait3A_29 : memref<2560xi32, #tpu.memory_space<hbm>>) dst(%arg5 : memref<2560xi32, #tpu.memory_space<vmem>>)
        tpu.yield
      }) : () -> ()
      %scan3A_15 = arith.constant 0 : i32
      %scan3A_16 = arith.constant 160 : i32
      %scan3A_17 = arith.addi %scan3A_15, %scan3A_16 : i32
      %scan3A_18 = arith.constant 1 : i32
      scf.for %scan3A_20 = %scan3A_15 to %scan3A_17 step %scan3A_18  : i32 {
        %mul3A_21 = arith.constant 16 : i32
        %mul3A_22 = arith.muli %scan3A_20, %mul3A_21 : i32
        %add3A_23 = arith.constant 0 : i32
        %add3A_24 = arith.addi %add3A_23, %mul3A_22 : i32
        %get3A = arith.index_cast %add3A_24 : i32 to index
        %get3A_25 = tpu.vector_load %arg5[%get3A] {strides = array<i32>} : memref<2560xi32, #tpu.memory_space<vmem>>, vector<16xi32>,
        tpu.vector_store_idx %arg4[%get3A_25], %broadcast_in_dim3A_0 {add = true} : memref<10240xf32, #tpu.memory_space<vmem>>[vector<16xi32>], vector<16xf32>,
      }
      %scan3A_19 = arith.constant 160 : i32
    }
    %scan3A_11 = arith.constant 4 : i32
    "tpu.region"() ({
      %run_scoped3A = tpu.sem_alloc : memref<!tpu.dma_semaphore, #tpu.memory_space<semaphore_mem>>
      %dma_start3A = arith.constant 0 : i32
      %dma_start3A_12 = tpu.memref_slice %arg3[%arg0, %arg1, %dma_start3A] : memref<2x16x10240xf32, #tpu.memory_space<hbm>> -> memref<1x1x10240xf32, #tpu.memory_space<hbm>>
      %dma_start3A_13 = tpu.memref_squeeze %dma_start3A_12 : memref<1x1x10240xf32, #tpu.memory_space<hbm>> -> memref<10240xf32, #tpu.memory_space<hbm>>
      %dma_start3A_14 = arith.constant 0 : i32
      %dma_start3A_15 = tpu.memref_slice %arg3[%arg0, %arg1, %dma_start3A_14] : memref<2x16x10240xf32, #tpu.memory_space<hbm>> -> memref<1x1x10240xf32, #tpu.memory_space<hbm>>
      %dma_start3A_16 = tpu.memref_squeeze %dma_start3A_15 : memref<1x1x10240xf32, #tpu.memory_space<hbm>> -> memref<10240xf32, #tpu.memory_space<hbm>>
      tpu.enqueue_dma source(%arg4 : memref<10240xf32, #tpu.memory_space<vmem>>) target(%dma_start3A_16 : memref<10240xf32, #tpu.memory_space<hbm>>) target_semaphore(%run_scoped3A : memref<!tpu.dma_semaphore, #tpu.memory_space<semaphore_mem>>)
      %dma_wait3A = arith.constant 0 : i32
      %dma_wait3A_17 = tpu.memref_slice %arg3[%arg0, %arg1, %dma_wait3A] : memref<2x16x10240xf32, #tpu.memory_space<hbm>> -> memref<1x1x10240xf32, #tpu.memory_space<hbm>>
      %dma_wait3A_18 = tpu.memref_squeeze %dma_wait3A_17 : memref<1x1x10240xf32, #tpu.memory_space<hbm>> -> memref<10240xf32, #tpu.memory_space<hbm>>
      %dma_wait3A_19 = arith.constant 0 : i32
      %dma_wait3A_20 = tpu.memref_slice %arg3[%arg0, %arg1, %dma_wait3A_19] : memref<2x16x10240xf32, #tpu.memory_space<hbm>> -> memref<1x1x10240xf32, #tpu.memory_space<hbm>>
      %dma_wait3A_21 = tpu.memref_squeeze %dma_wait3A_20 : memref<1x1x10240xf32, #tpu.memory_space<hbm>> -> memref<10240xf32, #tpu.memory_space<hbm>>
      tpu.wait_dma2 semaphore(%run_scoped3A : memref<!tpu.dma_semaphore, #tpu.memory_space<semaphore_mem>>) src(%arg4 : memref<10240xf32, #tpu.memory_space<vmem>>) dst(%dma_wait3A_21 : memref<10240xf32, #tpu.memory_space<hbm>>)
      tpu.yield
    }) : () -> ()
    return
  }
}

#map = affine_map<(d0, d1) -> (0, 0)>
#map1 = affine_map<(d0, d1) -> (0, 0, 0, 0, 0)>
#map2 = affine_map<(d0, d1) -> (0, 0, 0)>
module attributes {stable_mosaic.version = 14 : i64} {
  func.func @k(%arg0: i32, %arg1: i32, %arg2: memref<10000x128xf32, #tpu.memory_space<hbm>>, %arg3: memref<2x16x4x40x64xi32, #tpu.memory_space<hbm>>, %arg4: memref<2x16x4x40x64xi32, #tpu.memory_space<hbm>>, %arg5: memref<2x10240x128xf32, #tpu.memory_space<hbm>>, %arg6: memref<10240x128xf32, #tpu.memory_space<vmem_shared>>, %arg7: memref<64x128xf32, #tpu.memory_space<vmem>>, %arg8: memref<64x128xf32, #tpu.memory_space<vmem>>, %arg9: memref<64x128xf32, #tpu.memory_space<vmem>>, %arg10: memref<64x128xf32, #tpu.memory_space<vmem>>, %arg11: memref<40x64xi32, #tpu.memory_space<vmem>>, %arg12: memref<40x64xi32, #tpu.memory_space<vmem>>, %arg13: memref<16x128xf32, #tpu.memory_space<vmem>>, %arg14: memref<!tpu.dma_semaphore, #tpu.memory_space<semaphore_mem>>, %arg15: memref<!tpu.dma_semaphore, #tpu.memory_space<semaphore_mem>>, %arg16: memref<!tpu.dma_semaphore, #tpu.memory_space<semaphore_mem>>, %arg17: memref<!tpu.dma_semaphore, #tpu.memory_space<semaphore_mem>>, %arg18: memref<!tpu.dma_semaphore, #tpu.memory_space<semaphore_mem>>, %arg19: memref<!tpu.dma_semaphore, #tpu.memory_space<semaphore_mem>>, %arg20: memref<!tpu.dma_semaphore, #tpu.memory_space<semaphore_mem>>, %arg21: memref<!tpu.dma_semaphore, #tpu.memory_space<semaphore_mem>>) attributes {dimension_semantics = [#tpu.dimension_semantics<core_parallel>, #tpu.dimension_semantics<subcore_parallel>], iteration_bounds = array<i64: 2, 16>, scalar_prefetch = 0 : i64, scratch_operands = 16 : i64, tpu.core_type = #tpu.core_type<sc_vector_subcore>, window_params = [{transform_indices = #map}, {transform_indices = #map1}, {transform_indices = #map1}, {transform_indices = #map2}]} {
    %broadcast_in_dim3A = arith.constant 0.000000e+00 : f32
    %broadcast_in_dim3A_0 = vector.broadcast %broadcast_in_dim3A : f32 to vector<16xf32>
    %scan3A = arith.constant 0 : i32
    %scan3A_1 = arith.constant 16 : i32
    %scan3A_2 = arith.addi %scan3A, %scan3A_1 : i32
    %scan3A_3 = arith.constant 1 : i32
    scf.for %scan3A_19 = %scan3A to %scan3A_2 step %scan3A_3  : i32 {
      %mul3A_20 = arith.constant 1 : i32
      %mul3A_21 = arith.muli %scan3A_19, %mul3A_20 : i32
      %add3A = arith.constant 0 : i32
      %add3A_22 = arith.addi %add3A, %mul3A_21 : i32
      %scan3A_23 = arith.constant 0 : i32
      %scan3A_24 = arith.constant 8 : i32
      %scan3A_25 = arith.addi %scan3A_23, %scan3A_24 : i32
      %scan3A_26 = arith.constant 1 : i32
      scf.for %scan3A_28 = %scan3A_23 to %scan3A_25 step %scan3A_26  : i32 {
        %mul3A_29 = arith.constant 16 : i32
        %mul3A_30 = arith.muli %scan3A_28, %mul3A_29 : i32
        %add3A_31 = arith.constant 0 : i32
        %add3A_32 = arith.addi %add3A_31, %mul3A_30 : i32
        %swap3A = arith.index_cast %add3A_22 : i32 to index
        %swap3A_33 = arith.index_cast %add3A_32 : i32 to index
        %swap3A_34 = tpu.vector_load %arg13[%swap3A, %swap3A_33] {strides = array<i32>} : memref<16x128xf32, #tpu.memory_space<vmem>>, vector<1x16xf32>,
        %swap3A_35 = vector.shape_cast %swap3A_34 : vector<1x16xf32> to vector<16xf32>
        %swap3A_36 = vector.shape_cast %broadcast_in_dim3A_0 : vector<16xf32> to vector<1x16xf32>
        tpu.vector_store %arg13[%swap3A, %swap3A_33], %swap3A_36 {strides = array<i32>} : memref<16x128xf32, #tpu.memory_space<vmem>>, vector<1x16xf32>,
      }
      %scan3A_27 = arith.constant 8 : i32
    }
    %scan3A_4 = arith.constant 16 : i32
    %scan3A_5 = arith.constant 0 : i32
    %scan3A_6 = arith.constant 40 : i32
    %scan3A_7 = arith.addi %scan3A_5, %scan3A_6 : i32
    %scan3A_8 = arith.constant 1 : i32
    scf.for %scan3A_19 = %scan3A_5 to %scan3A_7 step %scan3A_8  : i32 {
      %mul3A_20 = arith.constant 16 : i32
      %mul3A_21 = arith.muli %scan3A_19, %mul3A_20 : i32
      %add3A = arith.constant 0 : i32
      %add3A_22 = arith.addi %add3A, %mul3A_21 : i32
      %mul3A_23 = arith.constant 640 : i32
      %mul3A_24 = arith.muli %arg1, %mul3A_23 : i32
      %add3A_25 = arith.addi %mul3A_24, %add3A_22 : i32
      "tpu.region"() ({
        %run_scoped3A = tpu.sem_alloc : memref<!tpu.dma_semaphore, #tpu.memory_space<semaphore_mem>>
        %dma_start3A = arith.constant 0 : i32
        %dma_start3A_26 = tpu.memref_slice %arg6[%add3A_25, %dma_start3A] : memref<10240x128xf32, #tpu.memory_space<vmem_shared>> -> memref<16x128xf32, #tpu.memory_space<vmem_shared>>
        %dma_start3A_27 = arith.constant 0 : i32
        %dma_start3A_28 = tpu.memref_slice %arg6[%add3A_25, %dma_start3A_27] : memref<10240x128xf32, #tpu.memory_space<vmem_shared>> -> memref<16x128xf32, #tpu.memory_space<vmem_shared>>
        tpu.enqueue_dma source(%arg13 : memref<16x128xf32, #tpu.memory_space<vmem>>) target(%dma_start3A_28 : memref<16x128xf32, #tpu.memory_space<vmem_shared>>) target_semaphore(%run_scoped3A : memref<!tpu.dma_semaphore, #tpu.memory_space<semaphore_mem>>)
        %dma_wait3A = arith.constant 0 : i32
        %dma_wait3A_29 = tpu.memref_slice %arg6[%add3A_25, %dma_wait3A] : memref<10240x128xf32, #tpu.memory_space<vmem_shared>> -> memref<16x128xf32, #tpu.memory_space<vmem_shared>>
        %dma_wait3A_30 = arith.constant 0 : i32
        %dma_wait3A_31 = tpu.memref_slice %arg6[%add3A_25, %dma_wait3A_30] : memref<10240x128xf32, #tpu.memory_space<vmem_shared>> -> memref<16x128xf32, #tpu.memory_space<vmem_shared>>
        tpu.wait_dma2 semaphore(%run_scoped3A : memref<!tpu.dma_semaphore, #tpu.memory_space<semaphore_mem>>) src(%arg13 : memref<16x128xf32, #tpu.memory_space<vmem>>) dst(%dma_wait3A_31 : memref<16x128xf32, #tpu.memory_space<vmem_shared>>)
        tpu.yield
      }) : () -> ()
    }
    %scan3A_9 = arith.constant 40 : i32
    %barrier3A = arith.constant 0 : index
    tpu.barrier barrier_id(%barrier3A)
    %scan3A_10 = arith.constant 0 : i32
    %scan3A_11 = arith.constant 4 : i32
    %scan3A_12 = arith.addi %scan3A_10, %scan3A_11 : i32
    %scan3A_13 = arith.constant 1 : i32
    scf.for %scan3A_19 = %scan3A_10 to %scan3A_12 step %scan3A_13  : i32 {
      %mul3A_20 = arith.constant 1 : i32
      %mul3A_21 = arith.muli %scan3A_19, %mul3A_20 : i32
      %add3A = arith.constant 0 : i32
      %add3A_22 = arith.addi %add3A, %mul3A_21 : i32
      "tpu.region"() ({
        %run_scoped3A = tpu.sem_alloc : memref<!tpu.dma_semaphore, #tpu.memory_space<semaphore_mem>>
        %dma_start3A_75 = arith.constant 0 : i32
        %dma_start3A_76 = arith.constant 0 : i32
        %dma_start3A_77 = tpu.memref_slice %arg3[%arg0, %arg1, %add3A_22, %dma_start3A_75, %dma_start3A_76] : memref<2x16x4x40x64xi32, #tpu.memory_space<hbm>> -> memref<1x1x1x40x64xi32, #tpu.memory_space<hbm>>
        %dma_start3A_78 = tpu.memref_squeeze %dma_start3A_77 : memref<1x1x1x40x64xi32, #tpu.memory_space<hbm>> -> memref<40x64xi32, #tpu.memory_space<hbm>>
        %dma_start3A_79 = arith.constant 0 : i32
        %dma_start3A_80 = arith.constant 0 : i32
        %dma_start3A_81 = tpu.memref_slice %arg3[%arg0, %arg1, %add3A_22, %dma_start3A_79, %dma_start3A_80] : memref<2x16x4x40x64xi32, #tpu.memory_space<hbm>> -> memref<1x1x1x40x64xi32, #tpu.memory_space<hbm>>
        %dma_start3A_82 = tpu.memref_squeeze %dma_start3A_81 : memref<1x1x1x40x64xi32, #tpu.memory_space<hbm>> -> memref<40x64xi32, #tpu.memory_space<hbm>>
        tpu.enqueue_dma source(%dma_start3A_82 : memref<40x64xi32, #tpu.memory_space<hbm>>) target(%arg11 : memref<40x64xi32, #tpu.memory_space<vmem>>) target_semaphore(%run_scoped3A : memref<!tpu.dma_semaphore, #tpu.memory_space<semaphore_mem>>)
        %dma_wait3A_83 = arith.constant 0 : i32
        %dma_wait3A_84 = arith.constant 0 : i32
        %dma_wait3A_85 = tpu.memref_slice %arg3[%arg0, %arg1, %add3A_22, %dma_wait3A_83, %dma_wait3A_84] : memref<2x16x4x40x64xi32, #tpu.memory_space<hbm>> -> memref<1x1x1x40x64xi32, #tpu.memory_space<hbm>>
        %dma_wait3A_86 = tpu.memref_squeeze %dma_wait3A_85 : memref<1x1x1x40x64xi32, #tpu.memory_space<hbm>> -> memref<40x64xi32, #tpu.memory_space<hbm>>
        %dma_wait3A_87 = arith.constant 0 : i32
        %dma_wait3A_88 = arith.constant 0 : i32
        %dma_wait3A_89 = tpu.memref_slice %arg3[%arg0, %arg1, %add3A_22, %dma_wait3A_87, %dma_wait3A_88] : memref<2x16x4x40x64xi32, #tpu.memory_space<hbm>> -> memref<1x1x1x40x64xi32, #tpu.memory_space<hbm>>
        %dma_wait3A_90 = tpu.memref_squeeze %dma_wait3A_89 : memref<1x1x1x40x64xi32, #tpu.memory_space<hbm>> -> memref<40x64xi32, #tpu.memory_space<hbm>>
        tpu.wait_dma2 semaphore(%run_scoped3A : memref<!tpu.dma_semaphore, #tpu.memory_space<semaphore_mem>>) src(%dma_wait3A_90 : memref<40x64xi32, #tpu.memory_space<hbm>>) dst(%arg11 : memref<40x64xi32, #tpu.memory_space<vmem>>)
        tpu.yield
      }) : () -> ()
      "tpu.region"() ({
        %run_scoped3A = tpu.sem_alloc : memref<!tpu.dma_semaphore, #tpu.memory_space<semaphore_mem>>
        %dma_start3A_75 = arith.constant 0 : i32
        %dma_start3A_76 = arith.constant 0 : i32
        %dma_start3A_77 = tpu.memref_slice %arg4[%arg0, %arg1, %add3A_22, %dma_start3A_75, %dma_start3A_76] : memref<2x16x4x40x64xi32, #tpu.memory_space<hbm>> -> memref<1x1x1x40x64xi32, #tpu.memory_space<hbm>>
        %dma_start3A_78 = tpu.memref_squeeze %dma_start3A_77 : memref<1x1x1x40x64xi32, #tpu.memory_space<hbm>> -> memref<40x64xi32, #tpu.memory_space<hbm>>
        %dma_start3A_79 = arith.constant 0 : i32
        %dma_start3A_80 = arith.constant 0 : i32
        %dma_start3A_81 = tpu.memref_slice %arg4[%arg0, %arg1, %add3A_22, %dma_start3A_79, %dma_start3A_80] : memref<2x16x4x40x64xi32, #tpu.memory_space<hbm>> -> memref<1x1x1x40x64xi32, #tpu.memory_space<hbm>>
        %dma_start3A_82 = tpu.memref_squeeze %dma_start3A_81 : memref<1x1x1x40x64xi32, #tpu.memory_space<hbm>> -> memref<40x64xi32, #tpu.memory_space<hbm>>
        tpu.enqueue_dma source(%dma_start3A_82 : memref<40x64xi32, #tpu.memory_space<hbm>>) target(%arg12 : memref<40x64xi32, #tpu.memory_space<vmem>>) target_semaphore(%run_scoped3A : memref<!tpu.dma_semaphore, #tpu.memory_space<semaphore_mem>>)
        %dma_wait3A_83 = arith.constant 0 : i32
        %dma_wait3A_84 = arith.constant 0 : i32
        %dma_wait3A_85 = tpu.memref_slice %arg4[%arg0, %arg1, %add3A_22, %dma_wait3A_83, %dma_wait3A_84] : memref<2x16x4x40x64xi32, #tpu.memory_space<hbm>> -> memref<1x1x1x40x64xi32, #tpu.memory_space<hbm>>
        %dma_wait3A_86 = tpu.memref_squeeze %dma_wait3A_85 : memref<1x1x1x40x64xi32, #tpu.memory_space<hbm>> -> memref<40x64xi32, #tpu.memory_space<hbm>>
        %dma_wait3A_87 = arith.constant 0 : i32
        %dma_wait3A_88 = arith.constant 0 : i32
        %dma_wait3A_89 = tpu.memref_slice %arg4[%arg0, %arg1, %add3A_22, %dma_wait3A_87, %dma_wait3A_88] : memref<2x16x4x40x64xi32, #tpu.memory_space<hbm>> -> memref<1x1x1x40x64xi32, #tpu.memory_space<hbm>>
        %dma_wait3A_90 = tpu.memref_squeeze %dma_wait3A_89 : memref<1x1x1x40x64xi32, #tpu.memory_space<hbm>> -> memref<40x64xi32, #tpu.memory_space<hbm>>
        tpu.wait_dma2 semaphore(%run_scoped3A : memref<!tpu.dma_semaphore, #tpu.memory_space<semaphore_mem>>) src(%dma_wait3A_90 : memref<40x64xi32, #tpu.memory_space<hbm>>) dst(%arg12 : memref<40x64xi32, #tpu.memory_space<vmem>>)
        tpu.yield
      }) : () -> ()
      %dma_start3A = arith.constant 0 : i32
      %dma_start3A_23 = arith.constant 0 : i32
      %dma_start3A_24 = tpu.memref_slice %arg11[%dma_start3A, %dma_start3A_23] : memref<40x64xi32, #tpu.memory_space<vmem>> -> memref<1x64xi32, #tpu.memory_space<vmem>>
      %dma_start3A_25 = tpu.memref_squeeze %dma_start3A_24 : memref<1x64xi32, #tpu.memory_space<vmem>> -> memref<64xi32, #tpu.memory_space<vmem>>
      %dma_start3A_26 = arith.constant 0 : i32
      %dma_start3A_27 = arith.constant 0 : i32
      %dma_start3A_28 = tpu.memref_slice %arg2[%dma_start3A_26, %dma_start3A_27] : memref<10000x128xf32, #tpu.memory_space<hbm>> -> memref<10000x128xf32, #tpu.memory_space<hbm>>
      tpu.enqueue_indirect_dma source(%dma_start3A_28 : memref<10000x128xf32, #tpu.memory_space<hbm>>) target(%arg7 : memref<64x128xf32, #tpu.memory_space<vmem>>) offsets(%dma_start3A_25 : memref<64xi32, #tpu.memory_space<vmem>>) semaphore(%arg14 : memref<!tpu.dma_semaphore, #tpu.memory_space<semaphore_mem>>)
      %dma_start3A_29 = arith.constant 1 : i32
      %dma_start3A_30 = arith.constant 0 : i32
      %dma_start3A_31 = tpu.memref_slice %arg11[%dma_start3A_29, %dma_start3A_30] : memref<40x64xi32, #tpu.memory_space<vmem>> -> memref<1x64xi32, #tpu.memory_space<vmem>>
      %dma_start3A_32 = tpu.memref_squeeze %dma_start3A_31 : memref<1x64xi32, #tpu.memory_space<vmem>> -> memref<64xi32, #tpu.memory_space<vmem>>
      %dma_start3A_33 = arith.constant 0 : i32
      %dma_start3A_34 = arith.constant 0 : i32
      %dma_start3A_35 = tpu.memref_slice %arg2[%dma_start3A_33, %dma_start3A_34] : memref<10000x128xf32, #tpu.memory_space<hbm>> -> memref<10000x128xf32, #tpu.memory_space<hbm>>
      tpu.enqueue_indirect_dma source(%dma_start3A_35 : memref<10000x128xf32, #tpu.memory_space<hbm>>) target(%arg8 : memref<64x128xf32, #tpu.memory_space<vmem>>) offsets(%dma_start3A_32 : memref<64xi32, #tpu.memory_space<vmem>>) semaphore(%arg15 : memref<!tpu.dma_semaphore, #tpu.memory_space<semaphore_mem>>)
      %dma_start3A_36 = arith.constant 2 : i32
      %dma_start3A_37 = arith.constant 0 : i32
      %dma_start3A_38 = tpu.memref_slice %arg11[%dma_start3A_36, %dma_start3A_37] : memref<40x64xi32, #tpu.memory_space<vmem>> -> memref<1x64xi32, #tpu.memory_space<vmem>>
      %dma_start3A_39 = tpu.memref_squeeze %dma_start3A_38 : memref<1x64xi32, #tpu.memory_space<vmem>> -> memref<64xi32, #tpu.memory_space<vmem>>
      %dma_start3A_40 = arith.constant 0 : i32
      %dma_start3A_41 = arith.constant 0 : i32
      %dma_start3A_42 = tpu.memref_slice %arg2[%dma_start3A_40, %dma_start3A_41] : memref<10000x128xf32, #tpu.memory_space<hbm>> -> memref<10000x128xf32, #tpu.memory_space<hbm>>
      tpu.enqueue_indirect_dma source(%dma_start3A_42 : memref<10000x128xf32, #tpu.memory_space<hbm>>) target(%arg9 : memref<64x128xf32, #tpu.memory_space<vmem>>) offsets(%dma_start3A_39 : memref<64xi32, #tpu.memory_space<vmem>>) semaphore(%arg16 : memref<!tpu.dma_semaphore, #tpu.memory_space<semaphore_mem>>)
      %scan3A_43 = arith.constant 0 : i32
      %scan3A_44 = arith.constant 10 : i32
      %scan3A_45 = arith.addi %scan3A_43, %scan3A_44 : i32
      %scan3A_46 = arith.constant 1 : i32
      scf.for %scan3A_75 = %scan3A_43 to %scan3A_45 step %scan3A_46  : i32 {
        %mul3A_76 = arith.constant 1 : i32
        %mul3A_77 = arith.muli %scan3A_75, %mul3A_76 : i32
        %add3A_78 = arith.constant 0 : i32
        %add3A_79 = arith.addi %add3A_78, %mul3A_77 : i32
        %mul3A_80 = arith.constant 4 : i32
        %mul3A_81 = arith.muli %mul3A_80, %add3A_79 : i32
        %add3A_82 = arith.constant 0 : i32
        %add3A_83 = arith.addi %mul3A_81, %add3A_82 : i32
        %dma_wait3A_84 = arith.constant 0 : i32
        %dma_wait3A_85 = tpu.memref_slice %arg11[%add3A_83, %dma_wait3A_84] : memref<40x64xi32, #tpu.memory_space<vmem>> -> memref<1x64xi32, #tpu.memory_space<vmem>>
        %dma_wait3A_86 = tpu.memref_squeeze %dma_wait3A_85 : memref<1x64xi32, #tpu.memory_space<vmem>> -> memref<64xi32, #tpu.memory_space<vmem>>
        %dma_wait3A_87 = arith.constant 0 : i32
        %dma_wait3A_88 = arith.constant 0 : i32
        %dma_wait3A_89 = tpu.memref_slice %arg2[%dma_wait3A_87, %dma_wait3A_88] : memref<10000x128xf32, #tpu.memory_space<hbm>> -> memref<10000x128xf32, #tpu.memory_space<hbm>>
        tpu.wait_indirect_dma semaphore(%arg14 : memref<!tpu.dma_semaphore, #tpu.memory_space<semaphore_mem>>) src(%dma_wait3A_89 : memref<10000x128xf32, #tpu.memory_space<hbm>>) dst(%arg7 : memref<64x128xf32, #tpu.memory_space<vmem>>)
        %dma_start3A_90 = arith.constant 0 : i32
        %dma_start3A_91 = tpu.memref_slice %arg12[%add3A_83, %dma_start3A_90] : memref<40x64xi32, #tpu.memory_space<vmem>> -> memref<1x64xi32, #tpu.memory_space<vmem>>
        %dma_start3A_92 = tpu.memref_squeeze %dma_start3A_91 : memref<1x64xi32, #tpu.memory_space<vmem>> -> memref<64xi32, #tpu.memory_space<vmem>>
        %dma_start3A_93 = arith.constant 0 : i32
        %dma_start3A_94 = arith.constant 0 : i32
        %dma_start3A_95 = tpu.memref_slice %arg6[%dma_start3A_93, %dma_start3A_94] : memref<10240x128xf32, #tpu.memory_space<vmem_shared>> -> memref<10240x128xf32, #tpu.memory_space<vmem_shared>>
        tpu.enqueue_indirect_dma source(%arg7 : memref<64x128xf32, #tpu.memory_space<vmem>>) target(%dma_start3A_95 : memref<10240x128xf32, #tpu.memory_space<vmem_shared>>) offsets(%dma_start3A_92 : memref<64xi32, #tpu.memory_space<vmem>>) semaphore(%arg18 : memref<!tpu.dma_semaphore, #tpu.memory_space<semaphore_mem>>) {add = true}
        %add3A_96 = arith.constant 4 : i32
        %add3A_97 = arith.addi %add3A_83, %add3A_96 : i32
        %sub3A = arith.constant 1 : i32
        %sub3A_98 = arith.subi %add3A_97, %sub3A : i32
        %lt3A = arith.constant 40 : i32
        %lt3A_99 = arith.cmpi slt, %sub3A_98, %lt3A : i32
        %ge3A = arith.constant 1 : i32
        %ge3A_100 = arith.cmpi sge, %add3A_79, %ge3A : i32
        %and3A = arith.andi %lt3A_99, %ge3A_100 : i1
        %convert_element_type3A = arith.extui %and3A : i1 to i32
        %cond3A = arith.constant 0 : i32
        %cond3A_101 = arith.cmpi ne, %convert_element_type3A, %cond3A : i32
        scf.if %cond3A_101 {
          %dma_wait3A_183 = arith.constant 0 : i32
          %dma_wait3A_184 = arith.constant 0 : i32
          %dma_wait3A_185 = tpu.memref_slice %arg12[%dma_wait3A_183, %dma_wait3A_184] : memref<40x64xi32, #tpu.memory_space<vmem>> -> memref<1x64xi32, #tpu.memory_space<vmem>>
          %dma_wait3A_186 = tpu.memref_squeeze %dma_wait3A_185 : memref<1x64xi32, #tpu.memory_space<vmem>> -> memref<64xi32, #tpu.memory_space<vmem>>
          %dma_wait3A_187 = arith.constant 0 : i32
          %dma_wait3A_188 = arith.constant 0 : i32
          %dma_wait3A_189 = tpu.memref_slice %arg6[%dma_wait3A_187, %dma_wait3A_188] : memref<10240x128xf32, #tpu.memory_space<vmem_shared>> -> memref<10240x128xf32, #tpu.memory_space<vmem_shared>>
          tpu.wait_indirect_dma semaphore(%arg21 : memref<!tpu.dma_semaphore, #tpu.memory_space<semaphore_mem>>) src(%arg10 : memref<64x128xf32, #tpu.memory_space<vmem>>) dst(%dma_wait3A_189 : memref<10240x128xf32, #tpu.memory_space<vmem_shared>>)
        } else {
        }
        %convert_element_type3A_102 = arith.extui %lt3A_99 : i1 to i32
        %cond3A_103 = arith.constant 0 : i32
        %cond3A_104 = arith.cmpi ne, %convert_element_type3A_102, %cond3A_103 : i32
        scf.if %cond3A_104 {
          %dma_start3A_183 = arith.constant 0 : i32
          %dma_start3A_184 = tpu.memref_slice %arg11[%sub3A_98, %dma_start3A_183] : memref<40x64xi32, #tpu.memory_space<vmem>> -> memref<1x64xi32, #tpu.memory_space<vmem>>
          %dma_start3A_185 = tpu.memref_squeeze %dma_start3A_184 : memref<1x64xi32, #tpu.memory_space<vmem>> -> memref<64xi32, #tpu.memory_space<vmem>>
          %dma_start3A_186 = arith.constant 0 : i32
          %dma_start3A_187 = arith.constant 0 : i32
          %dma_start3A_188 = tpu.memref_slice %arg2[%dma_start3A_186, %dma_start3A_187] : memref<10000x128xf32, #tpu.memory_space<hbm>> -> memref<10000x128xf32, #tpu.memory_space<hbm>>
          tpu.enqueue_indirect_dma source(%dma_start3A_188 : memref<10000x128xf32, #tpu.memory_space<hbm>>) target(%arg10 : memref<64x128xf32, #tpu.memory_space<vmem>>) offsets(%dma_start3A_185 : memref<64xi32, #tpu.memory_space<vmem>>) semaphore(%arg17 : memref<!tpu.dma_semaphore, #tpu.memory_space<semaphore_mem>>)
        } else {
        }
        %add3A_105 = arith.constant 1 : i32
        %add3A_106 = arith.addi %mul3A_81, %add3A_105 : i32
        %dma_wait3A_107 = arith.constant 0 : i32
        %dma_wait3A_108 = tpu.memref_slice %arg11[%add3A_106, %dma_wait3A_107] : memref<40x64xi32, #tpu.memory_space<vmem>> -> memref<1x64xi32, #tpu.memory_space<vmem>>
        %dma_wait3A_109 = tpu.memref_squeeze %dma_wait3A_108 : memref<1x64xi32, #tpu.memory_space<vmem>> -> memref<64xi32, #tpu.memory_space<vmem>>
        %dma_wait3A_110 = arith.constant 0 : i32
        %dma_wait3A_111 = arith.constant 0 : i32
        %dma_wait3A_112 = tpu.memref_slice %arg2[%dma_wait3A_110, %dma_wait3A_111] : memref<10000x128xf32, #tpu.memory_space<hbm>> -> memref<10000x128xf32, #tpu.memory_space<hbm>>
        tpu.wait_indirect_dma semaphore(%arg15 : memref<!tpu.dma_semaphore, #tpu.memory_space<semaphore_mem>>) src(%dma_wait3A_112 : memref<10000x128xf32, #tpu.memory_space<hbm>>) dst(%arg8 : memref<64x128xf32, #tpu.memory_space<vmem>>)
        %dma_start3A_113 = arith.constant 0 : i32
        %dma_start3A_114 = tpu.memref_slice %arg12[%add3A_106, %dma_start3A_113] : memref<40x64xi32, #tpu.memory_space<vmem>> -> memref<1x64xi32, #tpu.memory_space<vmem>>
        %dma_start3A_115 = tpu.memref_squeeze %dma_start3A_114 : memref<1x64xi32, #tpu.memory_space<vmem>> -> memref<64xi32, #tpu.memory_space<vmem>>
        %dma_start3A_116 = arith.constant 0 : i32
        %dma_start3A_117 = arith.constant 0 : i32
        %dma_start3A_118 = tpu.memref_slice %arg6[%dma_start3A_116, %dma_start3A_117] : memref<10240x128xf32, #tpu.memory_space<vmem_shared>> -> memref<10240x128xf32, #tpu.memory_space<vmem_shared>>
        tpu.enqueue_indirect_dma source(%arg8 : memref<64x128xf32, #tpu.memory_space<vmem>>) target(%dma_start3A_118 : memref<10240x128xf32, #tpu.memory_space<vmem_shared>>) offsets(%dma_start3A_115 : memref<64xi32, #tpu.memory_space<vmem>>) semaphore(%arg19 : memref<!tpu.dma_semaphore, #tpu.memory_space<semaphore_mem>>) {add = true}
        %add3A_119 = arith.constant 4 : i32
        %add3A_120 = arith.addi %add3A_106, %add3A_119 : i32
        %sub3A_121 = arith.constant 1 : i32
        %sub3A_122 = arith.subi %add3A_120, %sub3A_121 : i32
        %lt3A_123 = arith.constant 40 : i32
        %lt3A_124 = arith.cmpi slt, %sub3A_122, %lt3A_123 : i32
        %convert_element_type3A_125 = arith.extui %lt3A_124 : i1 to i32
        %cond3A_126 = arith.constant 0 : i32
        %cond3A_127 = arith.cmpi ne, %convert_element_type3A_125, %cond3A_126 : i32
        scf.if %cond3A_127 {
          %dma_wait3A_183 = arith.constant 0 : i32
          %dma_wait3A_184 = arith.constant 0 : i32
          %dma_wait3A_185 = tpu.memref_slice %arg12[%dma_wait3A_183, %dma_wait3A_184] : memref<40x64xi32, #tpu.memory_space<vmem>> -> memref<1x64xi32, #tpu.memory_space<vmem>>
          %dma_wait3A_186 = tpu.memref_squeeze %dma_wait3A_185 : memref<1x64xi32, #tpu.memory_space<vmem>> -> memref<64xi32, #tpu.memory_space<vmem>>
          %dma_wait3A_187 = arith.constant 0 : i32
          %dma_wait3A_188 = arith.constant 0 : i32
          %dma_wait3A_189 = tpu.memref_slice %arg6[%dma_wait3A_187, %dma_wait3A_188] : memref<10240x128xf32, #tpu.memory_space<vmem_shared>> -> memref<10240x128xf32, #tpu.memory_space<vmem_shared>>
          tpu.wait_indirect_dma semaphore(%arg18 : memref<!tpu.dma_semaphore, #tpu.memory_space<semaphore_mem>>) src(%arg7 : memref<64x128xf32, #tpu.memory_space<vmem>>) dst(%dma_wait3A_189 : memref<10240x128xf32, #tpu.memory_space<vmem_shared>>)
        } else {
        }
        %convert_element_type3A_128 = arith.extui %lt3A_124 : i1 to i32
        %cond3A_129 = arith.constant 0 : i32
        %cond3A_130 = arith.cmpi ne, %convert_element_type3A_128, %cond3A_129 : i32
        scf.if %cond3A_130 {
          %dma_start3A_183 = arith.constant 0 : i32
          %dma_start3A_184 = tpu.memref_slice %arg11[%sub3A_122, %dma_start3A_183] : memref<40x64xi32, #tpu.memory_space<vmem>> -> memref<1x64xi32, #tpu.memory_space<vmem>>
          %dma_start3A_185 = tpu.memref_squeeze %dma_start3A_184 : memref<1x64xi32, #tpu.memory_space<vmem>> -> memref<64xi32, #tpu.memory_space<vmem>>
          %dma_start3A_186 = arith.constant 0 : i32
          %dma_start3A_187 = arith.constant 0 : i32
          %dma_start3A_188 = tpu.memref_slice %arg2[%dma_start3A_186, %dma_start3A_187] : memref<10000x128xf32, #tpu.memory_space<hbm>> -> memref<10000x128xf32, #tpu.memory_space<hbm>>
          tpu.enqueue_indirect_dma source(%dma_start3A_188 : memref<10000x128xf32, #tpu.memory_space<hbm>>) target(%arg7 : memref<64x128xf32, #tpu.memory_space<vmem>>) offsets(%dma_start3A_185 : memref<64xi32, #tpu.memory_space<vmem>>) semaphore(%arg14 : memref<!tpu.dma_semaphore, #tpu.memory_space<semaphore_mem>>)
        } else {
        }
        %add3A_131 = arith.constant 2 : i32
        %add3A_132 = arith.addi %mul3A_81, %add3A_131 : i32
        %dma_wait3A_133 = arith.constant 0 : i32
        %dma_wait3A_134 = tpu.memref_slice %arg11[%add3A_132, %dma_wait3A_133] : memref<40x64xi32, #tpu.memory_space<vmem>> -> memref<1x64xi32, #tpu.memory_space<vmem>>
        %dma_wait3A_135 = tpu.memref_squeeze %dma_wait3A_134 : memref<1x64xi32, #tpu.memory_space<vmem>> -> memref<64xi32, #tpu.memory_space<vmem>>
        %dma_wait3A_136 = arith.constant 0 : i32
        %dma_wait3A_137 = arith.constant 0 : i32
        %dma_wait3A_138 = tpu.memref_slice %arg2[%dma_wait3A_136, %dma_wait3A_137] : memref<10000x128xf32, #tpu.memory_space<hbm>> -> memref<10000x128xf32, #tpu.memory_space<hbm>>
        tpu.wait_indirect_dma semaphore(%arg16 : memref<!tpu.dma_semaphore, #tpu.memory_space<semaphore_mem>>) src(%dma_wait3A_138 : memref<10000x128xf32, #tpu.memory_space<hbm>>) dst(%arg9 : memref<64x128xf32, #tpu.memory_space<vmem>>)
        %dma_start3A_139 = arith.constant 0 : i32
        %dma_start3A_140 = tpu.memref_slice %arg12[%add3A_132, %dma_start3A_139] : memref<40x64xi32, #tpu.memory_space<vmem>> -> memref<1x64xi32, #tpu.memory_space<vmem>>
        %dma_start3A_141 = tpu.memref_squeeze %dma_start3A_140 : memref<1x64xi32, #tpu.memory_space<vmem>> -> memref<64xi32, #tpu.memory_space<vmem>>
        %dma_start3A_142 = arith.constant 0 : i32
        %dma_start3A_143 = arith.constant 0 : i32
        %dma_start3A_144 = tpu.memref_slice %arg6[%dma_start3A_142, %dma_start3A_143] : memref<10240x128xf32, #tpu.memory_space<vmem_shared>> -> memref<10240x128xf32, #tpu.memory_space<vmem_shared>>
        tpu.enqueue_indirect_dma source(%arg9 : memref<64x128xf32, #tpu.memory_space<vmem>>) target(%dma_start3A_144 : memref<10240x128xf32, #tpu.memory_space<vmem_shared>>) offsets(%dma_start3A_141 : memref<64xi32, #tpu.memory_space<vmem>>) semaphore(%arg20 : memref<!tpu.dma_semaphore, #tpu.memory_space<semaphore_mem>>) {add = true}
        %add3A_145 = arith.constant 4 : i32
        %add3A_146 = arith.addi %add3A_132, %add3A_145 : i32
        %sub3A_147 = arith.constant 1 : i32
        %sub3A_148 = arith.subi %add3A_146, %sub3A_147 : i32
        %lt3A_149 = arith.constant 40 : i32
        %lt3A_150 = arith.cmpi slt, %sub3A_148, %lt3A_149 : i32
        %convert_element_type3A_151 = arith.extui %lt3A_150 : i1 to i32
        %cond3A_152 = arith.constant 0 : i32
        %cond3A_153 = arith.cmpi ne, %convert_element_type3A_151, %cond3A_152 : i32
        scf.if %cond3A_153 {
          %dma_wait3A_183 = arith.constant 0 : i32
          %dma_wait3A_184 = arith.constant 0 : i32
          %dma_wait3A_185 = tpu.memref_slice %arg12[%dma_wait3A_183, %dma_wait3A_184] : memref<40x64xi32, #tpu.memory_space<vmem>> -> memref<1x64xi32, #tpu.memory_space<vmem>>
          %dma_wait3A_186 = tpu.memref_squeeze %dma_wait3A_185 : memref<1x64xi32, #tpu.memory_space<vmem>> -> memref<64xi32, #tpu.memory_space<vmem>>
          %dma_wait3A_187 = arith.constant 0 : i32
          %dma_wait3A_188 = arith.constant 0 : i32
          %dma_wait3A_189 = tpu.memref_slice %arg6[%dma_wait3A_187, %dma_wait3A_188] : memref<10240x128xf32, #tpu.memory_space<vmem_shared>> -> memref<10240x128xf32, #tpu.memory_space<vmem_shared>>
          tpu.wait_indirect_dma semaphore(%arg19 : memref<!tpu.dma_semaphore, #tpu.memory_space<semaphore_mem>>) src(%arg8 : memref<64x128xf32, #tpu.memory_space<vmem>>) dst(%dma_wait3A_189 : memref<10240x128xf32, #tpu.memory_space<vmem_shared>>)
        } else {
        }
        %convert_element_type3A_154 = arith.extui %lt3A_150 : i1 to i32
        %cond3A_155 = arith.constant 0 : i32
        %cond3A_156 = arith.cmpi ne, %convert_element_type3A_154, %cond3A_155 : i32
        scf.if %cond3A_156 {
          %dma_start3A_183 = arith.constant 0 : i32
          %dma_start3A_184 = tpu.memref_slice %arg11[%sub3A_148, %dma_start3A_183] : memref<40x64xi32, #tpu.memory_space<vmem>> -> memref<1x64xi32, #tpu.memory_space<vmem>>
          %dma_start3A_185 = tpu.memref_squeeze %dma_start3A_184 : memref<1x64xi32, #tpu.memory_space<vmem>> -> memref<64xi32, #tpu.memory_space<vmem>>
          %dma_start3A_186 = arith.constant 0 : i32
          %dma_start3A_187 = arith.constant 0 : i32
          %dma_start3A_188 = tpu.memref_slice %arg2[%dma_start3A_186, %dma_start3A_187] : memref<10000x128xf32, #tpu.memory_space<hbm>> -> memref<10000x128xf32, #tpu.memory_space<hbm>>
          tpu.enqueue_indirect_dma source(%dma_start3A_188 : memref<10000x128xf32, #tpu.memory_space<hbm>>) target(%arg8 : memref<64x128xf32, #tpu.memory_space<vmem>>) offsets(%dma_start3A_185 : memref<64xi32, #tpu.memory_space<vmem>>) semaphore(%arg15 : memref<!tpu.dma_semaphore, #tpu.memory_space<semaphore_mem>>)
        } else {
        }
        %add3A_157 = arith.constant 3 : i32
        %add3A_158 = arith.addi %mul3A_81, %add3A_157 : i32
        %dma_wait3A_159 = arith.constant 0 : i32
        %dma_wait3A_160 = tpu.memref_slice %arg11[%add3A_158, %dma_wait3A_159] : memref<40x64xi32, #tpu.memory_space<vmem>> -> memref<1x64xi32, #tpu.memory_space<vmem>>
        %dma_wait3A_161 = tpu.memref_squeeze %dma_wait3A_160 : memref<1x64xi32, #tpu.memory_space<vmem>> -> memref<64xi32, #tpu.memory_space<vmem>>
        %dma_wait3A_162 = arith.constant 0 : i32
        %dma_wait3A_163 = arith.constant 0 : i32
        %dma_wait3A_164 = tpu.memref_slice %arg2[%dma_wait3A_162, %dma_wait3A_163] : memref<10000x128xf32, #tpu.memory_space<hbm>> -> memref<10000x128xf32, #tpu.memory_space<hbm>>
        tpu.wait_indirect_dma semaphore(%arg17 : memref<!tpu.dma_semaphore, #tpu.memory_space<semaphore_mem>>) src(%dma_wait3A_164 : memref<10000x128xf32, #tpu.memory_space<hbm>>) dst(%arg10 : memref<64x128xf32, #tpu.memory_space<vmem>>)
        %dma_start3A_165 = arith.constant 0 : i32
        %dma_start3A_166 = tpu.memref_slice %arg12[%add3A_158, %dma_start3A_165] : memref<40x64xi32, #tpu.memory_space<vmem>> -> memref<1x64xi32, #tpu.memory_space<vmem>>
        %dma_start3A_167 = tpu.memref_squeeze %dma_start3A_166 : memref<1x64xi32, #tpu.memory_space<vmem>> -> memref<64xi32, #tpu.memory_space<vmem>>
        %dma_start3A_168 = arith.constant 0 : i32
        %dma_start3A_169 = arith.constant 0 : i32
        %dma_start3A_170 = tpu.memref_slice %arg6[%dma_start3A_168, %dma_start3A_169] : memref<10240x128xf32, #tpu.memory_space<vmem_shared>> -> memref<10240x128xf32, #tpu.memory_space<vmem_shared>>
        tpu.enqueue_indirect_dma source(%arg10 : memref<64x128xf32, #tpu.memory_space<vmem>>) target(%dma_start3A_170 : memref<10240x128xf32, #tpu.memory_space<vmem_shared>>) offsets(%dma_start3A_167 : memref<64xi32, #tpu.memory_space<vmem>>) semaphore(%arg21 : memref<!tpu.dma_semaphore, #tpu.memory_space<semaphore_mem>>) {add = true}
        %add3A_171 = arith.constant 4 : i32
        %add3A_172 = arith.addi %add3A_158, %add3A_171 : i32
        %sub3A_173 = arith.constant 1 : i32
        %sub3A_174 = arith.subi %add3A_172, %sub3A_173 : i32
        %lt3A_175 = arith.constant 40 : i32
        %lt3A_176 = arith.cmpi slt, %sub3A_174, %lt3A_175 : i32
        %convert_element_type3A_177 = arith.extui %lt3A_176 : i1 to i32
        %cond3A_178 = arith.constant 0 : i32
        %cond3A_179 = arith.cmpi ne, %convert_element_type3A_177, %cond3A_178 : i32
        scf.if %cond3A_179 {
          %dma_wait3A_183 = arith.constant 0 : i32
          %dma_wait3A_184 = arith.constant 0 : i32
          %dma_wait3A_185 = tpu.memref_slice %arg12[%dma_wait3A_183, %dma_wait3A_184] : memref<40x64xi32, #tpu.memory_space<vmem>> -> memref<1x64xi32, #tpu.memory_space<vmem>>
          %dma_wait3A_186 = tpu.memref_squeeze %dma_wait3A_185 : memref<1x64xi32, #tpu.memory_space<vmem>> -> memref<64xi32, #tpu.memory_space<vmem>>
          %dma_wait3A_187 = arith.constant 0 : i32
          %dma_wait3A_188 = arith.constant 0 : i32
          %dma_wait3A_189 = tpu.memref_slice %arg6[%dma_wait3A_187, %dma_wait3A_188] : memref<10240x128xf32, #tpu.memory_space<vmem_shared>> -> memref<10240x128xf32, #tpu.memory_space<vmem_shared>>
          tpu.wait_indirect_dma semaphore(%arg20 : memref<!tpu.dma_semaphore, #tpu.memory_space<semaphore_mem>>) src(%arg9 : memref<64x128xf32, #tpu.memory_space<vmem>>) dst(%dma_wait3A_189 : memref<10240x128xf32, #tpu.memory_space<vmem_shared>>)
        } else {
        }
        %convert_element_type3A_180 = arith.extui %lt3A_176 : i1 to i32
        %cond3A_181 = arith.constant 0 : i32
        %cond3A_182 = arith.cmpi ne, %convert_element_type3A_180, %cond3A_181 : i32
        scf.if %cond3A_182 {
          %dma_start3A_183 = arith.constant 0 : i32
          %dma_start3A_184 = tpu.memref_slice %arg11[%sub3A_174, %dma_start3A_183] : memref<40x64xi32, #tpu.memory_space<vmem>> -> memref<1x64xi32, #tpu.memory_space<vmem>>
          %dma_start3A_185 = tpu.memref_squeeze %dma_start3A_184 : memref<1x64xi32, #tpu.memory_space<vmem>> -> memref<64xi32, #tpu.memory_space<vmem>>
          %dma_start3A_186 = arith.constant 0 : i32
          %dma_start3A_187 = arith.constant 0 : i32
          %dma_start3A_188 = tpu.memref_slice %arg2[%dma_start3A_186, %dma_start3A_187] : memref<10000x128xf32, #tpu.memory_space<hbm>> -> memref<10000x128xf32, #tpu.memory_space<hbm>>
          tpu.enqueue_indirect_dma source(%dma_start3A_188 : memref<10000x128xf32, #tpu.memory_space<hbm>>) target(%arg9 : memref<64x128xf32, #tpu.memory_space<vmem>>) offsets(%dma_start3A_185 : memref<64xi32, #tpu.memory_space<vmem>>) semaphore(%arg16 : memref<!tpu.dma_semaphore, #tpu.memory_space<semaphore_mem>>)
        } else {
        }
      }
      %scan3A_47 = arith.constant 10 : i32
      %dma_wait3A = arith.constant 0 : i32
      %dma_wait3A_48 = arith.constant 0 : i32
      %dma_wait3A_49 = tpu.memref_slice %arg12[%dma_wait3A, %dma_wait3A_48] : memref<40x64xi32, #tpu.memory_space<vmem>> -> memref<1x64xi32, #tpu.memory_space<vmem>>
      %dma_wait3A_50 = tpu.memref_squeeze %dma_wait3A_49 : memref<1x64xi32, #tpu.memory_space<vmem>> -> memref<64xi32, #tpu.memory_space<vmem>>
      %dma_wait3A_51 = arith.constant 0 : i32
      %dma_wait3A_52 = arith.constant 0 : i32
      %dma_wait3A_53 = tpu.memref_slice %arg6[%dma_wait3A_51, %dma_wait3A_52] : memref<10240x128xf32, #tpu.memory_space<vmem_shared>> -> memref<10240x128xf32, #tpu.memory_space<vmem_shared>>
      tpu.wait_indirect_dma semaphore(%arg18 : memref<!tpu.dma_semaphore, #tpu.memory_space<semaphore_mem>>) src(%arg7 : memref<64x128xf32, #tpu.memory_space<vmem>>) dst(%dma_wait3A_53 : memref<10240x128xf32, #tpu.memory_space<vmem_shared>>)
      %dma_wait3A_54 = arith.constant 0 : i32
      %dma_wait3A_55 = arith.constant 0 : i32
      %dma_wait3A_56 = tpu.memref_slice %arg12[%dma_wait3A_54, %dma_wait3A_55] : memref<40x64xi32, #tpu.memory_space<vmem>> -> memref<1x64xi32, #tpu.memory_space<vmem>>
      %dma_wait3A_57 = tpu.memref_squeeze %dma_wait3A_56 : memref<1x64xi32, #tpu.memory_space<vmem>> -> memref<64xi32, #tpu.memory_space<vmem>>
      %dma_wait3A_58 = arith.constant 0 : i32
      %dma_wait3A_59 = arith.constant 0 : i32
      %dma_wait3A_60 = tpu.memref_slice %arg6[%dma_wait3A_58, %dma_wait3A_59] : memref<10240x128xf32, #tpu.memory_space<vmem_shared>> -> memref<10240x128xf32, #tpu.memory_space<vmem_shared>>
      tpu.wait_indirect_dma semaphore(%arg19 : memref<!tpu.dma_semaphore, #tpu.memory_space<semaphore_mem>>) src(%arg8 : memref<64x128xf32, #tpu.memory_space<vmem>>) dst(%dma_wait3A_60 : memref<10240x128xf32, #tpu.memory_space<vmem_shared>>)
      %dma_wait3A_61 = arith.constant 0 : i32
      %dma_wait3A_62 = arith.constant 0 : i32
      %dma_wait3A_63 = tpu.memref_slice %arg12[%dma_wait3A_61, %dma_wait3A_62] : memref<40x64xi32, #tpu.memory_space<vmem>> -> memref<1x64xi32, #tpu.memory_space<vmem>>
      %dma_wait3A_64 = tpu.memref_squeeze %dma_wait3A_63 : memref<1x64xi32, #tpu.memory_space<vmem>> -> memref<64xi32, #tpu.memory_space<vmem>>
      %dma_wait3A_65 = arith.constant 0 : i32
      %dma_wait3A_66 = arith.constant 0 : i32
      %dma_wait3A_67 = tpu.memref_slice %arg6[%dma_wait3A_65, %dma_wait3A_66] : memref<10240x128xf32, #tpu.memory_space<vmem_shared>> -> memref<10240x128xf32, #tpu.memory_space<vmem_shared>>
      tpu.wait_indirect_dma semaphore(%arg20 : memref<!tpu.dma_semaphore, #tpu.memory_space<semaphore_mem>>) src(%arg9 : memref<64x128xf32, #tpu.memory_space<vmem>>) dst(%dma_wait3A_67 : memref<10240x128xf32, #tpu.memory_space<vmem_shared>>)
      %dma_wait3A_68 = arith.constant 0 : i32
      %dma_wait3A_69 = arith.constant 0 : i32
      %dma_wait3A_70 = tpu.memref_slice %arg12[%dma_wait3A_68, %dma_wait3A_69] : memref<40x64xi32, #tpu.memory_space<vmem>> -> memref<1x64xi32, #tpu.memory_space<vmem>>
      %dma_wait3A_71 = tpu.memref_squeeze %dma_wait3A_70 : memref<1x64xi32, #tpu.memory_space<vmem>> -> memref<64xi32, #tpu.memory_space<vmem>>
      %dma_wait3A_72 = arith.constant 0 : i32
      %dma_wait3A_73 = arith.constant 0 : i32
      %dma_wait3A_74 = tpu.memref_slice %arg6[%dma_wait3A_72, %dma_wait3A_73] : memref<10240x128xf32, #tpu.memory_space<vmem_shared>> -> memref<10240x128xf32, #tpu.memory_space<vmem_shared>>
      tpu.wait_indirect_dma semaphore(%arg21 : memref<!tpu.dma_semaphore, #tpu.memory_space<semaphore_mem>>) src(%arg10 : memref<64x128xf32, #tpu.memory_space<vmem>>) dst(%dma_wait3A_74 : memref<10240x128xf32, #tpu.memory_space<vmem_shared>>)
    }
    %scan3A_14 = arith.constant 4 : i32
    %barrier3A_15 = arith.constant 0 : index
    tpu.barrier barrier_id(%barrier3A_15)
    %mul3A = arith.constant 640 : i32
    %mul3A_16 = arith.muli %arg1, %mul3A : i32
    %mul3A_17 = arith.constant 640 : i32
    %mul3A_18 = arith.muli %arg1, %mul3A_17 : i32
    "tpu.region"() ({
      %run_scoped3A = tpu.sem_alloc : memref<!tpu.dma_semaphore, #tpu.memory_space<semaphore_mem>>
      %dma_start3A = arith.constant 0 : i32
      %dma_start3A_19 = tpu.memref_slice %arg5[%arg0, %mul3A_18, %dma_start3A] : memref<2x10240x128xf32, #tpu.memory_space<hbm>> -> memref<1x640x128xf32, #tpu.memory_space<hbm>>
      %dma_start3A_20 = tpu.memref_squeeze %dma_start3A_19 : memref<1x640x128xf32, #tpu.memory_space<hbm>> -> memref<640x128xf32, #tpu.memory_space<hbm>>
      %dma_start3A_21 = arith.constant 0 : i32
      %dma_start3A_22 = tpu.memref_slice %arg6[%mul3A_16, %dma_start3A_21] : memref<10240x128xf32, #tpu.memory_space<vmem_shared>> -> memref<640x128xf32, #tpu.memory_space<vmem_shared>>
      tpu.enqueue_dma source(%dma_start3A_22 : memref<640x128xf32, #tpu.memory_space<vmem_shared>>) target(%dma_start3A_20 : memref<640x128xf32, #tpu.memory_space<hbm>>) target_semaphore(%run_scoped3A : memref<!tpu.dma_semaphore, #tpu.memory_space<semaphore_mem>>)
      %dma_wait3A = arith.constant 0 : i32
      %dma_wait3A_23 = tpu.memref_slice %arg5[%arg0, %mul3A_18, %dma_wait3A] : memref<2x10240x128xf32, #tpu.memory_space<hbm>> -> memref<1x640x128xf32, #tpu.memory_space<hbm>>
      %dma_wait3A_24 = tpu.memref_squeeze %dma_wait3A_23 : memref<1x640x128xf32, #tpu.memory_space<hbm>> -> memref<640x128xf32, #tpu.memory_space<hbm>>
      %dma_wait3A_25 = arith.constant 0 : i32
      %dma_wait3A_26 = tpu.memref_slice %arg6[%mul3A_16, %dma_wait3A_25] : memref<10240x128xf32, #tpu.memory_space<vmem_shared>> -> memref<640x128xf32, #tpu.memory_space<vmem_shared>>
      tpu.wait_dma2 semaphore(%run_scoped3A : memref<!tpu.dma_semaphore, #tpu.memory_space<semaphore_mem>>) src(%dma_wait3A_26 : memref<640x128xf32, #tpu.memory_space<vmem_shared>>) dst(%dma_wait3A_24 : memref<640x128xf32, #tpu.memory_space<hbm>>)
      tpu.yield
    }) : () -> ()
    return
  }
}

#map = affine_map<(d0, d1) -> (0, 0)>
#map1 = affine_map<(d0, d1) -> (0, 0, 0, 0, 0)>
#map2 = affine_map<(d0, d1) -> (0, 0, 0)>
module attributes {stable_mosaic.version = 14 : i64} {
  func.func @k(%arg0: i32, %arg1: i32, %arg2: memref<10000x128xf32, #tpu.memory_space<hbm>>, %arg3: memref<2x16x4x40x64xi32, #tpu.memory_space<hbm>>, %arg4: memref<2x16x4x40x64xi32, #tpu.memory_space<hbm>>, %arg5: memref<2x10240x128xf32, #tpu.memory_space<hbm>>, %arg6: memref<10240x128xf32, #tpu.memory_space<vmem_shared>>, %arg7: memref<64x128xf32, #tpu.memory_space<vmem>>, %arg8: memref<64x128xf32, #tpu.memory_space<vmem>>, %arg9: memref<64x128xf32, #tpu.memory_space<vmem>>, %arg10: memref<64x128xf32, #tpu.memory_space<vmem>>, %arg11: memref<40x64xi32, #tpu.memory_space<vmem>>, %arg12: memref<40x64xi32, #tpu.memory_space<vmem>>, %arg13: memref<16x128xf32, #tpu.memory_space<vmem>>, %arg14: memref<!tpu.dma_semaphore, #tpu.memory_space<semaphore_mem>>, %arg15: memref<!tpu.dma_semaphore, #tpu.memory_space<semaphore_mem>>, %arg16: memref<!tpu.dma_semaphore, #tpu.memory_space<semaphore_mem>>, %arg17: memref<!tpu.dma_semaphore, #tpu.memory_space<semaphore_mem>>, %arg18: memref<!tpu.dma_semaphore, #tpu.memory_space<semaphore_mem>>, %arg19: memref<!tpu.dma_semaphore, #tpu.memory_space<semaphore_mem>>, %arg20: memref<!tpu.dma_semaphore, #tpu.memory_space<semaphore_mem>>, %arg21: memref<!tpu.dma_semaphore, #tpu.memory_space<semaphore_mem>>) attributes {dimension_semantics = [#tpu.dimension_semantics<core_parallel>, #tpu.dimension_semantics<subcore_parallel>], iteration_bounds = array<i64: 2, 16>, scalar_prefetch = 0 : i64, scratch_operands = 16 : i64, tpu.core_type = #tpu.core_type<sc_vector_subcore>, window_params = [{transform_indices = #map}, {transform_indices = #map1}, {transform_indices = #map1}, {transform_indices = #map2}]} {
    %broadcast_in_dim3A = arith.constant 0.000000e+00 : f32
    %broadcast_in_dim3A_0 = vector.broadcast %broadcast_in_dim3A : f32 to vector<16xf32>
    %scan3A = arith.constant 0 : i32
    %scan3A_1 = arith.constant 16 : i32
    %scan3A_2 = arith.addi %scan3A, %scan3A_1 : i32
    %scan3A_3 = arith.constant 1 : i32
    scf.for %scan3A_19 = %scan3A to %scan3A_2 step %scan3A_3  : i32 {
      %mul3A_20 = arith.constant 1 : i32
      %mul3A_21 = arith.muli %scan3A_19, %mul3A_20 : i32
      %add3A = arith.constant 0 : i32
      %add3A_22 = arith.addi %add3A, %mul3A_21 : i32
      %scan3A_23 = arith.constant 0 : i32
      %scan3A_24 = arith.constant 8 : i32
      %scan3A_25 = arith.addi %scan3A_23, %scan3A_24 : i32
      %scan3A_26 = arith.constant 1 : i32
      scf.for %scan3A_28 = %scan3A_23 to %scan3A_25 step %scan3A_26  : i32 {
        %mul3A_29 = arith.constant 16 : i32
        %mul3A_30 = arith.muli %scan3A_28, %mul3A_29 : i32
        %add3A_31 = arith.constant 0 : i32
        %add3A_32 = arith.addi %add3A_31, %mul3A_30 : i32
        %swap3A = arith.index_cast %add3A_22 : i32 to index
        %swap3A_33 = arith.index_cast %add3A_32 : i32 to index
        %swap3A_34 = tpu.vector_load %arg13[%swap3A, %swap3A_33] {strides = array<i32>} : memref<16x128xf32, #tpu.memory_space<vmem>>, vector<1x16xf32>,
        %swap3A_35 = vector.shape_cast %swap3A_34 : vector<1x16xf32> to vector<16xf32>
        %swap3A_36 = vector.shape_cast %broadcast_in_dim3A_0 : vector<16xf32> to vector<1x16xf32>
        tpu.vector_store %arg13[%swap3A, %swap3A_33], %swap3A_36 {strides = array<i32>} : memref<16x128xf32, #tpu.memory_space<vmem>>, vector<1x16xf32>,
      }
      %scan3A_27 = arith.constant 8 : i32
    }
    %scan3A_4 = arith.constant 16 : i32
    %scan3A_5 = arith.constant 0 : i32
    %scan3A_6 = arith.constant 40 : i32
    %scan3A_7 = arith.addi %scan3A_5, %scan3A_6 : i32
    %scan3A_8 = arith.constant 1 : i32
    scf.for %scan3A_19 = %scan3A_5 to %scan3A_7 step %scan3A_8  : i32 {
      %mul3A_20 = arith.constant 16 : i32
      %mul3A_21 = arith.muli %scan3A_19, %mul3A_20 : i32
      %add3A = arith.constant 0 : i32
      %add3A_22 = arith.addi %add3A, %mul3A_21 : i32
      %mul3A_23 = arith.constant 640 : i32
      %mul3A_24 = arith.muli %arg1, %mul3A_23 : i32
      %add3A_25 = arith.addi %mul3A_24, %add3A_22 : i32
      "tpu.region"() ({
        %run_scoped3A = tpu.sem_alloc : memref<!tpu.dma_semaphore, #tpu.memory_space<semaphore_mem>>
        %dma_start3A = arith.constant 0 : i32
        %dma_start3A_26 = tpu.memref_slice %arg6[%add3A_25, %dma_start3A] : memref<10240x128xf32, #tpu.memory_space<vmem_shared>> -> memref<16x128xf32, #tpu.memory_space<vmem_shared>>
        %dma_start3A_27 = arith.constant 0 : i32
        %dma_start3A_28 = tpu.memref_slice %arg6[%add3A_25, %dma_start3A_27] : memref<10240x128xf32, #tpu.memory_space<vmem_shared>> -> memref<16x128xf32, #tpu.memory_space<vmem_shared>>
        tpu.enqueue_dma source(%arg13 : memref<16x128xf32, #tpu.memory_space<vmem>>) target(%dma_start3A_28 : memref<16x128xf32, #tpu.memory_space<vmem_shared>>) target_semaphore(%run_scoped3A : memref<!tpu.dma_semaphore, #tpu.memory_space<semaphore_mem>>)
        %dma_wait3A = arith.constant 0 : i32
        %dma_wait3A_29 = tpu.memref_slice %arg6[%add3A_25, %dma_wait3A] : memref<10240x128xf32, #tpu.memory_space<vmem_shared>> -> memref<16x128xf32, #tpu.memory_space<vmem_shared>>
        %dma_wait3A_30 = arith.constant 0 : i32
        %dma_wait3A_31 = tpu.memref_slice %arg6[%add3A_25, %dma_wait3A_30] : memref<10240x128xf32, #tpu.memory_space<vmem_shared>> -> memref<16x128xf32, #tpu.memory_space<vmem_shared>>
        tpu.wait_dma2 semaphore(%run_scoped3A : memref<!tpu.dma_semaphore, #tpu.memory_space<semaphore_mem>>) src(%arg13 : memref<16x128xf32, #tpu.memory_space<vmem>>) dst(%dma_wait3A_31 : memref<16x128xf32, #tpu.memory_space<vmem_shared>>)
        tpu.yield
      }) : () -> ()
    }
    %scan3A_9 = arith.constant 40 : i32
    %barrier3A = arith.constant 0 : index
    tpu.barrier barrier_id(%barrier3A)
    %scan3A_10 = arith.constant 0 : i32
    %scan3A_11 = arith.constant 4 : i32
    %scan3A_12 = arith.addi %scan3A_10, %scan3A_11 : i32
    %scan3A_13 = arith.constant 1 : i32
    scf.for %scan3A_19 = %scan3A_10 to %scan3A_12 step %scan3A_13  : i32 {
      %mul3A_20 = arith.constant 1 : i32
      %mul3A_21 = arith.muli %scan3A_19, %mul3A_20 : i32
      %add3A = arith.constant 0 : i32
      %add3A_22 = arith.addi %add3A, %mul3A_21 : i32
      "tpu.region"() ({
        %run_scoped3A = tpu.sem_alloc : memref<!tpu.dma_semaphore, #tpu.memory_space<semaphore_mem>>
        %dma_start3A_75 = arith.constant 0 : i32
        %dma_start3A_76 = arith.constant 0 : i32
        %dma_start3A_77 = tpu.memref_slice %arg3[%arg0, %arg1, %add3A_22, %dma_start3A_75, %dma_start3A_76] : memref<2x16x4x40x64xi32, #tpu.memory_space<hbm>> -> memref<1x1x1x40x64xi32, #tpu.memory_space<hbm>>
        %dma_start3A_78 = tpu.memref_squeeze %dma_start3A_77 : memref<1x1x1x40x64xi32, #tpu.memory_space<hbm>> -> memref<40x64xi32, #tpu.memory_space<hbm>>
        %dma_start3A_79 = arith.constant 0 : i32
        %dma_start3A_80 = arith.constant 0 : i32
        %dma_start3A_81 = tpu.memref_slice %arg3[%arg0, %arg1, %add3A_22, %dma_start3A_79, %dma_start3A_80] : memref<2x16x4x40x64xi32, #tpu.memory_space<hbm>> -> memref<1x1x1x40x64xi32, #tpu.memory_space<hbm>>
        %dma_start3A_82 = tpu.memref_squeeze %dma_start3A_81 : memref<1x1x1x40x64xi32, #tpu.memory_space<hbm>> -> memref<40x64xi32, #tpu.memory_space<hbm>>
        tpu.enqueue_dma source(%dma_start3A_82 : memref<40x64xi32, #tpu.memory_space<hbm>>) target(%arg11 : memref<40x64xi32, #tpu.memory_space<vmem>>) target_semaphore(%run_scoped3A : memref<!tpu.dma_semaphore, #tpu.memory_space<semaphore_mem>>)
        %dma_wait3A_83 = arith.constant 0 : i32
        %dma_wait3A_84 = arith.constant 0 : i32
        %dma_wait3A_85 = tpu.memref_slice %arg3[%arg0, %arg1, %add3A_22, %dma_wait3A_83, %dma_wait3A_84] : memref<2x16x4x40x64xi32, #tpu.memory_space<hbm>> -> memref<1x1x1x40x64xi32, #tpu.memory_space<hbm>>
        %dma_wait3A_86 = tpu.memref_squeeze %dma_wait3A_85 : memref<1x1x1x40x64xi32, #tpu.memory_space<hbm>> -> memref<40x64xi32, #tpu.memory_space<hbm>>
        %dma_wait3A_87 = arith.constant 0 : i32
        %dma_wait3A_88 = arith.constant 0 : i32
        %dma_wait3A_89 = tpu.memref_slice %arg3[%arg0, %arg1, %add3A_22, %dma_wait3A_87, %dma_wait3A_88] : memref<2x16x4x40x64xi32, #tpu.memory_space<hbm>> -> memref<1x1x1x40x64xi32, #tpu.memory_space<hbm>>
        %dma_wait3A_90 = tpu.memref_squeeze %dma_wait3A_89 : memref<1x1x1x40x64xi32, #tpu.memory_space<hbm>> -> memref<40x64xi32, #tpu.memory_space<hbm>>
        tpu.wait_dma2 semaphore(%run_scoped3A : memref<!tpu.dma_semaphore, #tpu.memory_space<semaphore_mem>>) src(%dma_wait3A_90 : memref<40x64xi32, #tpu.memory_space<hbm>>) dst(%arg11 : memref<40x64xi32, #tpu.memory_space<vmem>>)
        tpu.yield
      }) : () -> ()
      "tpu.region"() ({
        %run_scoped3A = tpu.sem_alloc : memref<!tpu.dma_semaphore, #tpu.memory_space<semaphore_mem>>
        %dma_start3A_75 = arith.constant 0 : i32
        %dma_start3A_76 = arith.constant 0 : i32
        %dma_start3A_77 = tpu.memref_slice %arg4[%arg0, %arg1, %add3A_22, %dma_start3A_75, %dma_start3A_76] : memref<2x16x4x40x64xi32, #tpu.memory_space<hbm>> -> memref<1x1x1x40x64xi32, #tpu.memory_space<hbm>>
        %dma_start3A_78 = tpu.memref_squeeze %dma_start3A_77 : memref<1x1x1x40x64xi32, #tpu.memory_space<hbm>> -> memref<40x64xi32, #tpu.memory_space<hbm>>
        %dma_start3A_79 = arith.constant 0 : i32
        %dma_start3A_80 = arith.constant 0 : i32
        %dma_start3A_81 = tpu.memref_slice %arg4[%arg0, %arg1, %add3A_22, %dma_start3A_79, %dma_start3A_80] : memref<2x16x4x40x64xi32, #tpu.memory_space<hbm>> -> memref<1x1x1x40x64xi32, #tpu.memory_space<hbm>>
        %dma_start3A_82 = tpu.memref_squeeze %dma_start3A_81 : memref<1x1x1x40x64xi32, #tpu.memory_space<hbm>> -> memref<40x64xi32, #tpu.memory_space<hbm>>
        tpu.enqueue_dma source(%dma_start3A_82 : memref<40x64xi32, #tpu.memory_space<hbm>>) target(%arg12 : memref<40x64xi32, #tpu.memory_space<vmem>>) target_semaphore(%run_scoped3A : memref<!tpu.dma_semaphore, #tpu.memory_space<semaphore_mem>>)
        %dma_wait3A_83 = arith.constant 0 : i32
        %dma_wait3A_84 = arith.constant 0 : i32
        %dma_wait3A_85 = tpu.memref_slice %arg4[%arg0, %arg1, %add3A_22, %dma_wait3A_83, %dma_wait3A_84] : memref<2x16x4x40x64xi32, #tpu.memory_space<hbm>> -> memref<1x1x1x40x64xi32, #tpu.memory_space<hbm>>
        %dma_wait3A_86 = tpu.memref_squeeze %dma_wait3A_85 : memref<1x1x1x40x64xi32, #tpu.memory_space<hbm>> -> memref<40x64xi32, #tpu.memory_space<hbm>>
        %dma_wait3A_87 = arith.constant 0 : i32
        %dma_wait3A_88 = arith.constant 0 : i32
        %dma_wait3A_89 = tpu.memref_slice %arg4[%arg0, %arg1, %add3A_22, %dma_wait3A_87, %dma_wait3A_88] : memref<2x16x4x40x64xi32, #tpu.memory_space<hbm>> -> memref<1x1x1x40x64xi32, #tpu.memory_space<hbm>>
        %dma_wait3A_90 = tpu.memref_squeeze %dma_wait3A_89 : memref<1x1x1x40x64xi32, #tpu.memory_space<hbm>> -> memref<40x64xi32, #tpu.memory_space<hbm>>
        tpu.wait_dma2 semaphore(%run_scoped3A : memref<!tpu.dma_semaphore, #tpu.memory_space<semaphore_mem>>) src(%dma_wait3A_90 : memref<40x64xi32, #tpu.memory_space<hbm>>) dst(%arg12 : memref<40x64xi32, #tpu.memory_space<vmem>>)
        tpu.yield
      }) : () -> ()
      %dma_start3A = arith.constant 0 : i32
      %dma_start3A_23 = arith.constant 0 : i32
      %dma_start3A_24 = tpu.memref_slice %arg11[%dma_start3A, %dma_start3A_23] : memref<40x64xi32, #tpu.memory_space<vmem>> -> memref<1x64xi32, #tpu.memory_space<vmem>>
      %dma_start3A_25 = tpu.memref_squeeze %dma_start3A_24 : memref<1x64xi32, #tpu.memory_space<vmem>> -> memref<64xi32, #tpu.memory_space<vmem>>
      %dma_start3A_26 = arith.constant 0 : i32
      %dma_start3A_27 = arith.constant 0 : i32
      %dma_start3A_28 = tpu.memref_slice %arg2[%dma_start3A_26, %dma_start3A_27] : memref<10000x128xf32, #tpu.memory_space<hbm>> -> memref<10000x128xf32, #tpu.memory_space<hbm>>
      tpu.enqueue_indirect_dma source(%dma_start3A_28 : memref<10000x128xf32, #tpu.memory_space<hbm>>) target(%arg7 : memref<64x128xf32, #tpu.memory_space<vmem>>) offsets(%dma_start3A_25 : memref<64xi32, #tpu.memory_space<vmem>>) semaphore(%arg14 : memref<!tpu.dma_semaphore, #tpu.memory_space<semaphore_mem>>)
      %dma_start3A_29 = arith.constant 1 : i32
      %dma_start3A_30 = arith.constant 0 : i32
      %dma_start3A_31 = tpu.memref_slice %arg11[%dma_start3A_29, %dma_start3A_30] : memref<40x64xi32, #tpu.memory_space<vmem>> -> memref<1x64xi32, #tpu.memory_space<vmem>>
      %dma_start3A_32 = tpu.memref_squeeze %dma_start3A_31 : memref<1x64xi32, #tpu.memory_space<vmem>> -> memref<64xi32, #tpu.memory_space<vmem>>
      %dma_start3A_33 = arith.constant 0 : i32
      %dma_start3A_34 = arith.constant 0 : i32
      %dma_start3A_35 = tpu.memref_slice %arg2[%dma_start3A_33, %dma_start3A_34] : memref<10000x128xf32, #tpu.memory_space<hbm>> -> memref<10000x128xf32, #tpu.memory_space<hbm>>
      tpu.enqueue_indirect_dma source(%dma_start3A_35 : memref<10000x128xf32, #tpu.memory_space<hbm>>) target(%arg8 : memref<64x128xf32, #tpu.memory_space<vmem>>) offsets(%dma_start3A_32 : memref<64xi32, #tpu.memory_space<vmem>>) semaphore(%arg15 : memref<!tpu.dma_semaphore, #tpu.memory_space<semaphore_mem>>)
      %dma_start3A_36 = arith.constant 2 : i32
      %dma_start3A_37 = arith.constant 0 : i32
      %dma_start3A_38 = tpu.memref_slice %arg11[%dma_start3A_36, %dma_start3A_37] : memref<40x64xi32, #tpu.memory_space<vmem>> -> memref<1x64xi32, #tpu.memory_space<vmem>>
      %dma_start3A_39 = tpu.memref_squeeze %dma_start3A_38 : memref<1x64xi32, #tpu.memory_space<vmem>> -> memref<64xi32, #tpu.memory_space<vmem>>
      %dma_start3A_40 = arith.constant 0 : i32
      %dma_start3A_41 = arith.constant 0 : i32
      %dma_start3A_42 = tpu.memref_slice %arg2[%dma_start3A_40, %dma_start3A_41] : memref<10000x128xf32, #tpu.memory_space<hbm>> -> memref<10000x128xf32, #tpu.memory_space<hbm>>
      tpu.enqueue_indirect_dma source(%dma_start3A_42 : memref<10000x128xf32, #tpu.memory_space<hbm>>) target(%arg9 : memref<64x128xf32, #tpu.memory_space<vmem>>) offsets(%dma_start3A_39 : memref<64xi32, #tpu.memory_space<vmem>>) semaphore(%arg16 : memref<!tpu.dma_semaphore, #tpu.memory_space<semaphore_mem>>)
      %scan3A_43 = arith.constant 0 : i32
      %scan3A_44 = arith.constant 10 : i32
      %scan3A_45 = arith.addi %scan3A_43, %scan3A_44 : i32
      %scan3A_46 = arith.constant 1 : i32
      scf.for %scan3A_75 = %scan3A_43 to %scan3A_45 step %scan3A_46  : i32 {
        %mul3A_76 = arith.constant 1 : i32
        %mul3A_77 = arith.muli %scan3A_75, %mul3A_76 : i32
        %add3A_78 = arith.constant 0 : i32
        %add3A_79 = arith.addi %add3A_78, %mul3A_77 : i32
        %mul3A_80 = arith.constant 4 : i32
        %mul3A_81 = arith.muli %mul3A_80, %add3A_79 : i32
        %add3A_82 = arith.constant 0 : i32
        %add3A_83 = arith.addi %mul3A_81, %add3A_82 : i32
        %dma_wait3A_84 = arith.constant 0 : i32
        %dma_wait3A_85 = tpu.memref_slice %arg11[%add3A_83, %dma_wait3A_84] : memref<40x64xi32, #tpu.memory_space<vmem>> -> memref<1x64xi32, #tpu.memory_space<vmem>>
        %dma_wait3A_86 = tpu.memref_squeeze %dma_wait3A_85 : memref<1x64xi32, #tpu.memory_space<vmem>> -> memref<64xi32, #tpu.memory_space<vmem>>
        %dma_wait3A_87 = arith.constant 0 : i32
        %dma_wait3A_88 = arith.constant 0 : i32
        %dma_wait3A_89 = tpu.memref_slice %arg2[%dma_wait3A_87, %dma_wait3A_88] : memref<10000x128xf32, #tpu.memory_space<hbm>> -> memref<10000x128xf32, #tpu.memory_space<hbm>>
        tpu.wait_indirect_dma semaphore(%arg14 : memref<!tpu.dma_semaphore, #tpu.memory_space<semaphore_mem>>) src(%dma_wait3A_89 : memref<10000x128xf32, #tpu.memory_space<hbm>>) dst(%arg7 : memref<64x128xf32, #tpu.memory_space<vmem>>)
        %dma_start3A_90 = arith.constant 0 : i32
        %dma_start3A_91 = tpu.memref_slice %arg12[%add3A_83, %dma_start3A_90] : memref<40x64xi32, #tpu.memory_space<vmem>> -> memref<1x64xi32, #tpu.memory_space<vmem>>
        %dma_start3A_92 = tpu.memref_squeeze %dma_start3A_91 : memref<1x64xi32, #tpu.memory_space<vmem>> -> memref<64xi32, #tpu.memory_space<vmem>>
        %dma_start3A_93 = arith.constant 0 : i32
        %dma_start3A_94 = arith.constant 0 : i32
        %dma_start3A_95 = tpu.memref_slice %arg6[%dma_start3A_93, %dma_start3A_94] : memref<10240x128xf32, #tpu.memory_space<vmem_shared>> -> memref<10240x128xf32, #tpu.memory_space<vmem_shared>>
        tpu.enqueue_indirect_dma source(%arg7 : memref<64x128xf32, #tpu.memory_space<vmem>>) target(%dma_start3A_95 : memref<10240x128xf32, #tpu.memory_space<vmem_shared>>) offsets(%dma_start3A_92 : memref<64xi32, #tpu.memory_space<vmem>>) semaphore(%arg18 : memref<!tpu.dma_semaphore, #tpu.memory_space<semaphore_mem>>) {add = true}
        %add3A_96 = arith.constant 4 : i32
        %add3A_97 = arith.addi %add3A_83, %add3A_96 : i32
        %sub3A = arith.constant 1 : i32
        %sub3A_98 = arith.subi %add3A_97, %sub3A : i32
        %lt3A = arith.constant 40 : i32
        %lt3A_99 = arith.cmpi slt, %sub3A_98, %lt3A : i32
        %ge3A = arith.constant 1 : i32
        %ge3A_100 = arith.cmpi sge, %add3A_79, %ge3A : i32
        %and3A = arith.andi %lt3A_99, %ge3A_100 : i1
        %convert_element_type3A = arith.extui %and3A : i1 to i32
        %cond3A = arith.constant 0 : i32
        %cond3A_101 = arith.cmpi ne, %convert_element_type3A, %cond3A : i32
        scf.if %cond3A_101 {
          %dma_wait3A_183 = arith.constant 0 : i32
          %dma_wait3A_184 = arith.constant 0 : i32
          %dma_wait3A_185 = tpu.memref_slice %arg12[%dma_wait3A_183, %dma_wait3A_184] : memref<40x64xi32, #tpu.memory_space<vmem>> -> memref<1x64xi32, #tpu.memory_space<vmem>>
          %dma_wait3A_186 = tpu.memref_squeeze %dma_wait3A_185 : memref<1x64xi32, #tpu.memory_space<vmem>> -> memref<64xi32, #tpu.memory_space<vmem>>
          %dma_wait3A_187 = arith.constant 0 : i32
          %dma_wait3A_188 = arith.constant 0 : i32
          %dma_wait3A_189 = tpu.memref_slice %arg6[%dma_wait3A_187, %dma_wait3A_188] : memref<10240x128xf32, #tpu.memory_space<vmem_shared>> -> memref<10240x128xf32, #tpu.memory_space<vmem_shared>>
          tpu.wait_indirect_dma semaphore(%arg21 : memref<!tpu.dma_semaphore, #tpu.memory_space<semaphore_mem>>) src(%arg10 : memref<64x128xf32, #tpu.memory_space<vmem>>) dst(%dma_wait3A_189 : memref<10240x128xf32, #tpu.memory_space<vmem_shared>>)
        } else {
        }
        %convert_element_type3A_102 = arith.extui %lt3A_99 : i1 to i32
        %cond3A_103 = arith.constant 0 : i32
        %cond3A_104 = arith.cmpi ne, %convert_element_type3A_102, %cond3A_103 : i32
        scf.if %cond3A_104 {
          %dma_start3A_183 = arith.constant 0 : i32
          %dma_start3A_184 = tpu.memref_slice %arg11[%sub3A_98, %dma_start3A_183] : memref<40x64xi32, #tpu.memory_space<vmem>> -> memref<1x64xi32, #tpu.memory_space<vmem>>
          %dma_start3A_185 = tpu.memref_squeeze %dma_start3A_184 : memref<1x64xi32, #tpu.memory_space<vmem>> -> memref<64xi32, #tpu.memory_space<vmem>>
          %dma_start3A_186 = arith.constant 0 : i32
          %dma_start3A_187 = arith.constant 0 : i32
          %dma_start3A_188 = tpu.memref_slice %arg2[%dma_start3A_186, %dma_start3A_187] : memref<10000x128xf32, #tpu.memory_space<hbm>> -> memref<10000x128xf32, #tpu.memory_space<hbm>>
          tpu.enqueue_indirect_dma source(%dma_start3A_188 : memref<10000x128xf32, #tpu.memory_space<hbm>>) target(%arg10 : memref<64x128xf32, #tpu.memory_space<vmem>>) offsets(%dma_start3A_185 : memref<64xi32, #tpu.memory_space<vmem>>) semaphore(%arg17 : memref<!tpu.dma_semaphore, #tpu.memory_space<semaphore_mem>>)
        } else {
        }
        %add3A_105 = arith.constant 1 : i32
        %add3A_106 = arith.addi %mul3A_81, %add3A_105 : i32
        %dma_wait3A_107 = arith.constant 0 : i32
        %dma_wait3A_108 = tpu.memref_slice %arg11[%add3A_106, %dma_wait3A_107] : memref<40x64xi32, #tpu.memory_space<vmem>> -> memref<1x64xi32, #tpu.memory_space<vmem>>
        %dma_wait3A_109 = tpu.memref_squeeze %dma_wait3A_108 : memref<1x64xi32, #tpu.memory_space<vmem>> -> memref<64xi32, #tpu.memory_space<vmem>>
        %dma_wait3A_110 = arith.constant 0 : i32
        %dma_wait3A_111 = arith.constant 0 : i32
        %dma_wait3A_112 = tpu.memref_slice %arg2[%dma_wait3A_110, %dma_wait3A_111] : memref<10000x128xf32, #tpu.memory_space<hbm>> -> memref<10000x128xf32, #tpu.memory_space<hbm>>
        tpu.wait_indirect_dma semaphore(%arg15 : memref<!tpu.dma_semaphore, #tpu.memory_space<semaphore_mem>>) src(%dma_wait3A_112 : memref<10000x128xf32, #tpu.memory_space<hbm>>) dst(%arg8 : memref<64x128xf32, #tpu.memory_space<vmem>>)
        %dma_start3A_113 = arith.constant 0 : i32
        %dma_start3A_114 = tpu.memref_slice %arg12[%add3A_106, %dma_start3A_113] : memref<40x64xi32, #tpu.memory_space<vmem>> -> memref<1x64xi32, #tpu.memory_space<vmem>>
        %dma_start3A_115 = tpu.memref_squeeze %dma_start3A_114 : memref<1x64xi32, #tpu.memory_space<vmem>> -> memref<64xi32, #tpu.memory_space<vmem>>
        %dma_start3A_116 = arith.constant 0 : i32
        %dma_start3A_117 = arith.constant 0 : i32
        %dma_start3A_118 = tpu.memref_slice %arg6[%dma_start3A_116, %dma_start3A_117] : memref<10240x128xf32, #tpu.memory_space<vmem_shared>> -> memref<10240x128xf32, #tpu.memory_space<vmem_shared>>
        tpu.enqueue_indirect_dma source(%arg8 : memref<64x128xf32, #tpu.memory_space<vmem>>) target(%dma_start3A_118 : memref<10240x128xf32, #tpu.memory_space<vmem_shared>>) offsets(%dma_start3A_115 : memref<64xi32, #tpu.memory_space<vmem>>) semaphore(%arg19 : memref<!tpu.dma_semaphore, #tpu.memory_space<semaphore_mem>>) {add = true}
        %add3A_119 = arith.constant 4 : i32
        %add3A_120 = arith.addi %add3A_106, %add3A_119 : i32
        %sub3A_121 = arith.constant 1 : i32
        %sub3A_122 = arith.subi %add3A_120, %sub3A_121 : i32
        %lt3A_123 = arith.constant 40 : i32
        %lt3A_124 = arith.cmpi slt, %sub3A_122, %lt3A_123 : i32
        %convert_element_type3A_125 = arith.extui %lt3A_124 : i1 to i32
        %cond3A_126 = arith.constant 0 : i32
        %cond3A_127 = arith.cmpi ne, %convert_element_type3A_125, %cond3A_126 : i32
        scf.if %cond3A_127 {
          %dma_wait3A_183 = arith.constant 0 : i32
          %dma_wait3A_184 = arith.constant 0 : i32
          %dma_wait3A_185 = tpu.memref_slice %arg12[%dma_wait3A_183, %dma_wait3A_184] : memref<40x64xi32, #tpu.memory_space<vmem>> -> memref<1x64xi32, #tpu.memory_space<vmem>>
          %dma_wait3A_186 = tpu.memref_squeeze %dma_wait3A_185 : memref<1x64xi32, #tpu.memory_space<vmem>> -> memref<64xi32, #tpu.memory_space<vmem>>
          %dma_wait3A_187 = arith.constant 0 : i32
          %dma_wait3A_188 = arith.constant 0 : i32
          %dma_wait3A_189 = tpu.memref_slice %arg6[%dma_wait3A_187, %dma_wait3A_188] : memref<10240x128xf32, #tpu.memory_space<vmem_shared>> -> memref<10240x128xf32, #tpu.memory_space<vmem_shared>>
          tpu.wait_indirect_dma semaphore(%arg18 : memref<!tpu.dma_semaphore, #tpu.memory_space<semaphore_mem>>) src(%arg7 : memref<64x128xf32, #tpu.memory_space<vmem>>) dst(%dma_wait3A_189 : memref<10240x128xf32, #tpu.memory_space<vmem_shared>>)
        } else {
        }
        %convert_element_type3A_128 = arith.extui %lt3A_124 : i1 to i32
        %cond3A_129 = arith.constant 0 : i32
        %cond3A_130 = arith.cmpi ne, %convert_element_type3A_128, %cond3A_129 : i32
        scf.if %cond3A_130 {
          %dma_start3A_183 = arith.constant 0 : i32
          %dma_start3A_184 = tpu.memref_slice %arg11[%sub3A_122, %dma_start3A_183] : memref<40x64xi32, #tpu.memory_space<vmem>> -> memref<1x64xi32, #tpu.memory_space<vmem>>
          %dma_start3A_185 = tpu.memref_squeeze %dma_start3A_184 : memref<1x64xi32, #tpu.memory_space<vmem>> -> memref<64xi32, #tpu.memory_space<vmem>>
          %dma_start3A_186 = arith.constant 0 : i32
          %dma_start3A_187 = arith.constant 0 : i32
          %dma_start3A_188 = tpu.memref_slice %arg2[%dma_start3A_186, %dma_start3A_187] : memref<10000x128xf32, #tpu.memory_space<hbm>> -> memref<10000x128xf32, #tpu.memory_space<hbm>>
          tpu.enqueue_indirect_dma source(%dma_start3A_188 : memref<10000x128xf32, #tpu.memory_space<hbm>>) target(%arg7 : memref<64x128xf32, #tpu.memory_space<vmem>>) offsets(%dma_start3A_185 : memref<64xi32, #tpu.memory_space<vmem>>) semaphore(%arg14 : memref<!tpu.dma_semaphore, #tpu.memory_space<semaphore_mem>>)
        } else {
        }
        %add3A_131 = arith.constant 2 : i32
        %add3A_132 = arith.addi %mul3A_81, %add3A_131 : i32
        %dma_wait3A_133 = arith.constant 0 : i32
        %dma_wait3A_134 = tpu.memref_slice %arg11[%add3A_132, %dma_wait3A_133] : memref<40x64xi32, #tpu.memory_space<vmem>> -> memref<1x64xi32, #tpu.memory_space<vmem>>
        %dma_wait3A_135 = tpu.memref_squeeze %dma_wait3A_134 : memref<1x64xi32, #tpu.memory_space<vmem>> -> memref<64xi32, #tpu.memory_space<vmem>>
        %dma_wait3A_136 = arith.constant 0 : i32
        %dma_wait3A_137 = arith.constant 0 : i32
        %dma_wait3A_138 = tpu.memref_slice %arg2[%dma_wait3A_136, %dma_wait3A_137] : memref<10000x128xf32, #tpu.memory_space<hbm>> -> memref<10000x128xf32, #tpu.memory_space<hbm>>
        tpu.wait_indirect_dma semaphore(%arg16 : memref<!tpu.dma_semaphore, #tpu.memory_space<semaphore_mem>>) src(%dma_wait3A_138 : memref<10000x128xf32, #tpu.memory_space<hbm>>) dst(%arg9 : memref<64x128xf32, #tpu.memory_space<vmem>>)
        %dma_start3A_139 = arith.constant 0 : i32
        %dma_start3A_140 = tpu.memref_slice %arg12[%add3A_132, %dma_start3A_139] : memref<40x64xi32, #tpu.memory_space<vmem>> -> memref<1x64xi32, #tpu.memory_space<vmem>>
        %dma_start3A_141 = tpu.memref_squeeze %dma_start3A_140 : memref<1x64xi32, #tpu.memory_space<vmem>> -> memref<64xi32, #tpu.memory_space<vmem>>
        %dma_start3A_142 = arith.constant 0 : i32
        %dma_start3A_143 = arith.constant 0 : i32
        %dma_start3A_144 = tpu.memref_slice %arg6[%dma_start3A_142, %dma_start3A_143] : memref<10240x128xf32, #tpu.memory_space<vmem_shared>> -> memref<10240x128xf32, #tpu.memory_space<vmem_shared>>
        tpu.enqueue_indirect_dma source(%arg9 : memref<64x128xf32, #tpu.memory_space<vmem>>) target(%dma_start3A_144 : memref<10240x128xf32, #tpu.memory_space<vmem_shared>>) offsets(%dma_start3A_141 : memref<64xi32, #tpu.memory_space<vmem>>) semaphore(%arg20 : memref<!tpu.dma_semaphore, #tpu.memory_space<semaphore_mem>>) {add = true}
        %add3A_145 = arith.constant 4 : i32
        %add3A_146 = arith.addi %add3A_132, %add3A_145 : i32
        %sub3A_147 = arith.constant 1 : i32
        %sub3A_148 = arith.subi %add3A_146, %sub3A_147 : i32
        %lt3A_149 = arith.constant 40 : i32
        %lt3A_150 = arith.cmpi slt, %sub3A_148, %lt3A_149 : i32
        %convert_element_type3A_151 = arith.extui %lt3A_150 : i1 to i32
        %cond3A_152 = arith.constant 0 : i32
        %cond3A_153 = arith.cmpi ne, %convert_element_type3A_151, %cond3A_152 : i32
        scf.if %cond3A_153 {
          %dma_wait3A_183 = arith.constant 0 : i32
          %dma_wait3A_184 = arith.constant 0 : i32
          %dma_wait3A_185 = tpu.memref_slice %arg12[%dma_wait3A_183, %dma_wait3A_184] : memref<40x64xi32, #tpu.memory_space<vmem>> -> memref<1x64xi32, #tpu.memory_space<vmem>>
          %dma_wait3A_186 = tpu.memref_squeeze %dma_wait3A_185 : memref<1x64xi32, #tpu.memory_space<vmem>> -> memref<64xi32, #tpu.memory_space<vmem>>
          %dma_wait3A_187 = arith.constant 0 : i32
          %dma_wait3A_188 = arith.constant 0 : i32
          %dma_wait3A_189 = tpu.memref_slice %arg6[%dma_wait3A_187, %dma_wait3A_188] : memref<10240x128xf32, #tpu.memory_space<vmem_shared>> -> memref<10240x128xf32, #tpu.memory_space<vmem_shared>>
          tpu.wait_indirect_dma semaphore(%arg19 : memref<!tpu.dma_semaphore, #tpu.memory_space<semaphore_mem>>) src(%arg8 : memref<64x128xf32, #tpu.memory_space<vmem>>) dst(%dma_wait3A_189 : memref<10240x128xf32, #tpu.memory_space<vmem_shared>>)
        } else {
        }
        %convert_element_type3A_154 = arith.extui %lt3A_150 : i1 to i32
        %cond3A_155 = arith.constant 0 : i32
        %cond3A_156 = arith.cmpi ne, %convert_element_type3A_154, %cond3A_155 : i32
        scf.if %cond3A_156 {
          %dma_start3A_183 = arith.constant 0 : i32
          %dma_start3A_184 = tpu.memref_slice %arg11[%sub3A_148, %dma_start3A_183] : memref<40x64xi32, #tpu.memory_space<vmem>> -> memref<1x64xi32, #tpu.memory_space<vmem>>
          %dma_start3A_185 = tpu.memref_squeeze %dma_start3A_184 : memref<1x64xi32, #tpu.memory_space<vmem>> -> memref<64xi32, #tpu.memory_space<vmem>>
          %dma_start3A_186 = arith.constant 0 : i32
          %dma_start3A_187 = arith.constant 0 : i32
          %dma_start3A_188 = tpu.memref_slice %arg2[%dma_start3A_186, %dma_start3A_187] : memref<10000x128xf32, #tpu.memory_space<hbm>> -> memref<10000x128xf32, #tpu.memory_space<hbm>>
          tpu.enqueue_indirect_dma source(%dma_start3A_188 : memref<10000x128xf32, #tpu.memory_space<hbm>>) target(%arg8 : memref<64x128xf32, #tpu.memory_space<vmem>>) offsets(%dma_start3A_185 : memref<64xi32, #tpu.memory_space<vmem>>) semaphore(%arg15 : memref<!tpu.dma_semaphore, #tpu.memory_space<semaphore_mem>>)
        } else {
        }
        %add3A_157 = arith.constant 3 : i32
        %add3A_158 = arith.addi %mul3A_81, %add3A_157 : i32
        %dma_wait3A_159 = arith.constant 0 : i32
        %dma_wait3A_160 = tpu.memref_slice %arg11[%add3A_158, %dma_wait3A_159] : memref<40x64xi32, #tpu.memory_space<vmem>> -> memref<1x64xi32, #tpu.memory_space<vmem>>
        %dma_wait3A_161 = tpu.memref_squeeze %dma_wait3A_160 : memref<1x64xi32, #tpu.memory_space<vmem>> -> memref<64xi32, #tpu.memory_space<vmem>>
        %dma_wait3A_162 = arith.constant 0 : i32
        %dma_wait3A_163 = arith.constant 0 : i32
        %dma_wait3A_164 = tpu.memref_slice %arg2[%dma_wait3A_162, %dma_wait3A_163] : memref<10000x128xf32, #tpu.memory_space<hbm>> -> memref<10000x128xf32, #tpu.memory_space<hbm>>
        tpu.wait_indirect_dma semaphore(%arg17 : memref<!tpu.dma_semaphore, #tpu.memory_space<semaphore_mem>>) src(%dma_wait3A_164 : memref<10000x128xf32, #tpu.memory_space<hbm>>) dst(%arg10 : memref<64x128xf32, #tpu.memory_space<vmem>>)
        %dma_start3A_165 = arith.constant 0 : i32
        %dma_start3A_166 = tpu.memref_slice %arg12[%add3A_158, %dma_start3A_165] : memref<40x64xi32, #tpu.memory_space<vmem>> -> memref<1x64xi32, #tpu.memory_space<vmem>>
        %dma_start3A_167 = tpu.memref_squeeze %dma_start3A_166 : memref<1x64xi32, #tpu.memory_space<vmem>> -> memref<64xi32, #tpu.memory_space<vmem>>
        %dma_start3A_168 = arith.constant 0 : i32
        %dma_start3A_169 = arith.constant 0 : i32
        %dma_start3A_170 = tpu.memref_slice %arg6[%dma_start3A_168, %dma_start3A_169] : memref<10240x128xf32, #tpu.memory_space<vmem_shared>> -> memref<10240x128xf32, #tpu.memory_space<vmem_shared>>
        tpu.enqueue_indirect_dma source(%arg10 : memref<64x128xf32, #tpu.memory_space<vmem>>) target(%dma_start3A_170 : memref<10240x128xf32, #tpu.memory_space<vmem_shared>>) offsets(%dma_start3A_167 : memref<64xi32, #tpu.memory_space<vmem>>) semaphore(%arg21 : memref<!tpu.dma_semaphore, #tpu.memory_space<semaphore_mem>>) {add = true}
        %add3A_171 = arith.constant 4 : i32
        %add3A_172 = arith.addi %add3A_158, %add3A_171 : i32
        %sub3A_173 = arith.constant 1 : i32
        %sub3A_174 = arith.subi %add3A_172, %sub3A_173 : i32
        %lt3A_175 = arith.constant 40 : i32
        %lt3A_176 = arith.cmpi slt, %sub3A_174, %lt3A_175 : i32
        %convert_element_type3A_177 = arith.extui %lt3A_176 : i1 to i32
        %cond3A_178 = arith.constant 0 : i32
        %cond3A_179 = arith.cmpi ne, %convert_element_type3A_177, %cond3A_178 : i32
        scf.if %cond3A_179 {
          %dma_wait3A_183 = arith.constant 0 : i32
          %dma_wait3A_184 = arith.constant 0 : i32
          %dma_wait3A_185 = tpu.memref_slice %arg12[%dma_wait3A_183, %dma_wait3A_184] : memref<40x64xi32, #tpu.memory_space<vmem>> -> memref<1x64xi32, #tpu.memory_space<vmem>>
          %dma_wait3A_186 = tpu.memref_squeeze %dma_wait3A_185 : memref<1x64xi32, #tpu.memory_space<vmem>> -> memref<64xi32, #tpu.memory_space<vmem>>
          %dma_wait3A_187 = arith.constant 0 : i32
          %dma_wait3A_188 = arith.constant 0 : i32
          %dma_wait3A_189 = tpu.memref_slice %arg6[%dma_wait3A_187, %dma_wait3A_188] : memref<10240x128xf32, #tpu.memory_space<vmem_shared>> -> memref<10240x128xf32, #tpu.memory_space<vmem_shared>>
          tpu.wait_indirect_dma semaphore(%arg20 : memref<!tpu.dma_semaphore, #tpu.memory_space<semaphore_mem>>) src(%arg9 : memref<64x128xf32, #tpu.memory_space<vmem>>) dst(%dma_wait3A_189 : memref<10240x128xf32, #tpu.memory_space<vmem_shared>>)
        } else {
        }
        %convert_element_type3A_180 = arith.extui %lt3A_176 : i1 to i32
        %cond3A_181 = arith.constant 0 : i32
        %cond3A_182 = arith.cmpi ne, %convert_element_type3A_180, %cond3A_181 : i32
        scf.if %cond3A_182 {
          %dma_start3A_183 = arith.constant 0 : i32
          %dma_start3A_184 = tpu.memref_slice %arg11[%sub3A_174, %dma_start3A_183] : memref<40x64xi32, #tpu.memory_space<vmem>> -> memref<1x64xi32, #tpu.memory_space<vmem>>
          %dma_start3A_185 = tpu.memref_squeeze %dma_start3A_184 : memref<1x64xi32, #tpu.memory_space<vmem>> -> memref<64xi32, #tpu.memory_space<vmem>>
          %dma_start3A_186 = arith.constant 0 : i32
          %dma_start3A_187 = arith.constant 0 : i32
          %dma_start3A_188 = tpu.memref_slice %arg2[%dma_start3A_186, %dma_start3A_187] : memref<10000x128xf32, #tpu.memory_space<hbm>> -> memref<10000x128xf32, #tpu.memory_space<hbm>>
          tpu.enqueue_indirect_dma source(%dma_start3A_188 : memref<10000x128xf32, #tpu.memory_space<hbm>>) target(%arg9 : memref<64x128xf32, #tpu.memory_space<vmem>>) offsets(%dma_start3A_185 : memref<64xi32, #tpu.memory_space<vmem>>) semaphore(%arg16 : memref<!tpu.dma_semaphore, #tpu.memory_space<semaphore_mem>>)
        } else {
        }
      }
      %scan3A_47 = arith.constant 10 : i32
      %dma_wait3A = arith.constant 0 : i32
      %dma_wait3A_48 = arith.constant 0 : i32
      %dma_wait3A_49 = tpu.memref_slice %arg12[%dma_wait3A, %dma_wait3A_48] : memref<40x64xi32, #tpu.memory_space<vmem>> -> memref<1x64xi32, #tpu.memory_space<vmem>>
      %dma_wait3A_50 = tpu.memref_squeeze %dma_wait3A_49 : memref<1x64xi32, #tpu.memory_space<vmem>> -> memref<64xi32, #tpu.memory_space<vmem>>
      %dma_wait3A_51 = arith.constant 0 : i32
      %dma_wait3A_52 = arith.constant 0 : i32
      %dma_wait3A_53 = tpu.memref_slice %arg6[%dma_wait3A_51, %dma_wait3A_52] : memref<10240x128xf32, #tpu.memory_space<vmem_shared>> -> memref<10240x128xf32, #tpu.memory_space<vmem_shared>>
      tpu.wait_indirect_dma semaphore(%arg18 : memref<!tpu.dma_semaphore, #tpu.memory_space<semaphore_mem>>) src(%arg7 : memref<64x128xf32, #tpu.memory_space<vmem>>) dst(%dma_wait3A_53 : memref<10240x128xf32, #tpu.memory_space<vmem_shared>>)
      %dma_wait3A_54 = arith.constant 0 : i32
      %dma_wait3A_55 = arith.constant 0 : i32
      %dma_wait3A_56 = tpu.memref_slice %arg12[%dma_wait3A_54, %dma_wait3A_55] : memref<40x64xi32, #tpu.memory_space<vmem>> -> memref<1x64xi32, #tpu.memory_space<vmem>>
      %dma_wait3A_57 = tpu.memref_squeeze %dma_wait3A_56 : memref<1x64xi32, #tpu.memory_space<vmem>> -> memref<64xi32, #tpu.memory_space<vmem>>
      %dma_wait3A_58 = arith.constant 0 : i32
      %dma_wait3A_59 = arith.constant 0 : i32
      %dma_wait3A_60 = tpu.memref_slice %arg6[%dma_wait3A_58, %dma_wait3A_59] : memref<10240x128xf32, #tpu.memory_space<vmem_shared>> -> memref<10240x128xf32, #tpu.memory_space<vmem_shared>>
      tpu.wait_indirect_dma semaphore(%arg19 : memref<!tpu.dma_semaphore, #tpu.memory_space<semaphore_mem>>) src(%arg8 : memref<64x128xf32, #tpu.memory_space<vmem>>) dst(%dma_wait3A_60 : memref<10240x128xf32, #tpu.memory_space<vmem_shared>>)
      %dma_wait3A_61 = arith.constant 0 : i32
      %dma_wait3A_62 = arith.constant 0 : i32
      %dma_wait3A_63 = tpu.memref_slice %arg12[%dma_wait3A_61, %dma_wait3A_62] : memref<40x64xi32, #tpu.memory_space<vmem>> -> memref<1x64xi32, #tpu.memory_space<vmem>>
      %dma_wait3A_64 = tpu.memref_squeeze %dma_wait3A_63 : memref<1x64xi32, #tpu.memory_space<vmem>> -> memref<64xi32, #tpu.memory_space<vmem>>
      %dma_wait3A_65 = arith.constant 0 : i32
      %dma_wait3A_66 = arith.constant 0 : i32
      %dma_wait3A_67 = tpu.memref_slice %arg6[%dma_wait3A_65, %dma_wait3A_66] : memref<10240x128xf32, #tpu.memory_space<vmem_shared>> -> memref<10240x128xf32, #tpu.memory_space<vmem_shared>>
      tpu.wait_indirect_dma semaphore(%arg20 : memref<!tpu.dma_semaphore, #tpu.memory_space<semaphore_mem>>) src(%arg9 : memref<64x128xf32, #tpu.memory_space<vmem>>) dst(%dma_wait3A_67 : memref<10240x128xf32, #tpu.memory_space<vmem_shared>>)
      %dma_wait3A_68 = arith.constant 0 : i32
      %dma_wait3A_69 = arith.constant 0 : i32
      %dma_wait3A_70 = tpu.memref_slice %arg12[%dma_wait3A_68, %dma_wait3A_69] : memref<40x64xi32, #tpu.memory_space<vmem>> -> memref<1x64xi32, #tpu.memory_space<vmem>>
      %dma_wait3A_71 = tpu.memref_squeeze %dma_wait3A_70 : memref<1x64xi32, #tpu.memory_space<vmem>> -> memref<64xi32, #tpu.memory_space<vmem>>
      %dma_wait3A_72 = arith.constant 0 : i32
      %dma_wait3A_73 = arith.constant 0 : i32
      %dma_wait3A_74 = tpu.memref_slice %arg6[%dma_wait3A_72, %dma_wait3A_73] : memref<10240x128xf32, #tpu.memory_space<vmem_shared>> -> memref<10240x128xf32, #tpu.memory_space<vmem_shared>>
      tpu.wait_indirect_dma semaphore(%arg21 : memref<!tpu.dma_semaphore, #tpu.memory_space<semaphore_mem>>) src(%arg10 : memref<64x128xf32, #tpu.memory_space<vmem>>) dst(%dma_wait3A_74 : memref<10240x128xf32, #tpu.memory_space<vmem_shared>>)
    }
    %scan3A_14 = arith.constant 4 : i32
    %barrier3A_15 = arith.constant 0 : index
    tpu.barrier barrier_id(%barrier3A_15)
    %mul3A = arith.constant 640 : i32
    %mul3A_16 = arith.muli %arg1, %mul3A : i32
    %mul3A_17 = arith.constant 640 : i32
    %mul3A_18 = arith.muli %arg1, %mul3A_17 : i32
    "tpu.region"() ({
      %run_scoped3A = tpu.sem_alloc : memref<!tpu.dma_semaphore, #tpu.memory_space<semaphore_mem>>
      %dma_start3A = arith.constant 0 : i32
      %dma_start3A_19 = tpu.memref_slice %arg5[%arg0, %mul3A_18, %dma_start3A] : memref<2x10240x128xf32, #tpu.memory_space<hbm>> -> memref<1x640x128xf32, #tpu.memory_space<hbm>>
      %dma_start3A_20 = tpu.memref_squeeze %dma_start3A_19 : memref<1x640x128xf32, #tpu.memory_space<hbm>> -> memref<640x128xf32, #tpu.memory_space<hbm>>
      %dma_start3A_21 = arith.constant 0 : i32
      %dma_start3A_22 = tpu.memref_slice %arg6[%mul3A_16, %dma_start3A_21] : memref<10240x128xf32, #tpu.memory_space<vmem_shared>> -> memref<640x128xf32, #tpu.memory_space<vmem_shared>>
      tpu.enqueue_dma source(%dma_start3A_22 : memref<640x128xf32, #tpu.memory_space<vmem_shared>>) target(%dma_start3A_20 : memref<640x128xf32, #tpu.memory_space<hbm>>) target_semaphore(%run_scoped3A : memref<!tpu.dma_semaphore, #tpu.memory_space<semaphore_mem>>)
      %dma_wait3A = arith.constant 0 : i32
      %dma_wait3A_23 = tpu.memref_slice %arg5[%arg0, %mul3A_18, %dma_wait3A] : memref<2x10240x128xf32, #tpu.memory_space<hbm>> -> memref<1x640x128xf32, #tpu.memory_space<hbm>>
      %dma_wait3A_24 = tpu.memref_squeeze %dma_wait3A_23 : memref<1x640x128xf32, #tpu.memory_space<hbm>> -> memref<640x128xf32, #tpu.memory_space<hbm>>
      %dma_wait3A_25 = arith.constant 0 : i32
      %dma_wait3A_26 = tpu.memref_slice %arg6[%mul3A_16, %dma_wait3A_25] : memref<10240x128xf32, #tpu.memory_space<vmem_shared>> -> memref<640x128xf32, #tpu.memory_space<vmem_shared>>
      tpu.wait_dma2 semaphore(%run_scoped3A : memref<!tpu.dma_semaphore, #tpu.memory_space<semaphore_mem>>) src(%dma_wait3A_26 : memref<640x128xf32, #tpu.memory_space<vmem_shared>>) dst(%dma_wait3A_24 : memref<640x128xf32, #tpu.memory_space<hbm>>)
      tpu.yield
    }) : () -> ()
    return
  }
}

#map = affine_map<(d0, d1) -> (0, 0)>
#map1 = affine_map<(d0, d1) -> (0, 0, 0, 0, 0)>
#map2 = affine_map<(d0, d1) -> (0, 0, 0)>
module attributes {stable_mosaic.version = 14 : i64} {
  func.func @k(%arg0: i32, %arg1: i32, %arg2: memref<10000x128xf32, #tpu.memory_space<hbm>>, %arg3: memref<2x16x4x40x64xi32, #tpu.memory_space<hbm>>, %arg4: memref<2x16x4x40x64xi32, #tpu.memory_space<hbm>>, %arg5: memref<2x10240x128xf32, #tpu.memory_space<hbm>>, %arg6: memref<10240x128xf32, #tpu.memory_space<vmem_shared>>, %arg7: memref<64x128xf32, #tpu.memory_space<vmem>>, %arg8: memref<64x128xf32, #tpu.memory_space<vmem>>, %arg9: memref<64x128xf32, #tpu.memory_space<vmem>>, %arg10: memref<64x128xf32, #tpu.memory_space<vmem>>, %arg11: memref<40x64xi32, #tpu.memory_space<vmem>>, %arg12: memref<40x64xi32, #tpu.memory_space<vmem>>, %arg13: memref<16x128xf32, #tpu.memory_space<vmem>>, %arg14: memref<!tpu.dma_semaphore, #tpu.memory_space<semaphore_mem>>, %arg15: memref<!tpu.dma_semaphore, #tpu.memory_space<semaphore_mem>>, %arg16: memref<!tpu.dma_semaphore, #tpu.memory_space<semaphore_mem>>, %arg17: memref<!tpu.dma_semaphore, #tpu.memory_space<semaphore_mem>>, %arg18: memref<!tpu.dma_semaphore, #tpu.memory_space<semaphore_mem>>, %arg19: memref<!tpu.dma_semaphore, #tpu.memory_space<semaphore_mem>>, %arg20: memref<!tpu.dma_semaphore, #tpu.memory_space<semaphore_mem>>, %arg21: memref<!tpu.dma_semaphore, #tpu.memory_space<semaphore_mem>>) attributes {dimension_semantics = [#tpu.dimension_semantics<core_parallel>, #tpu.dimension_semantics<subcore_parallel>], iteration_bounds = array<i64: 2, 16>, scalar_prefetch = 0 : i64, scratch_operands = 16 : i64, tpu.core_type = #tpu.core_type<sc_vector_subcore>, window_params = [{transform_indices = #map}, {transform_indices = #map1}, {transform_indices = #map1}, {transform_indices = #map2}]} {
    %broadcast_in_dim3A = arith.constant 0.000000e+00 : f32
    %broadcast_in_dim3A_0 = vector.broadcast %broadcast_in_dim3A : f32 to vector<16xf32>
    %scan3A = arith.constant 0 : i32
    %scan3A_1 = arith.constant 16 : i32
    %scan3A_2 = arith.addi %scan3A, %scan3A_1 : i32
    %scan3A_3 = arith.constant 1 : i32
    scf.for %scan3A_19 = %scan3A to %scan3A_2 step %scan3A_3  : i32 {
      %mul3A_20 = arith.constant 1 : i32
      %mul3A_21 = arith.muli %scan3A_19, %mul3A_20 : i32
      %add3A = arith.constant 0 : i32
      %add3A_22 = arith.addi %add3A, %mul3A_21 : i32
      %scan3A_23 = arith.constant 0 : i32
      %scan3A_24 = arith.constant 8 : i32
      %scan3A_25 = arith.addi %scan3A_23, %scan3A_24 : i32
      %scan3A_26 = arith.constant 1 : i32
      scf.for %scan3A_28 = %scan3A_23 to %scan3A_25 step %scan3A_26  : i32 {
        %mul3A_29 = arith.constant 16 : i32
        %mul3A_30 = arith.muli %scan3A_28, %mul3A_29 : i32
        %add3A_31 = arith.constant 0 : i32
        %add3A_32 = arith.addi %add3A_31, %mul3A_30 : i32
        %swap3A = arith.index_cast %add3A_22 : i32 to index
        %swap3A_33 = arith.index_cast %add3A_32 : i32 to index
        %swap3A_34 = tpu.vector_load %arg13[%swap3A, %swap3A_33] {strides = array<i32>} : memref<16x128xf32, #tpu.memory_space<vmem>>, vector<1x16xf32>,
        %swap3A_35 = vector.shape_cast %swap3A_34 : vector<1x16xf32> to vector<16xf32>
        %swap3A_36 = vector.shape_cast %broadcast_in_dim3A_0 : vector<16xf32> to vector<1x16xf32>
        tpu.vector_store %arg13[%swap3A, %swap3A_33], %swap3A_36 {strides = array<i32>} : memref<16x128xf32, #tpu.memory_space<vmem>>, vector<1x16xf32>,
      }
      %scan3A_27 = arith.constant 8 : i32
    }
    %scan3A_4 = arith.constant 16 : i32
    %scan3A_5 = arith.constant 0 : i32
    %scan3A_6 = arith.constant 40 : i32
    %scan3A_7 = arith.addi %scan3A_5, %scan3A_6 : i32
    %scan3A_8 = arith.constant 1 : i32
    scf.for %scan3A_19 = %scan3A_5 to %scan3A_7 step %scan3A_8  : i32 {
      %mul3A_20 = arith.constant 16 : i32
      %mul3A_21 = arith.muli %scan3A_19, %mul3A_20 : i32
      %add3A = arith.constant 0 : i32
      %add3A_22 = arith.addi %add3A, %mul3A_21 : i32
      %mul3A_23 = arith.constant 640 : i32
      %mul3A_24 = arith.muli %arg1, %mul3A_23 : i32
      %add3A_25 = arith.addi %mul3A_24, %add3A_22 : i32
      "tpu.region"() ({
        %run_scoped3A = tpu.sem_alloc : memref<!tpu.dma_semaphore, #tpu.memory_space<semaphore_mem>>
        %dma_start3A = arith.constant 0 : i32
        %dma_start3A_26 = tpu.memref_slice %arg6[%add3A_25, %dma_start3A] : memref<10240x128xf32, #tpu.memory_space<vmem_shared>> -> memref<16x128xf32, #tpu.memory_space<vmem_shared>>
        %dma_start3A_27 = arith.constant 0 : i32
        %dma_start3A_28 = tpu.memref_slice %arg6[%add3A_25, %dma_start3A_27] : memref<10240x128xf32, #tpu.memory_space<vmem_shared>> -> memref<16x128xf32, #tpu.memory_space<vmem_shared>>
        tpu.enqueue_dma source(%arg13 : memref<16x128xf32, #tpu.memory_space<vmem>>) target(%dma_start3A_28 : memref<16x128xf32, #tpu.memory_space<vmem_shared>>) target_semaphore(%run_scoped3A : memref<!tpu.dma_semaphore, #tpu.memory_space<semaphore_mem>>)
        %dma_wait3A = arith.constant 0 : i32
        %dma_wait3A_29 = tpu.memref_slice %arg6[%add3A_25, %dma_wait3A] : memref<10240x128xf32, #tpu.memory_space<vmem_shared>> -> memref<16x128xf32, #tpu.memory_space<vmem_shared>>
        %dma_wait3A_30 = arith.constant 0 : i32
        %dma_wait3A_31 = tpu.memref_slice %arg6[%add3A_25, %dma_wait3A_30] : memref<10240x128xf32, #tpu.memory_space<vmem_shared>> -> memref<16x128xf32, #tpu.memory_space<vmem_shared>>
        tpu.wait_dma2 semaphore(%run_scoped3A : memref<!tpu.dma_semaphore, #tpu.memory_space<semaphore_mem>>) src(%arg13 : memref<16x128xf32, #tpu.memory_space<vmem>>) dst(%dma_wait3A_31 : memref<16x128xf32, #tpu.memory_space<vmem_shared>>)
        tpu.yield
      }) : () -> ()
    }
    %scan3A_9 = arith.constant 40 : i32
    %barrier3A = arith.constant 0 : index
    tpu.barrier barrier_id(%barrier3A)
    %scan3A_10 = arith.constant 0 : i32
    %scan3A_11 = arith.constant 4 : i32
    %scan3A_12 = arith.addi %scan3A_10, %scan3A_11 : i32
    %scan3A_13 = arith.constant 1 : i32
    scf.for %scan3A_19 = %scan3A_10 to %scan3A_12 step %scan3A_13  : i32 {
      %mul3A_20 = arith.constant 1 : i32
      %mul3A_21 = arith.muli %scan3A_19, %mul3A_20 : i32
      %add3A = arith.constant 0 : i32
      %add3A_22 = arith.addi %add3A, %mul3A_21 : i32
      "tpu.region"() ({
        %run_scoped3A = tpu.sem_alloc : memref<!tpu.dma_semaphore, #tpu.memory_space<semaphore_mem>>
        %dma_start3A_75 = arith.constant 0 : i32
        %dma_start3A_76 = arith.constant 0 : i32
        %dma_start3A_77 = tpu.memref_slice %arg3[%arg0, %arg1, %add3A_22, %dma_start3A_75, %dma_start3A_76] : memref<2x16x4x40x64xi32, #tpu.memory_space<hbm>> -> memref<1x1x1x40x64xi32, #tpu.memory_space<hbm>>
        %dma_start3A_78 = tpu.memref_squeeze %dma_start3A_77 : memref<1x1x1x40x64xi32, #tpu.memory_space<hbm>> -> memref<40x64xi32, #tpu.memory_space<hbm>>
        %dma_start3A_79 = arith.constant 0 : i32
        %dma_start3A_80 = arith.constant 0 : i32
        %dma_start3A_81 = tpu.memref_slice %arg3[%arg0, %arg1, %add3A_22, %dma_start3A_79, %dma_start3A_80] : memref<2x16x4x40x64xi32, #tpu.memory_space<hbm>> -> memref<1x1x1x40x64xi32, #tpu.memory_space<hbm>>
        %dma_start3A_82 = tpu.memref_squeeze %dma_start3A_81 : memref<1x1x1x40x64xi32, #tpu.memory_space<hbm>> -> memref<40x64xi32, #tpu.memory_space<hbm>>
        tpu.enqueue_dma source(%dma_start3A_82 : memref<40x64xi32, #tpu.memory_space<hbm>>) target(%arg11 : memref<40x64xi32, #tpu.memory_space<vmem>>) target_semaphore(%run_scoped3A : memref<!tpu.dma_semaphore, #tpu.memory_space<semaphore_mem>>)
        %dma_wait3A_83 = arith.constant 0 : i32
        %dma_wait3A_84 = arith.constant 0 : i32
        %dma_wait3A_85 = tpu.memref_slice %arg3[%arg0, %arg1, %add3A_22, %dma_wait3A_83, %dma_wait3A_84] : memref<2x16x4x40x64xi32, #tpu.memory_space<hbm>> -> memref<1x1x1x40x64xi32, #tpu.memory_space<hbm>>
        %dma_wait3A_86 = tpu.memref_squeeze %dma_wait3A_85 : memref<1x1x1x40x64xi32, #tpu.memory_space<hbm>> -> memref<40x64xi32, #tpu.memory_space<hbm>>
        %dma_wait3A_87 = arith.constant 0 : i32
        %dma_wait3A_88 = arith.constant 0 : i32
        %dma_wait3A_89 = tpu.memref_slice %arg3[%arg0, %arg1, %add3A_22, %dma_wait3A_87, %dma_wait3A_88] : memref<2x16x4x40x64xi32, #tpu.memory_space<hbm>> -> memref<1x1x1x40x64xi32, #tpu.memory_space<hbm>>
        %dma_wait3A_90 = tpu.memref_squeeze %dma_wait3A_89 : memref<1x1x1x40x64xi32, #tpu.memory_space<hbm>> -> memref<40x64xi32, #tpu.memory_space<hbm>>
        tpu.wait_dma2 semaphore(%run_scoped3A : memref<!tpu.dma_semaphore, #tpu.memory_space<semaphore_mem>>) src(%dma_wait3A_90 : memref<40x64xi32, #tpu.memory_space<hbm>>) dst(%arg11 : memref<40x64xi32, #tpu.memory_space<vmem>>)
        tpu.yield
      }) : () -> ()
      "tpu.region"() ({
        %run_scoped3A = tpu.sem_alloc : memref<!tpu.dma_semaphore, #tpu.memory_space<semaphore_mem>>
        %dma_start3A_75 = arith.constant 0 : i32
        %dma_start3A_76 = arith.constant 0 : i32
        %dma_start3A_77 = tpu.memref_slice %arg4[%arg0, %arg1, %add3A_22, %dma_start3A_75, %dma_start3A_76] : memref<2x16x4x40x64xi32, #tpu.memory_space<hbm>> -> memref<1x1x1x40x64xi32, #tpu.memory_space<hbm>>
        %dma_start3A_78 = tpu.memref_squeeze %dma_start3A_77 : memref<1x1x1x40x64xi32, #tpu.memory_space<hbm>> -> memref<40x64xi32, #tpu.memory_space<hbm>>
        %dma_start3A_79 = arith.constant 0 : i32
        %dma_start3A_80 = arith.constant 0 : i32
        %dma_start3A_81 = tpu.memref_slice %arg4[%arg0, %arg1, %add3A_22, %dma_start3A_79, %dma_start3A_80] : memref<2x16x4x40x64xi32, #tpu.memory_space<hbm>> -> memref<1x1x1x40x64xi32, #tpu.memory_space<hbm>>
        %dma_start3A_82 = tpu.memref_squeeze %dma_start3A_81 : memref<1x1x1x40x64xi32, #tpu.memory_space<hbm>> -> memref<40x64xi32, #tpu.memory_space<hbm>>
        tpu.enqueue_dma source(%dma_start3A_82 : memref<40x64xi32, #tpu.memory_space<hbm>>) target(%arg12 : memref<40x64xi32, #tpu.memory_space<vmem>>) target_semaphore(%run_scoped3A : memref<!tpu.dma_semaphore, #tpu.memory_space<semaphore_mem>>)
        %dma_wait3A_83 = arith.constant 0 : i32
        %dma_wait3A_84 = arith.constant 0 : i32
        %dma_wait3A_85 = tpu.memref_slice %arg4[%arg0, %arg1, %add3A_22, %dma_wait3A_83, %dma_wait3A_84] : memref<2x16x4x40x64xi32, #tpu.memory_space<hbm>> -> memref<1x1x1x40x64xi32, #tpu.memory_space<hbm>>
        %dma_wait3A_86 = tpu.memref_squeeze %dma_wait3A_85 : memref<1x1x1x40x64xi32, #tpu.memory_space<hbm>> -> memref<40x64xi32, #tpu.memory_space<hbm>>
        %dma_wait3A_87 = arith.constant 0 : i32
        %dma_wait3A_88 = arith.constant 0 : i32
        %dma_wait3A_89 = tpu.memref_slice %arg4[%arg0, %arg1, %add3A_22, %dma_wait3A_87, %dma_wait3A_88] : memref<2x16x4x40x64xi32, #tpu.memory_space<hbm>> -> memref<1x1x1x40x64xi32, #tpu.memory_space<hbm>>
        %dma_wait3A_90 = tpu.memref_squeeze %dma_wait3A_89 : memref<1x1x1x40x64xi32, #tpu.memory_space<hbm>> -> memref<40x64xi32, #tpu.memory_space<hbm>>
        tpu.wait_dma2 semaphore(%run_scoped3A : memref<!tpu.dma_semaphore, #tpu.memory_space<semaphore_mem>>) src(%dma_wait3A_90 : memref<40x64xi32, #tpu.memory_space<hbm>>) dst(%arg12 : memref<40x64xi32, #tpu.memory_space<vmem>>)
        tpu.yield
      }) : () -> ()
      %dma_start3A = arith.constant 0 : i32
      %dma_start3A_23 = arith.constant 0 : i32
      %dma_start3A_24 = tpu.memref_slice %arg11[%dma_start3A, %dma_start3A_23] : memref<40x64xi32, #tpu.memory_space<vmem>> -> memref<1x64xi32, #tpu.memory_space<vmem>>
      %dma_start3A_25 = tpu.memref_squeeze %dma_start3A_24 : memref<1x64xi32, #tpu.memory_space<vmem>> -> memref<64xi32, #tpu.memory_space<vmem>>
      %dma_start3A_26 = arith.constant 0 : i32
      %dma_start3A_27 = arith.constant 0 : i32
      %dma_start3A_28 = tpu.memref_slice %arg2[%dma_start3A_26, %dma_start3A_27] : memref<10000x128xf32, #tpu.memory_space<hbm>> -> memref<10000x128xf32, #tpu.memory_space<hbm>>
      tpu.enqueue_indirect_dma source(%dma_start3A_28 : memref<10000x128xf32, #tpu.memory_space<hbm>>) target(%arg7 : memref<64x128xf32, #tpu.memory_space<vmem>>) offsets(%dma_start3A_25 : memref<64xi32, #tpu.memory_space<vmem>>) semaphore(%arg14 : memref<!tpu.dma_semaphore, #tpu.memory_space<semaphore_mem>>)
      %dma_start3A_29 = arith.constant 1 : i32
      %dma_start3A_30 = arith.constant 0 : i32
      %dma_start3A_31 = tpu.memref_slice %arg11[%dma_start3A_29, %dma_start3A_30] : memref<40x64xi32, #tpu.memory_space<vmem>> -> memref<1x64xi32, #tpu.memory_space<vmem>>
      %dma_start3A_32 = tpu.memref_squeeze %dma_start3A_31 : memref<1x64xi32, #tpu.memory_space<vmem>> -> memref<64xi32, #tpu.memory_space<vmem>>
      %dma_start3A_33 = arith.constant 0 : i32
      %dma_start3A_34 = arith.constant 0 : i32
      %dma_start3A_35 = tpu.memref_slice %arg2[%dma_start3A_33, %dma_start3A_34] : memref<10000x128xf32, #tpu.memory_space<hbm>> -> memref<10000x128xf32, #tpu.memory_space<hbm>>
      tpu.enqueue_indirect_dma source(%dma_start3A_35 : memref<10000x128xf32, #tpu.memory_space<hbm>>) target(%arg8 : memref<64x128xf32, #tpu.memory_space<vmem>>) offsets(%dma_start3A_32 : memref<64xi32, #tpu.memory_space<vmem>>) semaphore(%arg15 : memref<!tpu.dma_semaphore, #tpu.memory_space<semaphore_mem>>)
      %dma_start3A_36 = arith.constant 2 : i32
      %dma_start3A_37 = arith.constant 0 : i32
      %dma_start3A_38 = tpu.memref_slice %arg11[%dma_start3A_36, %dma_start3A_37] : memref<40x64xi32, #tpu.memory_space<vmem>> -> memref<1x64xi32, #tpu.memory_space<vmem>>
      %dma_start3A_39 = tpu.memref_squeeze %dma_start3A_38 : memref<1x64xi32, #tpu.memory_space<vmem>> -> memref<64xi32, #tpu.memory_space<vmem>>
      %dma_start3A_40 = arith.constant 0 : i32
      %dma_start3A_41 = arith.constant 0 : i32
      %dma_start3A_42 = tpu.memref_slice %arg2[%dma_start3A_40, %dma_start3A_41] : memref<10000x128xf32, #tpu.memory_space<hbm>> -> memref<10000x128xf32, #tpu.memory_space<hbm>>
      tpu.enqueue_indirect_dma source(%dma_start3A_42 : memref<10000x128xf32, #tpu.memory_space<hbm>>) target(%arg9 : memref<64x128xf32, #tpu.memory_space<vmem>>) offsets(%dma_start3A_39 : memref<64xi32, #tpu.memory_space<vmem>>) semaphore(%arg16 : memref<!tpu.dma_semaphore, #tpu.memory_space<semaphore_mem>>)
      %scan3A_43 = arith.constant 0 : i32
      %scan3A_44 = arith.constant 10 : i32
      %scan3A_45 = arith.addi %scan3A_43, %scan3A_44 : i32
      %scan3A_46 = arith.constant 1 : i32
      scf.for %scan3A_75 = %scan3A_43 to %scan3A_45 step %scan3A_46  : i32 {
        %mul3A_76 = arith.constant 1 : i32
        %mul3A_77 = arith.muli %scan3A_75, %mul3A_76 : i32
        %add3A_78 = arith.constant 0 : i32
        %add3A_79 = arith.addi %add3A_78, %mul3A_77 : i32
        %mul3A_80 = arith.constant 4 : i32
        %mul3A_81 = arith.muli %mul3A_80, %add3A_79 : i32
        %add3A_82 = arith.constant 0 : i32
        %add3A_83 = arith.addi %mul3A_81, %add3A_82 : i32
        %dma_wait3A_84 = arith.constant 0 : i32
        %dma_wait3A_85 = tpu.memref_slice %arg11[%add3A_83, %dma_wait3A_84] : memref<40x64xi32, #tpu.memory_space<vmem>> -> memref<1x64xi32, #tpu.memory_space<vmem>>
        %dma_wait3A_86 = tpu.memref_squeeze %dma_wait3A_85 : memref<1x64xi32, #tpu.memory_space<vmem>> -> memref<64xi32, #tpu.memory_space<vmem>>
        %dma_wait3A_87 = arith.constant 0 : i32
        %dma_wait3A_88 = arith.constant 0 : i32
        %dma_wait3A_89 = tpu.memref_slice %arg2[%dma_wait3A_87, %dma_wait3A_88] : memref<10000x128xf32, #tpu.memory_space<hbm>> -> memref<10000x128xf32, #tpu.memory_space<hbm>>
        tpu.wait_indirect_dma semaphore(%arg14 : memref<!tpu.dma_semaphore, #tpu.memory_space<semaphore_mem>>) src(%dma_wait3A_89 : memref<10000x128xf32, #tpu.memory_space<hbm>>) dst(%arg7 : memref<64x128xf32, #tpu.memory_space<vmem>>)
        %dma_start3A_90 = arith.constant 0 : i32
        %dma_start3A_91 = tpu.memref_slice %arg12[%add3A_83, %dma_start3A_90] : memref<40x64xi32, #tpu.memory_space<vmem>> -> memref<1x64xi32, #tpu.memory_space<vmem>>
        %dma_start3A_92 = tpu.memref_squeeze %dma_start3A_91 : memref<1x64xi32, #tpu.memory_space<vmem>> -> memref<64xi32, #tpu.memory_space<vmem>>
        %dma_start3A_93 = arith.constant 0 : i32
        %dma_start3A_94 = arith.constant 0 : i32
        %dma_start3A_95 = tpu.memref_slice %arg6[%dma_start3A_93, %dma_start3A_94] : memref<10240x128xf32, #tpu.memory_space<vmem_shared>> -> memref<10240x128xf32, #tpu.memory_space<vmem_shared>>
        tpu.enqueue_indirect_dma source(%arg7 : memref<64x128xf32, #tpu.memory_space<vmem>>) target(%dma_start3A_95 : memref<10240x128xf32, #tpu.memory_space<vmem_shared>>) offsets(%dma_start3A_92 : memref<64xi32, #tpu.memory_space<vmem>>) semaphore(%arg18 : memref<!tpu.dma_semaphore, #tpu.memory_space<semaphore_mem>>) {add = true}
        %add3A_96 = arith.constant 4 : i32
        %add3A_97 = arith.addi %add3A_83, %add3A_96 : i32
        %sub3A = arith.constant 1 : i32
        %sub3A_98 = arith.subi %add3A_97, %sub3A : i32
        %lt3A = arith.constant 40 : i32
        %lt3A_99 = arith.cmpi slt, %sub3A_98, %lt3A : i32
        %ge3A = arith.constant 1 : i32
        %ge3A_100 = arith.cmpi sge, %add3A_79, %ge3A : i32
        %and3A = arith.andi %lt3A_99, %ge3A_100 : i1
        %convert_element_type3A = arith.extui %and3A : i1 to i32
        %cond3A = arith.constant 0 : i32
        %cond3A_101 = arith.cmpi ne, %convert_element_type3A, %cond3A : i32
        scf.if %cond3A_101 {
          %dma_wait3A_183 = arith.constant 0 : i32
          %dma_wait3A_184 = arith.constant 0 : i32
          %dma_wait3A_185 = tpu.memref_slice %arg12[%dma_wait3A_183, %dma_wait3A_184] : memref<40x64xi32, #tpu.memory_space<vmem>> -> memref<1x64xi32, #tpu.memory_space<vmem>>
          %dma_wait3A_186 = tpu.memref_squeeze %dma_wait3A_185 : memref<1x64xi32, #tpu.memory_space<vmem>> -> memref<64xi32, #tpu.memory_space<vmem>>
          %dma_wait3A_187 = arith.constant 0 : i32
          %dma_wait3A_188 = arith.constant 0 : i32
          %dma_wait3A_189 = tpu.memref_slice %arg6[%dma_wait3A_187, %dma_wait3A_188] : memref<10240x128xf32, #tpu.memory_space<vmem_shared>> -> memref<10240x128xf32, #tpu.memory_space<vmem_shared>>
          tpu.wait_indirect_dma semaphore(%arg21 : memref<!tpu.dma_semaphore, #tpu.memory_space<semaphore_mem>>) src(%arg10 : memref<64x128xf32, #tpu.memory_space<vmem>>) dst(%dma_wait3A_189 : memref<10240x128xf32, #tpu.memory_space<vmem_shared>>)
        } else {
        }
        %convert_element_type3A_102 = arith.extui %lt3A_99 : i1 to i32
        %cond3A_103 = arith.constant 0 : i32
        %cond3A_104 = arith.cmpi ne, %convert_element_type3A_102, %cond3A_103 : i32
        scf.if %cond3A_104 {
          %dma_start3A_183 = arith.constant 0 : i32
          %dma_start3A_184 = tpu.memref_slice %arg11[%sub3A_98, %dma_start3A_183] : memref<40x64xi32, #tpu.memory_space<vmem>> -> memref<1x64xi32, #tpu.memory_space<vmem>>
          %dma_start3A_185 = tpu.memref_squeeze %dma_start3A_184 : memref<1x64xi32, #tpu.memory_space<vmem>> -> memref<64xi32, #tpu.memory_space<vmem>>
          %dma_start3A_186 = arith.constant 0 : i32
          %dma_start3A_187 = arith.constant 0 : i32
          %dma_start3A_188 = tpu.memref_slice %arg2[%dma_start3A_186, %dma_start3A_187] : memref<10000x128xf32, #tpu.memory_space<hbm>> -> memref<10000x128xf32, #tpu.memory_space<hbm>>
          tpu.enqueue_indirect_dma source(%dma_start3A_188 : memref<10000x128xf32, #tpu.memory_space<hbm>>) target(%arg10 : memref<64x128xf32, #tpu.memory_space<vmem>>) offsets(%dma_start3A_185 : memref<64xi32, #tpu.memory_space<vmem>>) semaphore(%arg17 : memref<!tpu.dma_semaphore, #tpu.memory_space<semaphore_mem>>)
        } else {
        }
        %add3A_105 = arith.constant 1 : i32
        %add3A_106 = arith.addi %mul3A_81, %add3A_105 : i32
        %dma_wait3A_107 = arith.constant 0 : i32
        %dma_wait3A_108 = tpu.memref_slice %arg11[%add3A_106, %dma_wait3A_107] : memref<40x64xi32, #tpu.memory_space<vmem>> -> memref<1x64xi32, #tpu.memory_space<vmem>>
        %dma_wait3A_109 = tpu.memref_squeeze %dma_wait3A_108 : memref<1x64xi32, #tpu.memory_space<vmem>> -> memref<64xi32, #tpu.memory_space<vmem>>
        %dma_wait3A_110 = arith.constant 0 : i32
        %dma_wait3A_111 = arith.constant 0 : i32
        %dma_wait3A_112 = tpu.memref_slice %arg2[%dma_wait3A_110, %dma_wait3A_111] : memref<10000x128xf32, #tpu.memory_space<hbm>> -> memref<10000x128xf32, #tpu.memory_space<hbm>>
        tpu.wait_indirect_dma semaphore(%arg15 : memref<!tpu.dma_semaphore, #tpu.memory_space<semaphore_mem>>) src(%dma_wait3A_112 : memref<10000x128xf32, #tpu.memory_space<hbm>>) dst(%arg8 : memref<64x128xf32, #tpu.memory_space<vmem>>)
        %dma_start3A_113 = arith.constant 0 : i32
        %dma_start3A_114 = tpu.memref_slice %arg12[%add3A_106, %dma_start3A_113] : memref<40x64xi32, #tpu.memory_space<vmem>> -> memref<1x64xi32, #tpu.memory_space<vmem>>
        %dma_start3A_115 = tpu.memref_squeeze %dma_start3A_114 : memref<1x64xi32, #tpu.memory_space<vmem>> -> memref<64xi32, #tpu.memory_space<vmem>>
        %dma_start3A_116 = arith.constant 0 : i32
        %dma_start3A_117 = arith.constant 0 : i32
        %dma_start3A_118 = tpu.memref_slice %arg6[%dma_start3A_116, %dma_start3A_117] : memref<10240x128xf32, #tpu.memory_space<vmem_shared>> -> memref<10240x128xf32, #tpu.memory_space<vmem_shared>>
        tpu.enqueue_indirect_dma source(%arg8 : memref<64x128xf32, #tpu.memory_space<vmem>>) target(%dma_start3A_118 : memref<10240x128xf32, #tpu.memory_space<vmem_shared>>) offsets(%dma_start3A_115 : memref<64xi32, #tpu.memory_space<vmem>>) semaphore(%arg19 : memref<!tpu.dma_semaphore, #tpu.memory_space<semaphore_mem>>) {add = true}
        %add3A_119 = arith.constant 4 : i32
        %add3A_120 = arith.addi %add3A_106, %add3A_119 : i32
        %sub3A_121 = arith.constant 1 : i32
        %sub3A_122 = arith.subi %add3A_120, %sub3A_121 : i32
        %lt3A_123 = arith.constant 40 : i32
        %lt3A_124 = arith.cmpi slt, %sub3A_122, %lt3A_123 : i32
        %convert_element_type3A_125 = arith.extui %lt3A_124 : i1 to i32
        %cond3A_126 = arith.constant 0 : i32
        %cond3A_127 = arith.cmpi ne, %convert_element_type3A_125, %cond3A_126 : i32
        scf.if %cond3A_127 {
          %dma_wait3A_183 = arith.constant 0 : i32
          %dma_wait3A_184 = arith.constant 0 : i32
          %dma_wait3A_185 = tpu.memref_slice %arg12[%dma_wait3A_183, %dma_wait3A_184] : memref<40x64xi32, #tpu.memory_space<vmem>> -> memref<1x64xi32, #tpu.memory_space<vmem>>
          %dma_wait3A_186 = tpu.memref_squeeze %dma_wait3A_185 : memref<1x64xi32, #tpu.memory_space<vmem>> -> memref<64xi32, #tpu.memory_space<vmem>>
          %dma_wait3A_187 = arith.constant 0 : i32
          %dma_wait3A_188 = arith.constant 0 : i32
          %dma_wait3A_189 = tpu.memref_slice %arg6[%dma_wait3A_187, %dma_wait3A_188] : memref<10240x128xf32, #tpu.memory_space<vmem_shared>> -> memref<10240x128xf32, #tpu.memory_space<vmem_shared>>
          tpu.wait_indirect_dma semaphore(%arg18 : memref<!tpu.dma_semaphore, #tpu.memory_space<semaphore_mem>>) src(%arg7 : memref<64x128xf32, #tpu.memory_space<vmem>>) dst(%dma_wait3A_189 : memref<10240x128xf32, #tpu.memory_space<vmem_shared>>)
        } else {
        }
        %convert_element_type3A_128 = arith.extui %lt3A_124 : i1 to i32
        %cond3A_129 = arith.constant 0 : i32
        %cond3A_130 = arith.cmpi ne, %convert_element_type3A_128, %cond3A_129 : i32
        scf.if %cond3A_130 {
          %dma_start3A_183 = arith.constant 0 : i32
          %dma_start3A_184 = tpu.memref_slice %arg11[%sub3A_122, %dma_start3A_183] : memref<40x64xi32, #tpu.memory_space<vmem>> -> memref<1x64xi32, #tpu.memory_space<vmem>>
          %dma_start3A_185 = tpu.memref_squeeze %dma_start3A_184 : memref<1x64xi32, #tpu.memory_space<vmem>> -> memref<64xi32, #tpu.memory_space<vmem>>
          %dma_start3A_186 = arith.constant 0 : i32
          %dma_start3A_187 = arith.constant 0 : i32
          %dma_start3A_188 = tpu.memref_slice %arg2[%dma_start3A_186, %dma_start3A_187] : memref<10000x128xf32, #tpu.memory_space<hbm>> -> memref<10000x128xf32, #tpu.memory_space<hbm>>
          tpu.enqueue_indirect_dma source(%dma_start3A_188 : memref<10000x128xf32, #tpu.memory_space<hbm>>) target(%arg7 : memref<64x128xf32, #tpu.memory_space<vmem>>) offsets(%dma_start3A_185 : memref<64xi32, #tpu.memory_space<vmem>>) semaphore(%arg14 : memref<!tpu.dma_semaphore, #tpu.memory_space<semaphore_mem>>)
        } else {
        }
        %add3A_131 = arith.constant 2 : i32
        %add3A_132 = arith.addi %mul3A_81, %add3A_131 : i32
        %dma_wait3A_133 = arith.constant 0 : i32
        %dma_wait3A_134 = tpu.memref_slice %arg11[%add3A_132, %dma_wait3A_133] : memref<40x64xi32, #tpu.memory_space<vmem>> -> memref<1x64xi32, #tpu.memory_space<vmem>>
        %dma_wait3A_135 = tpu.memref_squeeze %dma_wait3A_134 : memref<1x64xi32, #tpu.memory_space<vmem>> -> memref<64xi32, #tpu.memory_space<vmem>>
        %dma_wait3A_136 = arith.constant 0 : i32
        %dma_wait3A_137 = arith.constant 0 : i32
        %dma_wait3A_138 = tpu.memref_slice %arg2[%dma_wait3A_136, %dma_wait3A_137] : memref<10000x128xf32, #tpu.memory_space<hbm>> -> memref<10000x128xf32, #tpu.memory_space<hbm>>
        tpu.wait_indirect_dma semaphore(%arg16 : memref<!tpu.dma_semaphore, #tpu.memory_space<semaphore_mem>>) src(%dma_wait3A_138 : memref<10000x128xf32, #tpu.memory_space<hbm>>) dst(%arg9 : memref<64x128xf32, #tpu.memory_space<vmem>>)
        %dma_start3A_139 = arith.constant 0 : i32
        %dma_start3A_140 = tpu.memref_slice %arg12[%add3A_132, %dma_start3A_139] : memref<40x64xi32, #tpu.memory_space<vmem>> -> memref<1x64xi32, #tpu.memory_space<vmem>>
        %dma_start3A_141 = tpu.memref_squeeze %dma_start3A_140 : memref<1x64xi32, #tpu.memory_space<vmem>> -> memref<64xi32, #tpu.memory_space<vmem>>
        %dma_start3A_142 = arith.constant 0 : i32
        %dma_start3A_143 = arith.constant 0 : i32
        %dma_start3A_144 = tpu.memref_slice %arg6[%dma_start3A_142, %dma_start3A_143] : memref<10240x128xf32, #tpu.memory_space<vmem_shared>> -> memref<10240x128xf32, #tpu.memory_space<vmem_shared>>
        tpu.enqueue_indirect_dma source(%arg9 : memref<64x128xf32, #tpu.memory_space<vmem>>) target(%dma_start3A_144 : memref<10240x128xf32, #tpu.memory_space<vmem_shared>>) offsets(%dma_start3A_141 : memref<64xi32, #tpu.memory_space<vmem>>) semaphore(%arg20 : memref<!tpu.dma_semaphore, #tpu.memory_space<semaphore_mem>>) {add = true}
        %add3A_145 = arith.constant 4 : i32
        %add3A_146 = arith.addi %add3A_132, %add3A_145 : i32
        %sub3A_147 = arith.constant 1 : i32
        %sub3A_148 = arith.subi %add3A_146, %sub3A_147 : i32
        %lt3A_149 = arith.constant 40 : i32
        %lt3A_150 = arith.cmpi slt, %sub3A_148, %lt3A_149 : i32
        %convert_element_type3A_151 = arith.extui %lt3A_150 : i1 to i32
        %cond3A_152 = arith.constant 0 : i32
        %cond3A_153 = arith.cmpi ne, %convert_element_type3A_151, %cond3A_152 : i32
        scf.if %cond3A_153 {
          %dma_wait3A_183 = arith.constant 0 : i32
          %dma_wait3A_184 = arith.constant 0 : i32
          %dma_wait3A_185 = tpu.memref_slice %arg12[%dma_wait3A_183, %dma_wait3A_184] : memref<40x64xi32, #tpu.memory_space<vmem>> -> memref<1x64xi32, #tpu.memory_space<vmem>>
          %dma_wait3A_186 = tpu.memref_squeeze %dma_wait3A_185 : memref<1x64xi32, #tpu.memory_space<vmem>> -> memref<64xi32, #tpu.memory_space<vmem>>
          %dma_wait3A_187 = arith.constant 0 : i32
          %dma_wait3A_188 = arith.constant 0 : i32
          %dma_wait3A_189 = tpu.memref_slice %arg6[%dma_wait3A_187, %dma_wait3A_188] : memref<10240x128xf32, #tpu.memory_space<vmem_shared>> -> memref<10240x128xf32, #tpu.memory_space<vmem_shared>>
          tpu.wait_indirect_dma semaphore(%arg19 : memref<!tpu.dma_semaphore, #tpu.memory_space<semaphore_mem>>) src(%arg8 : memref<64x128xf32, #tpu.memory_space<vmem>>) dst(%dma_wait3A_189 : memref<10240x128xf32, #tpu.memory_space<vmem_shared>>)
        } else {
        }
        %convert_element_type3A_154 = arith.extui %lt3A_150 : i1 to i32
        %cond3A_155 = arith.constant 0 : i32
        %cond3A_156 = arith.cmpi ne, %convert_element_type3A_154, %cond3A_155 : i32
        scf.if %cond3A_156 {
          %dma_start3A_183 = arith.constant 0 : i32
          %dma_start3A_184 = tpu.memref_slice %arg11[%sub3A_148, %dma_start3A_183] : memref<40x64xi32, #tpu.memory_space<vmem>> -> memref<1x64xi32, #tpu.memory_space<vmem>>
          %dma_start3A_185 = tpu.memref_squeeze %dma_start3A_184 : memref<1x64xi32, #tpu.memory_space<vmem>> -> memref<64xi32, #tpu.memory_space<vmem>>
          %dma_start3A_186 = arith.constant 0 : i32
          %dma_start3A_187 = arith.constant 0 : i32
          %dma_start3A_188 = tpu.memref_slice %arg2[%dma_start3A_186, %dma_start3A_187] : memref<10000x128xf32, #tpu.memory_space<hbm>> -> memref<10000x128xf32, #tpu.memory_space<hbm>>
          tpu.enqueue_indirect_dma source(%dma_start3A_188 : memref<10000x128xf32, #tpu.memory_space<hbm>>) target(%arg8 : memref<64x128xf32, #tpu.memory_space<vmem>>) offsets(%dma_start3A_185 : memref<64xi32, #tpu.memory_space<vmem>>) semaphore(%arg15 : memref<!tpu.dma_semaphore, #tpu.memory_space<semaphore_mem>>)
        } else {
        }
        %add3A_157 = arith.constant 3 : i32
        %add3A_158 = arith.addi %mul3A_81, %add3A_157 : i32
        %dma_wait3A_159 = arith.constant 0 : i32
        %dma_wait3A_160 = tpu.memref_slice %arg11[%add3A_158, %dma_wait3A_159] : memref<40x64xi32, #tpu.memory_space<vmem>> -> memref<1x64xi32, #tpu.memory_space<vmem>>
        %dma_wait3A_161 = tpu.memref_squeeze %dma_wait3A_160 : memref<1x64xi32, #tpu.memory_space<vmem>> -> memref<64xi32, #tpu.memory_space<vmem>>
        %dma_wait3A_162 = arith.constant 0 : i32
        %dma_wait3A_163 = arith.constant 0 : i32
        %dma_wait3A_164 = tpu.memref_slice %arg2[%dma_wait3A_162, %dma_wait3A_163] : memref<10000x128xf32, #tpu.memory_space<hbm>> -> memref<10000x128xf32, #tpu.memory_space<hbm>>
        tpu.wait_indirect_dma semaphore(%arg17 : memref<!tpu.dma_semaphore, #tpu.memory_space<semaphore_mem>>) src(%dma_wait3A_164 : memref<10000x128xf32, #tpu.memory_space<hbm>>) dst(%arg10 : memref<64x128xf32, #tpu.memory_space<vmem>>)
        %dma_start3A_165 = arith.constant 0 : i32
        %dma_start3A_166 = tpu.memref_slice %arg12[%add3A_158, %dma_start3A_165] : memref<40x64xi32, #tpu.memory_space<vmem>> -> memref<1x64xi32, #tpu.memory_space<vmem>>
        %dma_start3A_167 = tpu.memref_squeeze %dma_start3A_166 : memref<1x64xi32, #tpu.memory_space<vmem>> -> memref<64xi32, #tpu.memory_space<vmem>>
        %dma_start3A_168 = arith.constant 0 : i32
        %dma_start3A_169 = arith.constant 0 : i32
        %dma_start3A_170 = tpu.memref_slice %arg6[%dma_start3A_168, %dma_start3A_169] : memref<10240x128xf32, #tpu.memory_space<vmem_shared>> -> memref<10240x128xf32, #tpu.memory_space<vmem_shared>>
        tpu.enqueue_indirect_dma source(%arg10 : memref<64x128xf32, #tpu.memory_space<vmem>>) target(%dma_start3A_170 : memref<10240x128xf32, #tpu.memory_space<vmem_shared>>) offsets(%dma_start3A_167 : memref<64xi32, #tpu.memory_space<vmem>>) semaphore(%arg21 : memref<!tpu.dma_semaphore, #tpu.memory_space<semaphore_mem>>) {add = true}
        %add3A_171 = arith.constant 4 : i32
        %add3A_172 = arith.addi %add3A_158, %add3A_171 : i32
        %sub3A_173 = arith.constant 1 : i32
        %sub3A_174 = arith.subi %add3A_172, %sub3A_173 : i32
        %lt3A_175 = arith.constant 40 : i32
        %lt3A_176 = arith.cmpi slt, %sub3A_174, %lt3A_175 : i32
        %convert_element_type3A_177 = arith.extui %lt3A_176 : i1 to i32
        %cond3A_178 = arith.constant 0 : i32
        %cond3A_179 = arith.cmpi ne, %convert_element_type3A_177, %cond3A_178 : i32
        scf.if %cond3A_179 {
          %dma_wait3A_183 = arith.constant 0 : i32
          %dma_wait3A_184 = arith.constant 0 : i32
          %dma_wait3A_185 = tpu.memref_slice %arg12[%dma_wait3A_183, %dma_wait3A_184] : memref<40x64xi32, #tpu.memory_space<vmem>> -> memref<1x64xi32, #tpu.memory_space<vmem>>
          %dma_wait3A_186 = tpu.memref_squeeze %dma_wait3A_185 : memref<1x64xi32, #tpu.memory_space<vmem>> -> memref<64xi32, #tpu.memory_space<vmem>>
          %dma_wait3A_187 = arith.constant 0 : i32
          %dma_wait3A_188 = arith.constant 0 : i32
          %dma_wait3A_189 = tpu.memref_slice %arg6[%dma_wait3A_187, %dma_wait3A_188] : memref<10240x128xf32, #tpu.memory_space<vmem_shared>> -> memref<10240x128xf32, #tpu.memory_space<vmem_shared>>
          tpu.wait_indirect_dma semaphore(%arg20 : memref<!tpu.dma_semaphore, #tpu.memory_space<semaphore_mem>>) src(%arg9 : memref<64x128xf32, #tpu.memory_space<vmem>>) dst(%dma_wait3A_189 : memref<10240x128xf32, #tpu.memory_space<vmem_shared>>)
        } else {
        }
        %convert_element_type3A_180 = arith.extui %lt3A_176 : i1 to i32
        %cond3A_181 = arith.constant 0 : i32
        %cond3A_182 = arith.cmpi ne, %convert_element_type3A_180, %cond3A_181 : i32
        scf.if %cond3A_182 {
          %dma_start3A_183 = arith.constant 0 : i32
          %dma_start3A_184 = tpu.memref_slice %arg11[%sub3A_174, %dma_start3A_183] : memref<40x64xi32, #tpu.memory_space<vmem>> -> memref<1x64xi32, #tpu.memory_space<vmem>>
          %dma_start3A_185 = tpu.memref_squeeze %dma_start3A_184 : memref<1x64xi32, #tpu.memory_space<vmem>> -> memref<64xi32, #tpu.memory_space<vmem>>
          %dma_start3A_186 = arith.constant 0 : i32
          %dma_start3A_187 = arith.constant 0 : i32
          %dma_start3A_188 = tpu.memref_slice %arg2[%dma_start3A_186, %dma_start3A_187] : memref<10000x128xf32, #tpu.memory_space<hbm>> -> memref<10000x128xf32, #tpu.memory_space<hbm>>
          tpu.enqueue_indirect_dma source(%dma_start3A_188 : memref<10000x128xf32, #tpu.memory_space<hbm>>) target(%arg9 : memref<64x128xf32, #tpu.memory_space<vmem>>) offsets(%dma_start3A_185 : memref<64xi32, #tpu.memory_space<vmem>>) semaphore(%arg16 : memref<!tpu.dma_semaphore, #tpu.memory_space<semaphore_mem>>)
        } else {
        }
      }
      %scan3A_47 = arith.constant 10 : i32
      %dma_wait3A = arith.constant 0 : i32
      %dma_wait3A_48 = arith.constant 0 : i32
      %dma_wait3A_49 = tpu.memref_slice %arg12[%dma_wait3A, %dma_wait3A_48] : memref<40x64xi32, #tpu.memory_space<vmem>> -> memref<1x64xi32, #tpu.memory_space<vmem>>
      %dma_wait3A_50 = tpu.memref_squeeze %dma_wait3A_49 : memref<1x64xi32, #tpu.memory_space<vmem>> -> memref<64xi32, #tpu.memory_space<vmem>>
      %dma_wait3A_51 = arith.constant 0 : i32
      %dma_wait3A_52 = arith.constant 0 : i32
      %dma_wait3A_53 = tpu.memref_slice %arg6[%dma_wait3A_51, %dma_wait3A_52] : memref<10240x128xf32, #tpu.memory_space<vmem_shared>> -> memref<10240x128xf32, #tpu.memory_space<vmem_shared>>
      tpu.wait_indirect_dma semaphore(%arg18 : memref<!tpu.dma_semaphore, #tpu.memory_space<semaphore_mem>>) src(%arg7 : memref<64x128xf32, #tpu.memory_space<vmem>>) dst(%dma_wait3A_53 : memref<10240x128xf32, #tpu.memory_space<vmem_shared>>)
      %dma_wait3A_54 = arith.constant 0 : i32
      %dma_wait3A_55 = arith.constant 0 : i32
      %dma_wait3A_56 = tpu.memref_slice %arg12[%dma_wait3A_54, %dma_wait3A_55] : memref<40x64xi32, #tpu.memory_space<vmem>> -> memref<1x64xi32, #tpu.memory_space<vmem>>
      %dma_wait3A_57 = tpu.memref_squeeze %dma_wait3A_56 : memref<1x64xi32, #tpu.memory_space<vmem>> -> memref<64xi32, #tpu.memory_space<vmem>>
      %dma_wait3A_58 = arith.constant 0 : i32
      %dma_wait3A_59 = arith.constant 0 : i32
      %dma_wait3A_60 = tpu.memref_slice %arg6[%dma_wait3A_58, %dma_wait3A_59] : memref<10240x128xf32, #tpu.memory_space<vmem_shared>> -> memref<10240x128xf32, #tpu.memory_space<vmem_shared>>
      tpu.wait_indirect_dma semaphore(%arg19 : memref<!tpu.dma_semaphore, #tpu.memory_space<semaphore_mem>>) src(%arg8 : memref<64x128xf32, #tpu.memory_space<vmem>>) dst(%dma_wait3A_60 : memref<10240x128xf32, #tpu.memory_space<vmem_shared>>)
      %dma_wait3A_61 = arith.constant 0 : i32
      %dma_wait3A_62 = arith.constant 0 : i32
      %dma_wait3A_63 = tpu.memref_slice %arg12[%dma_wait3A_61, %dma_wait3A_62] : memref<40x64xi32, #tpu.memory_space<vmem>> -> memref<1x64xi32, #tpu.memory_space<vmem>>
      %dma_wait3A_64 = tpu.memref_squeeze %dma_wait3A_63 : memref<1x64xi32, #tpu.memory_space<vmem>> -> memref<64xi32, #tpu.memory_space<vmem>>
      %dma_wait3A_65 = arith.constant 0 : i32
      %dma_wait3A_66 = arith.constant 0 : i32
      %dma_wait3A_67 = tpu.memref_slice %arg6[%dma_wait3A_65, %dma_wait3A_66] : memref<10240x128xf32, #tpu.memory_space<vmem_shared>> -> memref<10240x128xf32, #tpu.memory_space<vmem_shared>>
      tpu.wait_indirect_dma semaphore(%arg20 : memref<!tpu.dma_semaphore, #tpu.memory_space<semaphore_mem>>) src(%arg9 : memref<64x128xf32, #tpu.memory_space<vmem>>) dst(%dma_wait3A_67 : memref<10240x128xf32, #tpu.memory_space<vmem_shared>>)
      %dma_wait3A_68 = arith.constant 0 : i32
      %dma_wait3A_69 = arith.constant 0 : i32
      %dma_wait3A_70 = tpu.memref_slice %arg12[%dma_wait3A_68, %dma_wait3A_69] : memref<40x64xi32, #tpu.memory_space<vmem>> -> memref<1x64xi32, #tpu.memory_space<vmem>>
      %dma_wait3A_71 = tpu.memref_squeeze %dma_wait3A_70 : memref<1x64xi32, #tpu.memory_space<vmem>> -> memref<64xi32, #tpu.memory_space<vmem>>
      %dma_wait3A_72 = arith.constant 0 : i32
      %dma_wait3A_73 = arith.constant 0 : i32
      %dma_wait3A_74 = tpu.memref_slice %arg6[%dma_wait3A_72, %dma_wait3A_73] : memref<10240x128xf32, #tpu.memory_space<vmem_shared>> -> memref<10240x128xf32, #tpu.memory_space<vmem_shared>>
      tpu.wait_indirect_dma semaphore(%arg21 : memref<!tpu.dma_semaphore, #tpu.memory_space<semaphore_mem>>) src(%arg10 : memref<64x128xf32, #tpu.memory_space<vmem>>) dst(%dma_wait3A_74 : memref<10240x128xf32, #tpu.memory_space<vmem_shared>>)
    }
    %scan3A_14 = arith.constant 4 : i32
    %barrier3A_15 = arith.constant 0 : index
    tpu.barrier barrier_id(%barrier3A_15)
    %mul3A = arith.constant 640 : i32
    %mul3A_16 = arith.muli %arg1, %mul3A : i32
    %mul3A_17 = arith.constant 640 : i32
    %mul3A_18 = arith.muli %arg1, %mul3A_17 : i32
    "tpu.region"() ({
      %run_scoped3A = tpu.sem_alloc : memref<!tpu.dma_semaphore, #tpu.memory_space<semaphore_mem>>
      %dma_start3A = arith.constant 0 : i32
      %dma_start3A_19 = tpu.memref_slice %arg5[%arg0, %mul3A_18, %dma_start3A] : memref<2x10240x128xf32, #tpu.memory_space<hbm>> -> memref<1x640x128xf32, #tpu.memory_space<hbm>>
      %dma_start3A_20 = tpu.memref_squeeze %dma_start3A_19 : memref<1x640x128xf32, #tpu.memory_space<hbm>> -> memref<640x128xf32, #tpu.memory_space<hbm>>
      %dma_start3A_21 = arith.constant 0 : i32
      %dma_start3A_22 = tpu.memref_slice %arg6[%mul3A_16, %dma_start3A_21] : memref<10240x128xf32, #tpu.memory_space<vmem_shared>> -> memref<640x128xf32, #tpu.memory_space<vmem_shared>>
      tpu.enqueue_dma source(%dma_start3A_22 : memref<640x128xf32, #tpu.memory_space<vmem_shared>>) target(%dma_start3A_20 : memref<640x128xf32, #tpu.memory_space<hbm>>) target_semaphore(%run_scoped3A : memref<!tpu.dma_semaphore, #tpu.memory_space<semaphore_mem>>)
      %dma_wait3A = arith.constant 0 : i32
      %dma_wait3A_23 = tpu.memref_slice %arg5[%arg0, %mul3A_18, %dma_wait3A] : memref<2x10240x128xf32, #tpu.memory_space<hbm>> -> memref<1x640x128xf32, #tpu.memory_space<hbm>>
      %dma_wait3A_24 = tpu.memref_squeeze %dma_wait3A_23 : memref<1x640x128xf32, #tpu.memory_space<hbm>> -> memref<640x128xf32, #tpu.memory_space<hbm>>
      %dma_wait3A_25 = arith.constant 0 : i32
      %dma_wait3A_26 = tpu.memref_slice %arg6[%mul3A_16, %dma_wait3A_25] : memref<10240x128xf32, #tpu.memory_space<vmem_shared>> -> memref<640x128xf32, #tpu.memory_space<vmem_shared>>
      tpu.wait_dma2 semaphore(%run_scoped3A : memref<!tpu.dma_semaphore, #tpu.memory_space<semaphore_mem>>) src(%dma_wait3A_26 : memref<640x128xf32, #tpu.memory_space<vmem_shared>>) dst(%dma_wait3A_24 : memref<640x128xf32, #tpu.memory_space<hbm>>)
      tpu.yield
    }) : () -> ()
    return
  }
}

module attributes {stable_mosaic.version = 14 : i64} {
  func.func @body(%arg0: memref<10000x1xf32, #tpu.memory_space<vmem>>, %arg1: memref<10000x128xf32, #tpu.memory_space<vmem>>, %arg2: memref<10000x1xf32, #tpu.memory_space<vmem>>, %arg3: memref<10000x128xf32, #tpu.memory_space<vmem>>) attributes {dimension_semantics = [], scalar_prefetch = 0 : i64, scratch_operands = 0 : i64, tpu.core_type = #tpu.core_type<tc>} {
    %get3A = arith.constant 0 : index
    %get3A_0 = arith.constant 0 : index
    %get3A_1 = vector.load %arg0[%get3A, %get3A_0] : memref<10000x1xf32, #tpu.memory_space<vmem>>, vector<10000x1xf32>
    %add3A = arith.constant 1.000000e+00 : f32
    %add3A_2 = vector.broadcast %add3A : f32 to vector<10000x1xf32>
    %add3A_3 = arith.addf %get3A_1, %add3A_2 : vector<10000x1xf32>
    %rsqrt3A = math.rsqrt %add3A_3 : vector<10000x1xf32>
    %swap3A = arith.constant 0 : index
    %swap3A_4 = arith.constant 0 : index
    %swap3A_5 = vector.load %arg2[%swap3A, %swap3A_4] : memref<10000x1xf32, #tpu.memory_space<vmem>>, vector<10000x1xf32>
    tpu.vector_store %arg2[%swap3A, %swap3A_4], %rsqrt3A {strides = array<i32>} : memref<10000x1xf32, #tpu.memory_space<vmem>>, vector<10000x1xf32>,
    %get3A_6 = arith.constant 0 : index
    %get3A_7 = arith.constant 0 : index
    %get3A_8 = vector.load %arg1[%get3A_6, %get3A_7] : memref<10000x128xf32, #tpu.memory_space<vmem>>, vector<10000x128xf32>
    %mul3A = vector.broadcast %rsqrt3A : vector<10000x1xf32> to vector<10000x128xf32>
    %mul3A_9 = arith.mulf %get3A_8, %mul3A : vector<10000x128xf32>
    %swap3A_10 = arith.constant 0 : index
    %swap3A_11 = arith.constant 0 : index
    %swap3A_12 = vector.load %arg3[%swap3A_10, %swap3A_11] : memref<10000x128xf32, #tpu.memory_space<vmem>>, vector<10000x128xf32>
    tpu.vector_store %arg3[%swap3A_10, %swap3A_11], %mul3A_9 {strides = array<i32>} : memref<10000x128xf32, #tpu.memory_space<vmem>>, vector<10000x128xf32>,
    return
  }
}

module attributes {stable_mosaic.version = 14 : i64} {
  func.func @body(%arg0: memref<2x10240x128xf32, #tpu.memory_space<vmem>>, %arg1: memref<10000x128xf32, #tpu.memory_space<vmem>>, %arg2: memref<10000x1xf32, #tpu.memory_space<vmem>>, %arg3: memref<128x64xf32, #tpu.memory_space<vmem>>, %arg4: memref<1x64xf32, #tpu.memory_space<vmem>>, %arg5: memref<1x64xf32, #tpu.memory_space<vmem>>, %arg6: memref<1x64xf32, #tpu.memory_space<vmem>>, %arg7: memref<64x128xf32, #tpu.memory_space<vmem>>, %arg8: memref<10000x128xf32, #tpu.memory_space<vmem>>) attributes {dimension_semantics = [], scalar_prefetch = 0 : i64, scratch_operands = 0 : i64, tpu.core_type = #tpu.core_type<tc>} {
    %get3A = arith.constant 0 : index
    %get3A_0 = arith.constant 0 : index
    %get3A_1 = arith.constant 0 : index
    %get3A_2 = vector.load %arg0[%get3A, %get3A_0, %get3A_1] : memref<2x10240x128xf32, #tpu.memory_space<vmem>>, vector<1x10000x128xf32>
    %get3A_3 = vector.shape_cast %get3A_2 : vector<1x10000x128xf32> to vector<10000x128xf32>
    %get3A_4 = arith.constant 1 : index
    %get3A_5 = arith.constant 0 : index
    %get3A_6 = arith.constant 0 : index
    %get3A_7 = vector.load %arg0[%get3A_4, %get3A_5, %get3A_6] : memref<2x10240x128xf32, #tpu.memory_space<vmem>>, vector<1x10000x128xf32>
    %get3A_8 = vector.shape_cast %get3A_7 : vector<1x10000x128xf32> to vector<10000x128xf32>
    %add3A = arith.addf %get3A_3, %get3A_8 : vector<10000x128xf32>
    %get3A_9 = arith.constant 0 : index
    %get3A_10 = arith.constant 0 : index
    %get3A_11 = vector.load %arg1[%get3A_9, %get3A_10] : memref<10000x128xf32, #tpu.memory_space<vmem>>, vector<10000x128xf32>
    %add3A_12 = arith.addf %add3A, %get3A_11 : vector<10000x128xf32>
    %get3A_13 = arith.constant 0 : index
    %get3A_14 = arith.constant 0 : index
    %get3A_15 = vector.load %arg2[%get3A_13, %get3A_14] : memref<10000x1xf32, #tpu.memory_space<vmem>>, vector<10000x1xf32>
    %mul3A = vector.broadcast %get3A_15 : vector<10000x1xf32> to vector<10000x128xf32>
    %mul3A_16 = arith.mulf %add3A_12, %mul3A : vector<10000x128xf32>
    %get3A_17 = arith.constant 0 : index
    %get3A_18 = arith.constant 0 : index
    %get3A_19 = vector.load %arg3[%get3A_17, %get3A_18] : memref<128x64xf32, #tpu.memory_space<vmem>>, vector<128x64xf32>
    %dot_general3A = arith.constant dense<0.000000e+00> : vector<10000x64xf32>
    %dot_general3A_20 = tpu.matmul %mul3A_16, %get3A_19, %dot_general3A {dimension_numbers = #tpu.dot_dimension_numbers<[1], [0], [0], [1], [0, 0, 1, 1], [], []>, transpose_lhs_hint = false} : vector<10000x128xf32>, vector<128x64xf32>, vector<10000x64xf32> -> vector<10000x64xf32>
    %get3A_21 = arith.constant 0 : index
    %get3A_22 = arith.constant 0 : index
    %get3A_23 = vector.load %arg4[%get3A_21, %get3A_22] : memref<1x64xf32, #tpu.memory_space<vmem>>, vector<1x64xf32>
    %add3A_24 = vector.broadcast %get3A_23 : vector<1x64xf32> to vector<10000x64xf32>
    %add3A_25 = arith.addf %dot_general3A_20, %add3A_24 : vector<10000x64xf32>
    %reduce_sum3A = arith.constant dense<0.000000e+00> : vector<64xf32>
    %reduce_sum3A_26 = vector.multi_reduction <add>, %add3A_25, %reduce_sum3A [0] : vector<10000x64xf32> to vector<64xf32>
    %broadcast_in_dim3A = vector.shape_cast %reduce_sum3A_26 : vector<64xf32> to vector<1x64xf32>
    %div3A = arith.constant 1.000000e+04 : f32
    %div3A_27 = vector.broadcast %div3A : f32 to vector<1x64xf32>
    %div3A_28 = arith.divf %broadcast_in_dim3A, %div3A_27 : vector<1x64xf32>
    %sub3A = vector.broadcast %div3A_28 : vector<1x64xf32> to vector<10000x64xf32>
    %sub3A_29 = arith.subf %add3A_25, %sub3A : vector<10000x64xf32>
    %integer_pow3A = arith.mulf %sub3A_29, %sub3A_29 : vector<10000x64xf32>
    %reduce_sum3A_30 = arith.constant dense<0.000000e+00> : vector<64xf32>
    %reduce_sum3A_31 = vector.multi_reduction <add>, %integer_pow3A, %reduce_sum3A_30 [0] : vector<10000x64xf32> to vector<64xf32>
    %broadcast_in_dim3A_32 = vector.shape_cast %reduce_sum3A_31 : vector<64xf32> to vector<1x64xf32>
    %div3A_33 = arith.constant 1.000000e+04 : f32
    %div3A_34 = vector.broadcast %div3A_33 : f32 to vector<1x64xf32>
    %div3A_35 = arith.divf %broadcast_in_dim3A_32, %div3A_34 : vector<1x64xf32>
    %sub3A_36 = vector.broadcast %div3A_28 : vector<1x64xf32> to vector<10000x64xf32>
    %sub3A_37 = arith.subf %add3A_25, %sub3A_36 : vector<10000x64xf32>
    %add3A_38 = arith.constant 9.99999974E-6 : f32
    %add3A_39 = vector.broadcast %add3A_38 : f32 to vector<1x64xf32>
    %add3A_40 = arith.addf %div3A_35, %add3A_39 : vector<1x64xf32>
    %rsqrt3A = math.rsqrt %add3A_40 : vector<1x64xf32>
    %mul3A_41 = vector.broadcast %rsqrt3A : vector<1x64xf32> to vector<10000x64xf32>
    %mul3A_42 = arith.mulf %sub3A_37, %mul3A_41 : vector<10000x64xf32>
    %get3A_43 = arith.constant 0 : index
    %get3A_44 = arith.constant 0 : index
    %get3A_45 = vector.load %arg5[%get3A_43, %get3A_44] : memref<1x64xf32, #tpu.memory_space<vmem>>, vector<1x64xf32>
    %mul3A_46 = vector.broadcast %get3A_45 : vector<1x64xf32> to vector<10000x64xf32>
    %mul3A_47 = arith.mulf %mul3A_42, %mul3A_46 : vector<10000x64xf32>
    %get3A_48 = arith.constant 0 : index
    %get3A_49 = arith.constant 0 : index
    %get3A_50 = vector.load %arg6[%get3A_48, %get3A_49] : memref<1x64xf32, #tpu.memory_space<vmem>>, vector<1x64xf32>
    %add3A_51 = vector.broadcast %get3A_50 : vector<1x64xf32> to vector<10000x64xf32>
    %add3A_52 = arith.addf %mul3A_47, %add3A_51 : vector<10000x64xf32>
    %max3A = arith.constant 0.000000e+00 : f32
    %max3A_53 = vector.broadcast %max3A : f32 to vector<10000x64xf32>
    %max3A_54 = arith.maximumf %add3A_52, %max3A_53 : vector<10000x64xf32>
    %get3A_55 = arith.constant 0 : index
    %get3A_56 = arith.constant 0 : index
    %get3A_57 = vector.load %arg7[%get3A_55, %get3A_56] : memref<64x128xf32, #tpu.memory_space<vmem>>, vector<64x128xf32>
    %dot_general3A_58 = arith.constant dense<0.000000e+00> : vector<10000x128xf32>
    %dot_general3A_59 = tpu.matmul %max3A_54, %get3A_57, %dot_general3A_58 {dimension_numbers = #tpu.dot_dimension_numbers<[1], [0], [0], [1], [0, 0, 1, 1], [], []>, transpose_lhs_hint = false} : vector<10000x64xf32>, vector<64x128xf32>, vector<10000x128xf32> -> vector<10000x128xf32>
    %get3A_60 = arith.constant 0 : index
    %get3A_61 = arith.constant 0 : index
    %get3A_62 = vector.load %arg2[%get3A_60, %get3A_61] : memref<10000x1xf32, #tpu.memory_space<vmem>>, vector<10000x1xf32>
    %mul3A_63 = vector.broadcast %get3A_62 : vector<10000x1xf32> to vector<10000x128xf32>
    %mul3A_64 = arith.mulf %dot_general3A_59, %mul3A_63 : vector<10000x128xf32>
    %swap3A = arith.constant 0 : index
    %swap3A_65 = arith.constant 0 : index
    %swap3A_66 = vector.load %arg8[%swap3A, %swap3A_65] : memref<10000x128xf32, #tpu.memory_space<vmem>>, vector<10000x128xf32>
    tpu.vector_store %arg8[%swap3A, %swap3A_65], %mul3A_64 {strides = array<i32>} : memref<10000x128xf32, #tpu.memory_space<vmem>>, vector<10000x128xf32>,
    return
  }
}

module attributes {stable_mosaic.version = 14 : i64} {
  func.func @body(%arg0: memref<2x10240x128xf32, #tpu.memory_space<vmem>>, %arg1: memref<10000x128xf32, #tpu.memory_space<vmem>>, %arg2: memref<10000x1xf32, #tpu.memory_space<vmem>>, %arg3: memref<1x128xf32, #tpu.memory_space<vmem>>, %arg4: memref<1x128xf32, #tpu.memory_space<vmem>>, %arg5: memref<1x128xf32, #tpu.memory_space<vmem>>, %arg6: memref<10000x128xf32, #tpu.memory_space<vmem>>) attributes {dimension_semantics = [], scalar_prefetch = 0 : i64, scratch_operands = 0 : i64, tpu.core_type = #tpu.core_type<tc>} {
    %get3A = arith.constant 0 : index
    %get3A_0 = arith.constant 0 : index
    %get3A_1 = arith.constant 0 : index
    %get3A_2 = vector.load %arg0[%get3A, %get3A_0, %get3A_1] : memref<2x10240x128xf32, #tpu.memory_space<vmem>>, vector<1x10000x128xf32>
    %get3A_3 = vector.shape_cast %get3A_2 : vector<1x10000x128xf32> to vector<10000x128xf32>
    %get3A_4 = arith.constant 1 : index
    %get3A_5 = arith.constant 0 : index
    %get3A_6 = arith.constant 0 : index
    %get3A_7 = vector.load %arg0[%get3A_4, %get3A_5, %get3A_6] : memref<2x10240x128xf32, #tpu.memory_space<vmem>>, vector<1x10000x128xf32>
    %get3A_8 = vector.shape_cast %get3A_7 : vector<1x10000x128xf32> to vector<10000x128xf32>
    %add3A = arith.addf %get3A_3, %get3A_8 : vector<10000x128xf32>
    %get3A_9 = arith.constant 0 : index
    %get3A_10 = arith.constant 0 : index
    %get3A_11 = vector.load %arg1[%get3A_9, %get3A_10] : memref<10000x128xf32, #tpu.memory_space<vmem>>, vector<10000x128xf32>
    %add3A_12 = arith.addf %add3A, %get3A_11 : vector<10000x128xf32>
    %get3A_13 = arith.constant 0 : index
    %get3A_14 = arith.constant 0 : index
    %get3A_15 = vector.load %arg2[%get3A_13, %get3A_14] : memref<10000x1xf32, #tpu.memory_space<vmem>>, vector<10000x1xf32>
    %mul3A = vector.broadcast %get3A_15 : vector<10000x1xf32> to vector<10000x128xf32>
    %mul3A_16 = arith.mulf %add3A_12, %mul3A : vector<10000x128xf32>
    %get3A_17 = arith.constant 0 : index
    %get3A_18 = arith.constant 0 : index
    %get3A_19 = vector.load %arg3[%get3A_17, %get3A_18] : memref<1x128xf32, #tpu.memory_space<vmem>>, vector<1x128xf32>
    %add3A_20 = vector.broadcast %get3A_19 : vector<1x128xf32> to vector<10000x128xf32>
    %add3A_21 = arith.addf %mul3A_16, %add3A_20 : vector<10000x128xf32>
    %reduce_sum3A = arith.constant dense<0.000000e+00> : vector<128xf32>
    %reduce_sum3A_22 = vector.multi_reduction <add>, %add3A_21, %reduce_sum3A [0] : vector<10000x128xf32> to vector<128xf32>
    %broadcast_in_dim3A = vector.shape_cast %reduce_sum3A_22 : vector<128xf32> to vector<1x128xf32>
    %div3A = arith.constant 1.000000e+04 : f32
    %div3A_23 = vector.broadcast %div3A : f32 to vector<1x128xf32>
    %div3A_24 = arith.divf %broadcast_in_dim3A, %div3A_23 : vector<1x128xf32>
    %sub3A = vector.broadcast %div3A_24 : vector<1x128xf32> to vector<10000x128xf32>
    %sub3A_25 = arith.subf %add3A_21, %sub3A : vector<10000x128xf32>
    %integer_pow3A = arith.mulf %sub3A_25, %sub3A_25 : vector<10000x128xf32>
    %reduce_sum3A_26 = arith.constant dense<0.000000e+00> : vector<128xf32>
    %reduce_sum3A_27 = vector.multi_reduction <add>, %integer_pow3A, %reduce_sum3A_26 [0] : vector<10000x128xf32> to vector<128xf32>
    %broadcast_in_dim3A_28 = vector.shape_cast %reduce_sum3A_27 : vector<128xf32> to vector<1x128xf32>
    %div3A_29 = arith.constant 1.000000e+04 : f32
    %div3A_30 = vector.broadcast %div3A_29 : f32 to vector<1x128xf32>
    %div3A_31 = arith.divf %broadcast_in_dim3A_28, %div3A_30 : vector<1x128xf32>
    %sub3A_32 = vector.broadcast %div3A_24 : vector<1x128xf32> to vector<10000x128xf32>
    %sub3A_33 = arith.subf %add3A_21, %sub3A_32 : vector<10000x128xf32>
    %add3A_34 = arith.constant 9.99999974E-6 : f32
    %add3A_35 = vector.broadcast %add3A_34 : f32 to vector<1x128xf32>
    %add3A_36 = arith.addf %div3A_31, %add3A_35 : vector<1x128xf32>
    %rsqrt3A = math.rsqrt %add3A_36 : vector<1x128xf32>
    %mul3A_37 = vector.broadcast %rsqrt3A : vector<1x128xf32> to vector<10000x128xf32>
    %mul3A_38 = arith.mulf %sub3A_33, %mul3A_37 : vector<10000x128xf32>
    %get3A_39 = arith.constant 0 : index
    %get3A_40 = arith.constant 0 : index
    %get3A_41 = vector.load %arg4[%get3A_39, %get3A_40] : memref<1x128xf32, #tpu.memory_space<vmem>>, vector<1x128xf32>
    %mul3A_42 = vector.broadcast %get3A_41 : vector<1x128xf32> to vector<10000x128xf32>
    %mul3A_43 = arith.mulf %mul3A_38, %mul3A_42 : vector<10000x128xf32>
    %get3A_44 = arith.constant 0 : index
    %get3A_45 = arith.constant 0 : index
    %get3A_46 = vector.load %arg5[%get3A_44, %get3A_45] : memref<1x128xf32, #tpu.memory_space<vmem>>, vector<1x128xf32>
    %add3A_47 = vector.broadcast %get3A_46 : vector<1x128xf32> to vector<10000x128xf32>
    %add3A_48 = arith.addf %mul3A_43, %add3A_47 : vector<10000x128xf32>
    %max3A = arith.constant 0.000000e+00 : f32
    %max3A_49 = vector.broadcast %max3A : f32 to vector<10000x128xf32>
    %max3A_50 = arith.maximumf %add3A_48, %max3A_49 : vector<10000x128xf32>
    %get3A_51 = arith.constant 0 : index
    %get3A_52 = arith.constant 0 : index
    %get3A_53 = vector.load %arg2[%get3A_51, %get3A_52] : memref<10000x1xf32, #tpu.memory_space<vmem>>, vector<10000x1xf32>
    %mul3A_54 = vector.broadcast %get3A_53 : vector<10000x1xf32> to vector<10000x128xf32>
    %mul3A_55 = arith.mulf %max3A_50, %mul3A_54 : vector<10000x128xf32>
    %swap3A = arith.constant 0 : index
    %swap3A_56 = arith.constant 0 : index
    %swap3A_57 = vector.load %arg6[%swap3A, %swap3A_56] : memref<10000x128xf32, #tpu.memory_space<vmem>>, vector<10000x128xf32>
    tpu.vector_store %arg6[%swap3A, %swap3A_56], %mul3A_55 {strides = array<i32>} : memref<10000x128xf32, #tpu.memory_space<vmem>>, vector<10000x128xf32>,
    return
  }
}

module attributes {stable_mosaic.version = 14 : i64} {
  func.func @body(%arg0: memref<2x10240x128xf32, #tpu.memory_space<vmem>>, %arg1: memref<10000x128xf32, #tpu.memory_space<vmem>>, %arg2: memref<10000x1xf32, #tpu.memory_space<vmem>>, %arg3: memref<128x16xf32, #tpu.memory_space<vmem>>, %arg4: memref<1x16xf32, #tpu.memory_space<vmem>>, %arg5: memref<10000x1xi32, #tpu.memory_space<vmem>>, %arg6: memref<128x16xf32, #tpu.memory_space<vmem>>) attributes {dimension_semantics = [], scalar_prefetch = 0 : i64, scratch_operands = 0 : i64, tpu.core_type = #tpu.core_type<tc>} {
    %get3A = arith.constant 0 : index
    %get3A_0 = arith.constant 0 : index
    %get3A_1 = arith.constant 0 : index
    %get3A_2 = vector.load %arg0[%get3A, %get3A_0, %get3A_1] : memref<2x10240x128xf32, #tpu.memory_space<vmem>>, vector<1x10000x128xf32>
    %get3A_3 = vector.shape_cast %get3A_2 : vector<1x10000x128xf32> to vector<10000x128xf32>
    %get3A_4 = arith.constant 1 : index
    %get3A_5 = arith.constant 0 : index
    %get3A_6 = arith.constant 0 : index
    %get3A_7 = vector.load %arg0[%get3A_4, %get3A_5, %get3A_6] : memref<2x10240x128xf32, #tpu.memory_space<vmem>>, vector<1x10000x128xf32>
    %get3A_8 = vector.shape_cast %get3A_7 : vector<1x10000x128xf32> to vector<10000x128xf32>
    %add3A = arith.addf %get3A_3, %get3A_8 : vector<10000x128xf32>
    %get3A_9 = arith.constant 0 : index
    %get3A_10 = arith.constant 0 : index
    %get3A_11 = vector.load %arg1[%get3A_9, %get3A_10] : memref<10000x128xf32, #tpu.memory_space<vmem>>, vector<10000x128xf32>
    %add3A_12 = arith.addf %add3A, %get3A_11 : vector<10000x128xf32>
    %get3A_13 = arith.constant 0 : index
    %get3A_14 = arith.constant 0 : index
    %get3A_15 = vector.load %arg2[%get3A_13, %get3A_14] : memref<10000x1xf32, #tpu.memory_space<vmem>>, vector<10000x1xf32>
    %mul3A = vector.broadcast %get3A_15 : vector<10000x1xf32> to vector<10000x128xf32>
    %mul3A_16 = arith.mulf %add3A_12, %mul3A : vector<10000x128xf32>
    %get3A_17 = arith.constant 0 : index
    %get3A_18 = arith.constant 0 : index
    %get3A_19 = vector.load %arg3[%get3A_17, %get3A_18] : memref<128x16xf32, #tpu.memory_space<vmem>>, vector<128x16xf32>
    %dot_general3A = arith.constant dense<0.000000e+00> : vector<10000x16xf32>
    %dot_general3A_20 = tpu.matmul %mul3A_16, %get3A_19, %dot_general3A {dimension_numbers = #tpu.dot_dimension_numbers<[1], [0], [0], [1], [0, 0, 1, 1], [], []>, transpose_lhs_hint = false} : vector<10000x128xf32>, vector<128x16xf32>, vector<10000x16xf32> -> vector<10000x16xf32>
    %get3A_21 = arith.constant 0 : index
    %get3A_22 = arith.constant 0 : index
    %get3A_23 = vector.load %arg4[%get3A_21, %get3A_22] : memref<1x16xf32, #tpu.memory_space<vmem>>, vector<1x16xf32>
    %add3A_24 = vector.broadcast %get3A_23 : vector<1x16xf32> to vector<10000x16xf32>
    %add3A_25 = arith.addf %dot_general3A_20, %add3A_24 : vector<10000x16xf32>
    %iota3A = tpu.iota {dimensions = array<i32: 1>} : vector<10000x128xi32>
    %get3A_26 = arith.constant 0 : index
    %get3A_27 = arith.constant 0 : index
    %get3A_28 = vector.load %arg5[%get3A_26, %get3A_27] : memref<10000x1xi32, #tpu.memory_space<vmem>>, vector<10000x1xi32>
    %eq3A = vector.broadcast %get3A_28 : vector<10000x1xi32> to vector<10000x128xi32>
    %eq3A_29 = arith.cmpi eq, %eq3A, %iota3A : vector<10000x128xi32>
    %convert_element_type3A = arith.extui %eq3A_29 : vector<10000x128xi1> to vector<10000x128xi32>
    %convert_element_type3A_30 = arith.sitofp %convert_element_type3A : vector<10000x128xi32> to vector<10000x128xf32>
    %dot_general3A_31 = arith.constant dense<0.000000e+00> : vector<128x16xf32>
    %dot_general3A_32 = tpu.matmul %convert_element_type3A_30, %add3A_25, %dot_general3A_31 {dimension_numbers = #tpu.dot_dimension_numbers<[0], [0], [1], [1], [0, 1, 1, 1], [], []>, transpose_lhs_hint = false} : vector<10000x128xf32>, vector<10000x16xf32>, vector<128x16xf32> -> vector<128x16xf32>
    %reduce_sum3A = arith.constant dense<0.000000e+00> : vector<128xf32>
    %reduce_sum3A_33 = vector.multi_reduction <add>, %convert_element_type3A_30, %reduce_sum3A [0] : vector<10000x128xf32> to vector<128xf32>
    %broadcast_in_dim3A = vector.shape_cast %reduce_sum3A_33 : vector<128xf32> to vector<128x1xf32>
    %max3A = arith.constant 1.000000e+00 : f32
    %max3A_34 = vector.broadcast %max3A : f32 to vector<128x1xf32>
    %max3A_35 = arith.maximumf %broadcast_in_dim3A, %max3A_34 : vector<128x1xf32>
    %div3A = vector.broadcast %max3A_35 : vector<128x1xf32> to vector<128x16xf32>
    %div3A_36 = arith.divf %dot_general3A_32, %div3A : vector<128x16xf32>
    %reduce_max3A = arith.constant dense<0xFF800000> : vector<128xf32>
    %reduce_max3A_37 = vector.multi_reduction <maximumf>, %div3A_36, %reduce_max3A [1] : vector<128x16xf32> to vector<128xf32>
    %broadcast_in_dim3A_38 = vector.shape_cast %reduce_max3A_37 : vector<128xf32> to vector<128x1xf32>
    %sub3A = vector.broadcast %broadcast_in_dim3A_38 : vector<128x1xf32> to vector<128x16xf32>
    %sub3A_39 = arith.subf %div3A_36, %sub3A : vector<128x16xf32>
    %exp3A = math.exp %sub3A_39 : vector<128x16xf32>
    %reduce_sum3A_40 = arith.constant dense<0.000000e+00> : vector<128xf32>
    %reduce_sum3A_41 = vector.multi_reduction <add>, %exp3A, %reduce_sum3A_40 [1] : vector<128x16xf32> to vector<128xf32>
    %broadcast_in_dim3A_42 = vector.shape_cast %reduce_sum3A_41 : vector<128xf32> to vector<128x1xf32>
    %log3A = math.log %broadcast_in_dim3A_42 : vector<128x1xf32>
    %sub3A_43 = vector.broadcast %log3A : vector<128x1xf32> to vector<128x16xf32>
    %sub3A_44 = arith.subf %sub3A_39, %sub3A_43 : vector<128x16xf32>
    %swap3A = arith.constant 0 : index
    %swap3A_45 = arith.constant 0 : index
    %swap3A_46 = vector.load %arg6[%swap3A, %swap3A_45] : memref<128x16xf32, #tpu.memory_space<vmem>>, vector<128x16xf32>
    tpu.vector_store %arg6[%swap3A, %swap3A_45], %sub3A_44 {strides = array<i32>} : memref<128x16xf32, #tpu.memory_space<vmem>>, vector<128x16xf32>,
    return
  }
}

</mosaic_0001>

<sc_bundles>
// kernel: kernel.10.cloned.1.call-start
scs
__scs_entry_jumppad:
0x0: {  	(pc) =	sbr.rel $0x88, $3  }
0x1: {  	(tag) =	ssettag $0x0;
	lr =	simm.s32 $0x1  }
0x2: {  	[smem:$0x3F94] =	sst lr;
	_ =	strace $0xD0000000  }
0x3: {  	_ = 	snop  }
0x4: {  	_ = 	snop  }
0x5: {  	_ = 	snop  }
0x6: {  	_ = 	snop  }
0x7: {  	_ = 	snop  }
__scs_overlays_trampoline_lowered:
0x8: {  	[smem:$0x3FA3] =	sst s0  }
0x9: {  	[smem:$0x3FA4] =	sst s1  }
0xa: {  	[smem:$0x3FA5] =	sst s2  }
0xb: {  	[smem:$0x3FA6] =	sst s3  }
0xc: {  	[smem:$0x3FA7] =	sst s4  }
0xd: {  	[smem:$0x3FA8] =	sst s5  }
0xe: {  	[smem:$0x3FA9] =	sst s6  }
0xf: {  	[smem:$0x3FAA] =	sst s7  }
0x10: {  	[smem:$0x3FAB] =	sst s8  }
0x11: {  	[smem:$0x3FAC] =	sst s9;
	s0 =	simm.s32 @!p0 $0x0  }
0x12: {  	s1 =	sld [smem:$0x3F92];
	s0 =	simm.s32 @p0 $0x1  }
0x13: {  	[smem:$0x3FAD] =	sst s0;
	s0 =	simm.s32 @!p1 $0x0  }
0x14: {  	s2 =	sld [smem:$0x3F91];
	s0 =	simm.s32 @p1 $0x1  }
0x15: {  	[smem:$0x3FAE] =	sst s0;
	s0 =	simm.s32 @!p2 $0x0  }
0x16: {  	s3 =	sld [smem:$0x3FDB];
	s0 =	simm.s32 @p2 $0x1  }
0x17: {  	s4 =	simm.s32 $0x1BF5;
	[smem:$0x3FB0] =	sst s0  }
0x18: {  	s0 =	sld [smem:$0x3F93];
	_ =	swait.ge [sflag:s4], $0x0  }
0x19: {  	s7 =	sld [smem:$0x3F94]  }
0x1a: {  	s8 =	sadd.s32 $0xFFFFE003, lr  }
0x1b: {  	s9 =	sadd.s32 $0xFFFFFEF7, lr;
	s5 =	simm.s32 $0xFFFFFFFF;
	p2 =	slt.u32 s8, $0xFFFFF086  }
0x1c: {  	p1 =	slt.u32 s9, $0xF7A;
	s5 =	simm.s32 @!p2 $0x0  }
0x1d: {  	s5 =	simm.s32 @p1 $0x1;
	p0 =	seq.s32 s7, s2  }
0x1e: {  	s7 =	smul.u32 @!p0 $0xF7A, s2;
	p2 =	seq.s32 @!p0 s5, $0x0  }
0x1f: {  	s9 =	smul.u32 $0xF7A, s1;
	s8 =	simm.s32 @!p0 $0x1BF5;
	p2 =	por !p2, p0  }
0x20: {  	[sflag:s8] =	ssyncset.s32 @!p0 $0xFFFFF086;
	s6 =	sadd.s32 @!p0 s3, s7;
	s7 =	simm.s32 @!p0 $0x108  }
0x21: {  	s3 =	sadd.s32 s3, s9;
	s6 =	sadd.s32 @!p0 $0x88, s6;
	s7 =	simm.s32 @p2 $0x1082  }
0x22: {  	[simem:s7], [sflag:s8] =	dma.local @!p0 [hbm:s6], $0xF7A  }
0x23: {  	s9 =	sor.u32 $0xD0000000, s2;
	s6 =	simm.s32 $0x108;
	_ =	swait.ge @!p0 [sflag:s8], $0x0  }
0x24: {  	s3 =	sadd.s32 $0x88, s3;
	s6 =	simm.s32 @!p1 $0x1082;
	[sflag:s4] =	ssyncset.s32 $0xFFFFF086  }
0x25: {  	[simem:s6], [sflag:s4] =	dma.local [hbm:s3], $0xF7A  }
0x26: {  	[smem:$0x3F94] =	sst s1;
	(tag) =	ssettag s2;
	_ =	strace s9  }
0x27: {  	s1 =	sld [smem:$0x3FA4]  }
0x28: {  	s2 =	sld [smem:$0x3FA5]  }
0x29: {  	s4 =	sld [smem:$0x3FA7]  }
0x2a: {  	p0 =	seq.s32 s5, $0x0;
	s5 =	sld [smem:$0x3FA8]  }
0x2b: {  	s6 =	sld [smem:$0x3FA9]  }
0x2c: {  	s7 =	sld [smem:$0x3FAA]  }
0x2d: {  	s3 =	simm.s32 $0x108;
	s8 =	sld [smem:$0x3FAB]  }
0x2e: {  	s3 =	simm.s32 @!p0 $0x1082;
	s9 =	sld [smem:$0x3FAC]  }
0x2f: {  	lr =	sadd.s32 s0, s3;
	s0 =	sld [smem:$0x3FA3]  }
0x30: {  	s3 =	sld [smem:$0x3FA6]  }
0x31: {  	[smem:$0x3FAF] =	sst s10  }
0x32: {  	s10 =	sld [smem:$0x3FAD];
	_ =	sdelay $0x3  }
0x33: {  	p0 =	seq.s32 s10, $0x1;
	s10 =	sld [smem:$0x3FAF];
	_ =	sdelay $0x3  }
0x34: {  	[smem:$0x3FAF] =	sst s10  }
0x35: {  	s10 =	sld [smem:$0x3FAE];
	_ =	sdelay $0x3  }
0x36: {  	p1 =	seq.s32 s10, $0x1;
	s10 =	sld [smem:$0x3FAF];
	_ =	sdelay $0x3  }
0x37: {  	[smem:$0x3FAF] =	sst s10  }
0x38: {  	s10 =	sld [smem:$0x3FB0]  }
0x39: {  	_ = 	snop;
	(pc) =	sbr.ind lr, $3  }
0x3a: {  	_ = 	snop  }
0x3b: {  	_ = 	snop  }
0x3c: {  	p2 =	seq.s32 s10, $0x1;
	s10 =	sld [smem:$0x3FAF]  }
0x3d: {  	_ =	shalt  }
0x3e: {  	_ =	shalt  }
0x3f: {  	_ =	shalt  }
0x40: {  	_ =	shalt  }
0x41: {  	_ =	shalt  }
0x42: {  	_ =	shalt  }
0x43: {  	_ =	shalt  }
0x44: {  	_ =	shalt  }
0x45: {  	_ =	shalt  }
0x46: {  	_ =	shalt  }
0x47: {  	_ =	shalt  }
0x48: {  	_ =	shalt  }
0x49: {  	_ =	shalt  }
0x4a: {  	_ =	shalt  }
0x4b: {  	_ =	shalt  }
0x4c: {  	_ =	shalt  }
0x4d: {  	_ =	shalt  }
0x4e: {  	_ =	shalt  }
0x4f: {  	_ =	shalt  }
0x50: {  	_ =	shalt  }
0x51: {  	_ =	shalt  }
0x52: {  	_ =	shalt  }
0x53: {  	_ =	shalt  }
0x54: {  	_ =	shalt  }
0x55: {  	_ =	shalt  }
0x56: {  	_ =	shalt  }
0x57: {  	_ =	shalt  }
0x58: {  	_ =	shalt  }
0x59: {  	_ =	shalt  }
0x5a: {  	_ =	shalt  }
0x5b: {  	_ =	shalt  }
0x5c: {  	_ =	shalt  }
0x5d: {  	_ =	shalt  }
0x5e: {  	_ =	shalt  }
0x5f: {  	_ =	shalt  }
0x60: {  	_ =	shalt  }
0x61: {  	_ =	shalt  }
0x62: {  	_ =	shalt  }
0x63: {  	_ =	shalt  }
0x64: {  	_ =	shalt  }
0x65: {  	_ =	shalt  }
0x66: {  	_ =	shalt  }
0x67: {  	_ =	shalt  }
0x68: {  	_ =	shalt  }
0x69: {  	_ =	shalt  }
0x6a: {  	_ =	shalt  }
0x6b: {  	_ =	shalt  }
0x6c: {  	_ =	shalt  }
0x6d: {  	_ =	shalt  }
0x6e: {  	_ =	shalt  }
0x6f: {  	_ =	shalt  }
0x70: {  	_ =	shalt  }
0x71: {  	_ =	shalt  }
0x72: {  	_ =	shalt  }
0x73: {  	_ =	shalt  }
0x74: {  	_ =	shalt  }
0x75: {  	_ =	shalt  }
0x76: {  	_ =	shalt  }
0x77: {  	_ =	shalt  }
0x78: {  	_ =	shalt  }
0x79: {  	_ =	shalt  }
0x7a: {  	_ =	shalt  }
0x7b: {  	_ =	shalt  }
0x7c: {  	_ =	shalt  }
0x7d: {  	_ =	shalt  }
0x7e: {  	_ =	shalt  }
0x7f: {  	_ =	shalt  }
0x80: {  	_ =	shalt  }
0x81: {  	_ =	shalt  }
0x82: {  	_ =	shalt  }
0x83: {  	_ =	shalt  }
0x84: {  	_ =	shalt  }
0x85: {  	_ =	shalt  }
0x86: {  	_ =	shalt  }
0x87: {  	_ =	shalt  }
.Lfunc_end0:
.L_simem_size_0:
called_computation_lowered:
.L_overlay_start_0:
0x88: {  	s2 =	sld [smem:$0x3FD9]  }
0x89: {  	s3 =	sld [smem:$0x3FFE];
	_ =	sdelay $0x1  }
0x8a: {  	s1 =	srdreg.scid  }
0x8b: {  	s0 =	sand.u32 $0x1, s1  }
0x8c: {  	s16 =	sshll.u32 s0, $0xA;
	s2 =	sadd.s32 s3, s2  }
0x8d: {  	s2 =	sadd.s32 s2, s16  }
0x8e: {  	[smem:$0x3FBB] =	sst s2  }
0x8f: {  	_ = 	snop  }
0x90: {  	(tm) =	ssettm $0x1  }
0x91: {  	s17 =	sld [smem:$0x3FFB];
	_ =	sdelay $0x3  }
0x92: {  	_ =	strace s17  }
0x93: {  	s2 =	sld [smem:$0x3FFC];
	_ =	sdelay $0x3  }
0x94: {  	_ =	strace s2  }
0x95: {  	s2 =	sld [smem:$0x3FFD];
	_ =	sdelay $0x3  }
0x96: {  	_ =	strace s2  }
0x97: {  	_ =	strace $0x8FFFFFFF  }
0x98: {  	s18 =	sld [smem:$0x3FDB];
	_ =	sdelay $0x1  }
0x99: {  	s19 =	simm.s32 $_scs_section_size  }
0x9a: {  	s4 =	simm.s32 $_size__tile_overlayer_lowered;
	s5 =	simm.s32 $_tile_overlayer_lowered  }
0x9b: {  	s22 =	simm.s32 $0x1BFF;
	s21 =	sshll.u32 s5, $0x1;
	s2 =	sadd.s32 s19, s18  }
0x9c: {  	s6 =	simm.s32 $0x0;
	s20 =	sshll.u32 s4, $0x1;
	s4 =	sadd.s32 s21, s2  }
0x9d: {  	[timem:s6], [sflag:s22] =	dma.local [hbm:s4], s20  }
0x9e: {  	_ =	swait.ge [sflag:s22], s20  }
0x9f: {  	s3 =	ssub.s32 $0x0, s20;
	[sflag:s22] =	ssyncset.done $0x0  }
0xa0: {  	[sflag:s22] =	ssyncadd.s32 s3;
	_ =	sdelay $0x1  }
0xa1: {  	s23 =	simm.s32 $0x1B8B  }
0xa2: {  	_ =	swait.ge [sflag:s23], $0x1  }
0xa3: {  	[sflag:s23] =	ssyncset.done $0x0  }
0xa4: {  	s25 =	simm.s32 $0x1B8E;
	s24 =	sld [smem:$0x3FFE];
	[sflag:s23] =	ssyncadd.s32 $0xFFFFFFFF  }
0xa5: {  	s26 =	simm.s32 $execute0_lowered;
	[smem:$0x3FD2] =	sst s25  }
0xa6: {  	s4 =	sshll.u32 s26, $0x1;
	_ =	strace $0x80000046;
	[dreg:$0x1] =	wrdreg $0xFFFFFFFF  }
0xa7: {  	s28 =	simm.s32 $_size_execute0_lowered;
	s2 =	sadd.s32 s2, s4;
	[dreg:$0x0] =	wrdreg $0x0  }
0xa8: {  	s4 =	sshll.u32 s28, $0x1;
	[dreg:$0x2] =	wrdreg s2  }
0xa9: {  	[dreg:$0x3] =	wrdreg s4  }
0xaa: {  	[dreg:$0x4] =	wrdreg $0xC0  }
0xab: {  	_ =	task [dreg:s6], $0x5FFFF  }
0xac: {  	[dreg:$0x1] =	wrdreg $0xFFFFFFFF  }
0xad: {  	[dreg:$0x0] =	wrdreg $0x60  }
0xae: {  	[dreg:$0x2] =	wrdreg s24  }
0xaf: {  	[dreg:$0x3] =	wrdreg $0x9  }
0xb0: {  	_ =	task.clear_ibuf [dreg:s6], $0x4FFFF;
	_ =	strace $0x90000046  }
0xb1: {  	s29 =	simm.s32 $0x9;
	_ =	strace $0x80000048  }
0xb2: {  	_ =	swait.ge [sflag:s29], $0x1  }
0xb3: {  	[sflag:s29] =	ssyncadd.s32 $0xFFFFFFFF  }
0xb4: {  	_ =	strace $0x90000048  }
0xb5: {  	_ =	sfence  }
0xb6: {  	s30 =	sld [smem:$0x0];
	_ =	sdelay $0x2  }
0xb7: {  	s31 =	sshll.u32 s1, $0xD;
	s1 =	sshrl.u32 s1, $0x2  }
0xb8: {  	s3 =	sand.u32 $0x4000, s31;
	s1 =	sadd.s32 s1, s30  }
0xb9: {  	s0 =	sor.u32 s3, s0;
	s1 =	sshll.u32 s1, $0x11  }
0xba: {  	s0 =	sor.u32 s1, s0  }
0xbb: {  	s0 =	sadd.s32 $0x8F2B, s0  }
0xbc: {  	[sflag:s0] =	ssyncadd.remote.s32 $0x1  }
0xbd: {  	_ =	sfence.sel $0xFFFF  }
0xbe: {  	[dreg:$0x0] =	wrdreg $0xFFFFFFFF;
	(pc) =	sbr.abs _section_cstart, $3  }
0xbf: {  	[dreg:$0x1] =	wrdreg $0xFFFFFFFF  }
0xc0: {  	_ =	task.clear_ibuf [dreg:s6], $0x2FFFF;
	_ =	strace $0x9FFFFFFF  }
0xc1: {  	(tm) =	ssettm $0x7FFFFFFF  }
tec
execute0_lowered:
.L_overlay_start_1:
0x0: {  	(tag) =	ssettag $0x1  }
0x1: {  	s1 =	srdreg.scid  }
0x2: {  	s0 =	stileid.u32;
	s4 =	rddreg [dreg:$0x0]  }
0x3: {  	s2 =	simm.s32 $0x0;
	s9 =	simm.s32 $0x80;
	s10 =	simm.s32 $0x200  }
0x4: {  	s11 =	simm.s32 $0x2800;
	s12 =	simm.s32 $0x1;
	s3 =	sand.u32 $0x1, s1  }
0x5: {  	s13 =	simm.s32 $0x400;
	s6 =	sshrl.u32 s0, $0x3;
	s5 =	smul.u32 $0x28000, s3  }
0x6: {  	s14 =	simm.s32 $0x0;
	s1 =	rddreg [dreg:$0x1];
	s6 =	smul.u32 $0x14000, s6  }
0x7: {  	[smem:$0x7FF] =	sst s2;
	s7 =	smul.u32 $0x2800, s0;
	s8 =	sshll.u32 s0, $0x7  }
0x8: {  	_ =	strace $0x80000047;
	s8 =	sand.u32 $0x380, s8;
	s6 =	sadd.s32 s5, s6  }
0x9: {  	s3 =	ssub.s32 $0x2, s3;
	s5 =	sadd.s32 s7, s5;
	s6 =	sor.u32 s8, s6  }
0xa: {  	s29 =	sshrl.u32 s3, $0x1;
	s5 =	sshrl.u32 s5, $0x3;
	s6 =	sshrl.u32 s6, $0x3  }
0xb: {  	s31 =	ssub.s32 s3, s29;
	s30 =	sadd.s32 s5, s4;
	s4 =	sadd.s32 s6, s4  }
0xc: {  	s5 =	sadd.s32 $0x3400, s30;
	s6 =	sadd.s32 $0x3410, s30;
	s7 =	sadd.s32 $0x3420, s30  }
0xd: {  	v0 =	vimm.f32 $0.0e+00;
	v1 =	vimm.f32 $1.000000000e+00;
	s8 =	sadd.s32 $0x3430, s30;
	s3 =	sadd.s32 $0xD400, s4;
	s4 =	smax.u32 s31, $0x1  }
.LBB2_1:
0xe: {  	s15 =	simm.s32 $0x40;
	s16 =	simm.s32 $0x0  }
.LBB2_2:
0xf: {  	p0 =	sne.s32 s15, $0x9FC0;
	[tilespmem:s16+$0x0] =	vst v0;
	s16 =	smov.u32 s15;
	s15 =	sadd.s32 $0x40, s15  }
.Ltmp0:
0x10: {  	(pc) =	sbr.rel @p0 .LBB2_2-.Ltmp0, $2  }
0x11: {  	_ =	sdelay $0x2  }
0x12: {  	s16 =	sshra.s32 s16, $0x2  }
0x13: {  	[tilespmem:s16+$0x0] =	vst v0  }
0x14: {  	[tilespmem:s11], [sflag:$0x1] =	stream.strided.gather [hbm4b:s5+s9], $0xA00, s10, s9, $0x38;
	[tilespmem:$0x3200] =	vst v63  }
0x15: {  	_ =	swait.ge [sflag:s12], $0xA00  }
0x16: {  	[sflag:s12] =	ssyncset.done $0x0  }
0x17: {  	s16 =	simm.s32 $0x0;
	s15 =	simm.s32 $0x40;
	[sflag:s12] =	ssyncadd.s32 $0xFFFFF600  }
.LBB2_4:
0x18: {  	p0 =	sne.s32 s15, $0x27C0;
	v2 =	vld [tilespmem:s16+$0x2800];
	_ =	sdelay $0x3  }
.Ltmp1:
0x19: {  	(pc) =	sbr.rel @p0 .LBB2_4-.Ltmp1, $2  }
0x1a: {  	_ =	sdelay $0x2  }
0x1b: {  	s16 =	sshra.s32 s15, $0x2;
	s15 =	sadd.s32 $0x40, s15;
	[tilespmem:v2+s2+$0x0] =	vst.idx.add.f32.msk $0xffff, v1  }
0x1c: {  	v2 =	vld [tilespmem:s16+$0x2800];
	_ =	sdelay $0x7  }
0x1d: {  	[tilespmem:v2+s2+$0x0] =	vst.idx.add.f32.msk $0xffff, v1  }
0x1e: {  	[tilespmem:s11], [sflag:$0x1] =	stream.strided.gather [hbm4b:s6+s9], $0xA00, s10, s9, $0x38;
	[tilespmem:$0x3200] =	vst v63  }
0x1f: {  	_ =	swait.ge [sflag:s12], $0xA00  }
0x20: {  	[sflag:s12] =	ssyncset.done $0x0  }
0x21: {  	s16 =	simm.s32 $0x0;
	s15 =	simm.s32 $0x40;
	[sflag:s12] =	ssyncadd.s32 $0xFFFFF600  }
.LBB2_6:
0x22: {  	p0 =	sne.s32 s15, $0x27C0;
	v2 =	vld [tilespmem:s16+$0x2800];
	_ =	sdelay $0x3  }
.Ltmp2:
0x23: {  	(pc) =	sbr.rel @p0 .LBB2_6-.Ltmp2, $2  }
0x24: {  	_ =	sdelay $0x2  }
0x25: {  	s16 =	sshra.s32 s15, $0x2;
	s15 =	sadd.s32 $0x40, s15;
	[tilespmem:v2+s2+$0x0] =	vst.idx.add.f32.msk $0xffff, v1  }
0x26: {  	v2 =	vld [tilespmem:s16+$0x2800];
	_ =	sdelay $0x7  }
0x27: {  	[tilespmem:v2+s2+$0x0] =	vst.idx.add.f32.msk $0xffff, v1  }
0x28: {  	[tilespmem:s11], [sflag:$0x1] =	stream.strided.gather [hbm4b:s7+s9], $0xA00, s10, s9, $0x38;
	[tilespmem:$0x3200] =	vst v63  }
0x29: {  	_ =	swait.ge [sflag:s12], $0xA00  }
0x2a: {  	[sflag:s12] =	ssyncset.done $0x0  }
0x2b: {  	s16 =	simm.s32 $0x0;
	s15 =	simm.s32 $0x40;
	[sflag:s12] =	ssyncadd.s32 $0xFFFFF600  }
.LBB2_8:
0x2c: {  	p0 =	sne.s32 s15, $0x27C0;
	v2 =	vld [tilespmem:s16+$0x2800];
	_ =	sdelay $0x3  }
.Ltmp3:
0x2d: {  	(pc) =	sbr.rel @p0 .LBB2_8-.Ltmp3, $2  }
0x2e: {  	_ =	sdelay $0x2  }
0x2f: {  	s16 =	sshra.s32 s15, $0x2;
	s15 =	sadd.s32 $0x40, s15;
	[tilespmem:v2+s2+$0x0] =	vst.idx.add.f32.msk $0xffff, v1  }
0x30: {  	v2 =	vld [tilespmem:s16+$0x2800];
	_ =	sdelay $0x7  }
0x31: {  	[tilespmem:v2+s2+$0x0] =	vst.idx.add.f32.msk $0xffff, v1  }
0x32: {  	[tilespmem:s11], [sflag:$0x1] =	stream.strided.gather [hbm4b:s8+s9], $0xA00, s10, s9, $0x38;
	[tilespmem:$0x3200] =	vst v63  }
0x33: {  	_ =	swait.ge [sflag:s12], $0xA00  }
0x34: {  	[sflag:s12] =	ssyncset.done $0x0  }
0x35: {  	s16 =	simm.s32 $0x0;
	s15 =	simm.s32 $0x40;
	[sflag:s12] =	ssyncadd.s32 $0xFFFFF600  }
.LBB2_10:
0x36: {  	p0 =	sne.s32 s15, $0x27C0;
	v2 =	vld [tilespmem:s16+$0x2800];
	_ =	sdelay $0x3  }
.Ltmp4:
0x37: {  	(pc) =	sbr.rel @p0 .LBB2_10-.Ltmp4, $2  }
0x38: {  	_ =	sdelay $0x2  }
0x39: {  	s16 =	sshra.s32 s15, $0x2;
	s15 =	sadd.s32 $0x40, s15;
	[tilespmem:v2+s2+$0x0] =	vst.idx.add.f32.msk $0xffff, v1  }
0x3a: {  	v2 =	vld [tilespmem:s16+$0x2800];
	_ =	sdelay $0x5  }
0x3b: {  	s14 =	sadd.s32 $0x1, s14  }
0x3c: {  	p0 =	sne.s32 s14, s4  }
.Ltmp5:
0x3d: {  	[tilespmem:v2+s2+$0x0] =	vst.idx.add.f32.msk $0xffff, v1;
	(pc) =	sbr.rel @p0 .LBB2_1-.Ltmp5, $4  }
0x3e: {  	[hbm4b:s3+s9] =	stream.strided.scatter [tilespmem:s2], [sflag:$0x1], $0x2800, s13, s9, $0x38;
	[tilespmem:$0x3200] =	vst v63  }
0x3f: {  	_ =	swait.ge [sflag:s12], $0x2800  }
0x40: {  	[sflag:s12] =	ssyncset.done $0x0  }
0x41: {  	[sflag:s12] =	ssyncadd.s32 $0xFFFFD800  }
0x42: {  	_ =	sfence.sel $0x180000  }
0x43: {  	[bflag:$0x0] =	sbarrier.arrive $0xFFFF  }
0x44: {  	p0 =	sne.s32 s0, $0x0;
	_ =	strace $0x90000047  }
0x45: {  	s0 =	sadd.s32 @!p0 $0x100000, s1;
	[bflag:$0x2] =	sbarrier.arrive $0xFFFF  }
0x46: {  	[sflag:s0] =	ssyncadd.tile.s32 @!p0 $0x1;
	_ =	shalt  }
.Lfunc_end2:
_tile_overlayer_lowered:
.L_overlay_start_2:
0x47: {  	(tag) =	ssettag $0x2  }
0x48: {  	s0 =	rddreg [dreg:$0x0];
	s2 =	stileid.u32  }
0x49: {  	s1 =	rddreg [dreg:$0x1];
	p0 =	sne.s32 s2, $0x0  }
0x4a: {  	s3 =	rddreg [dreg:$0x2];
	[bflag:$0x3] =	sbarrier.arrive $0xFFFF;
	s2 =	simm.s32 @!p0 $0x1C01  }
0x4b: {  	[timem:s3], [sflag:s2] =	dma.local @!p0 [hbm:s0], s1  }
0x4c: {  	s0 =	simm.s32 @!p0 $0x1  }
0x4d: {  	_ =	swait.ge @!p0 [sflag:s0], s1  }
0x4e: {  	s1 =	ssub.s32 @!p0 $0x0, s1;
	[sflag:s0] =	ssyncset.done @!p0 $0x0  }
0x4f: {  	[sflag:s0] =	ssyncadd.s32 @!p0 s1  }
0x50: {  	[bflag:$0x3] =	sbarrier.arrive $0xFFFF  }
0x51: {  	_ =	shalt  }

// kernel: kernel.13.cloned.1.call-start
scs
__scs_entry_jumppad:
0x0: {  	(pc) =	sbr.rel $0x88, $3  }
0x1: {  	(tag) =	ssettag $0x0;
	lr =	simm.s32 $0x1  }
0x2: {  	[smem:$0x3F94] =	sst lr;
	_ =	strace $0xD0000000  }
0x3: {  	_ = 	snop  }
0x4: {  	_ = 	snop  }
0x5: {  	_ = 	snop  }
0x6: {  	_ = 	snop  }
0x7: {  	_ = 	snop  }
__scs_overlays_trampoline_lowered:
0x8: {  	[smem:$0x3FA3] =	sst s0  }
0x9: {  	[smem:$0x3FA4] =	sst s1  }
0xa: {  	[smem:$0x3FA5] =	sst s2  }
0xb: {  	[smem:$0x3FA6] =	sst s3  }
0xc: {  	[smem:$0x3FA7] =	sst s4  }
0xd: {  	[smem:$0x3FA8] =	sst s5  }
0xe: {  	[smem:$0x3FA9] =	sst s6  }
0xf: {  	[smem:$0x3FAA] =	sst s7  }
0x10: {  	[smem:$0x3FAB] =	sst s8  }
0x11: {  	[smem:$0x3FAC] =	sst s9;
	s0 =	simm.s32 @!p0 $0x0  }
0x12: {  	s1 =	sld [smem:$0x3F92];
	s0 =	simm.s32 @p0 $0x1  }
0x13: {  	[smem:$0x3FAD] =	sst s0;
	s0 =	simm.s32 @!p1 $0x0  }
0x14: {  	s2 =	sld [smem:$0x3F91];
	s0 =	simm.s32 @p1 $0x1  }
0x15: {  	[smem:$0x3FAE] =	sst s0;
	s0 =	simm.s32 @!p2 $0x0  }
0x16: {  	s3 =	sld [smem:$0x3FDB];
	s0 =	simm.s32 @p2 $0x1  }
0x17: {  	s4 =	simm.s32 $0x1BF5;
	[smem:$0x3FB0] =	sst s0  }
0x18: {  	s0 =	sld [smem:$0x3F93];
	_ =	swait.ge [sflag:s4], $0x0  }
0x19: {  	s7 =	sld [smem:$0x3F94]  }
0x1a: {  	s8 =	sadd.s32 $0xFFFFE003, lr  }
0x1b: {  	s9 =	sadd.s32 $0xFFFFFEF7, lr;
	s5 =	simm.s32 $0xFFFFFFFF;
	p2 =	slt.u32 s8, $0xFFFFF086  }
0x1c: {  	p1 =	slt.u32 s9, $0xF7A;
	s5 =	simm.s32 @!p2 $0x0  }
0x1d: {  	s5 =	simm.s32 @p1 $0x1;
	p0 =	seq.s32 s7, s2  }
0x1e: {  	s7 =	smul.u32 @!p0 $0xF7A, s2;
	p2 =	seq.s32 @!p0 s5, $0x0  }
0x1f: {  	s9 =	smul.u32 $0xF7A, s1;
	s8 =	simm.s32 @!p0 $0x1BF5;
	p2 =	por !p2, p0  }
0x20: {  	[sflag:s8] =	ssyncset.s32 @!p0 $0xFFFFF086;
	s6 =	sadd.s32 @!p0 s3, s7;
	s7 =	simm.s32 @!p0 $0x108  }
0x21: {  	s3 =	sadd.s32 s3, s9;
	s6 =	sadd.s32 @!p0 $0x88, s6;
	s7 =	simm.s32 @p2 $0x1082  }
0x22: {  	[simem:s7], [sflag:s8] =	dma.local @!p0 [hbm:s6], $0xF7A  }
0x23: {  	s9 =	sor.u32 $0xD0000000, s2;
	s6 =	simm.s32 $0x108;
	_ =	swait.ge @!p0 [sflag:s8], $0x0  }
0x24: {  	s3 =	sadd.s32 $0x88, s3;
	s6 =	simm.s32 @!p1 $0x1082;
	[sflag:s4] =	ssyncset.s32 $0xFFFFF086  }
0x25: {  	[simem:s6], [sflag:s4] =	dma.local [hbm:s3], $0xF7A  }
0x26: {  	[smem:$0x3F94] =	sst s1;
	(tag) =	ssettag s2;
	_ =	strace s9  }
0x27: {  	s1 =	sld [smem:$0x3FA4]  }
0x28: {  	s2 =	sld [smem:$0x3FA5]  }
0x29: {  	s4 =	sld [smem:$0x3FA7]  }
0x2a: {  	p0 =	seq.s32 s5, $0x0;
	s5 =	sld [smem:$0x3FA8]  }
0x2b: {  	s6 =	sld [smem:$0x3FA9]  }
0x2c: {  	s7 =	sld [smem:$0x3FAA]  }
0x2d: {  	s3 =	simm.s32 $0x108;
	s8 =	sld [smem:$0x3FAB]  }
0x2e: {  	s3 =	simm.s32 @!p0 $0x1082;
	s9 =	sld [smem:$0x3FAC]  }
0x2f: {  	lr =	sadd.s32 s0, s3;
	s0 =	sld [smem:$0x3FA3]  }
0x30: {  	s3 =	sld [smem:$0x3FA6]  }
0x31: {  	[smem:$0x3FAF] =	sst s10  }
0x32: {  	s10 =	sld [smem:$0x3FAD];
	_ =	sdelay $0x3  }
0x33: {  	p0 =	seq.s32 s10, $0x1;
	s10 =	sld [smem:$0x3FAF];
	_ =	sdelay $0x3  }
0x34: {  	[smem:$0x3FAF] =	sst s10  }
0x35: {  	s10 =	sld [smem:$0x3FAE];
	_ =	sdelay $0x3  }
0x36: {  	p1 =	seq.s32 s10, $0x1;
	s10 =	sld [smem:$0x3FAF];
	_ =	sdelay $0x3  }
0x37: {  	[smem:$0x3FAF] =	sst s10  }
0x38: {  	s10 =	sld [smem:$0x3FB0]  }
0x39: {  	_ = 	snop;
	(pc) =	sbr.ind lr, $3  }
0x3a: {  	_ = 	snop  }
0x3b: {  	_ = 	snop  }
0x3c: {  	p2 =	seq.s32 s10, $0x1;
	s10 =	sld [smem:$0x3FAF]  }
0x3d: {  	_ =	shalt  }
0x3e: {  	_ =	shalt  }
0x3f: {  	_ =	shalt  }
0x40: {  	_ =	shalt  }
0x41: {  	_ =	shalt  }
0x42: {  	_ =	shalt  }
0x43: {  	_ =	shalt  }
0x44: {  	_ =	shalt  }
0x45: {  	_ =	shalt  }
0x46: {  	_ =	shalt  }
0x47: {  	_ =	shalt  }
0x48: {  	_ =	shalt  }
0x49: {  	_ =	shalt  }
0x4a: {  	_ =	shalt  }
0x4b: {  	_ =	shalt  }
0x4c: {  	_ =	shalt  }
0x4d: {  	_ =	shalt  }
0x4e: {  	_ =	shalt  }
0x4f: {  	_ =	shalt  }
0x50: {  	_ =	shalt  }
0x51: {  	_ =	shalt  }
0x52: {  	_ =	shalt  }
0x53: {  	_ =	shalt  }
0x54: {  	_ =	shalt  }
0x55: {  	_ =	shalt  }
0x56: {  	_ =	shalt  }
0x57: {  	_ =	shalt  }
0x58: {  	_ =	shalt  }
0x59: {  	_ =	shalt  }
0x5a: {  	_ =	shalt  }
0x5b: {  	_ =	shalt  }
0x5c: {  	_ =	shalt  }
0x5d: {  	_ =	shalt  }
0x5e: {  	_ =	shalt  }
0x5f: {  	_ =	shalt  }
0x60: {  	_ =	shalt  }
0x61: {  	_ =	shalt  }
0x62: {  	_ =	shalt  }
0x63: {  	_ =	shalt  }
0x64: {  	_ =	shalt  }
0x65: {  	_ =	shalt  }
0x66: {  	_ =	shalt  }
0x67: {  	_ =	shalt  }
0x68: {  	_ =	shalt  }
0x69: {  	_ =	shalt  }
0x6a: {  	_ =	shalt  }
0x6b: {  	_ =	shalt  }
0x6c: {  	_ =	shalt  }
0x6d: {  	_ =	shalt  }
0x6e: {  	_ =	shalt  }
0x6f: {  	_ =	shalt  }
0x70: {  	_ =	shalt  }
0x71: {  	_ =	shalt  }
0x72: {  	_ =	shalt  }
0x73: {  	_ =	shalt  }
0x74: {  	_ =	shalt  }
0x75: {  	_ =	shalt  }
0x76: {  	_ =	shalt  }
0x77: {  	_ =	shalt  }
0x78: {  	_ =	shalt  }
0x79: {  	_ =	shalt  }
0x7a: {  	_ =	shalt  }
0x7b: {  	_ =	shalt  }
0x7c: {  	_ =	shalt  }
0x7d: {  	_ =	shalt  }
0x7e: {  	_ =	shalt  }
0x7f: {  	_ =	shalt  }
0x80: {  	_ =	shalt  }
0x81: {  	_ =	shalt  }
0x82: {  	_ =	shalt  }
0x83: {  	_ =	shalt  }
0x84: {  	_ =	shalt  }
0x85: {  	_ =	shalt  }
0x86: {  	_ =	shalt  }
0x87: {  	_ =	shalt  }
.Lfunc_end0:
.L_simem_size_0:
called_computation.1_lowered:
.L_overlay_start_0:
0x88: {  	s2 =	sld [smem:$0x3FD9]  }
0x89: {  	s3 =	sld [smem:$0x3FFE];
	_ =	sdelay $0x1  }
0x8a: {  	s1 =	srdreg.scid  }
0x8b: {  	s0 =	sand.u32 $0x1, s1  }
0x8c: {  	s16 =	sshll.u32 s0, $0xA;
	s2 =	sadd.s32 s3, s2  }
0x8d: {  	s2 =	sadd.s32 s2, s16  }
0x8e: {  	[smem:$0x3FBB] =	sst s2  }
0x8f: {  	_ = 	snop  }
0x90: {  	(tm) =	ssettm $0x1  }
0x91: {  	s17 =	sld [smem:$0x3FFB];
	_ =	sdelay $0x3  }
0x92: {  	_ =	strace s17  }
0x93: {  	s2 =	sld [smem:$0x3FFC];
	_ =	sdelay $0x3  }
0x94: {  	_ =	strace s2  }
0x95: {  	s2 =	sld [smem:$0x3FFD];
	_ =	sdelay $0x3  }
0x96: {  	_ =	strace s2  }
0x97: {  	_ =	strace $0x8FFFFFFF  }
0x98: {  	s18 =	sld [smem:$0x3FDB];
	_ =	sdelay $0x1  }
0x99: {  	s19 =	simm.s32 $_scs_section_size  }
0x9a: {  	s4 =	simm.s32 $_size__tile_overlayer_lowered;
	s5 =	simm.s32 $_tile_overlayer_lowered  }
0x9b: {  	s22 =	simm.s32 $0x1BFF;
	s21 =	sshll.u32 s5, $0x1;
	s2 =	sadd.s32 s19, s18  }
0x9c: {  	s6 =	simm.s32 $0x0;
	s20 =	sshll.u32 s4, $0x1;
	s4 =	sadd.s32 s21, s2  }
0x9d: {  	[timem:s6], [sflag:s22] =	dma.local [hbm:s4], s20  }
0x9e: {  	_ =	swait.ge [sflag:s22], s20  }
0x9f: {  	s3 =	ssub.s32 $0x0, s20;
	[sflag:s22] =	ssyncset.done $0x0  }
0xa0: {  	[sflag:s22] =	ssyncadd.s32 s3;
	_ =	sdelay $0x1  }
0xa1: {  	s23 =	simm.s32 $0x1B8B  }
0xa2: {  	_ =	swait.ge [sflag:s23], $0x1  }
0xa3: {  	[sflag:s23] =	ssyncset.done $0x0  }
0xa4: {  	s25 =	simm.s32 $0x1B8E;
	s24 =	sld [smem:$0x3FFE];
	[sflag:s23] =	ssyncadd.s32 $0xFFFFFFFF  }
0xa5: {  	s26 =	simm.s32 $execute0_lowered;
	[smem:$0x3FD2] =	sst s25  }
0xa6: {  	s4 =	sshll.u32 s26, $0x1;
	_ =	strace $0x80000049;
	[dreg:$0x1] =	wrdreg $0xFFFFFFFF  }
0xa7: {  	s28 =	simm.s32 $_size_execute0_lowered;
	s2 =	sadd.s32 s2, s4;
	[dreg:$0x0] =	wrdreg $0x0  }
0xa8: {  	s4 =	sshll.u32 s28, $0x1;
	[dreg:$0x2] =	wrdreg s2  }
0xa9: {  	[dreg:$0x3] =	wrdreg s4  }
0xaa: {  	[dreg:$0x4] =	wrdreg $0xC0  }
0xab: {  	_ =	task [dreg:s6], $0x5FFFF  }
0xac: {  	[dreg:$0x1] =	wrdreg $0xFFFFFFFF  }
0xad: {  	[dreg:$0x0] =	wrdreg $0x60  }
0xae: {  	[dreg:$0x2] =	wrdreg s24  }
0xaf: {  	[dreg:$0x3] =	wrdreg $0x0  }
0xb0: {  	[dreg:$0x4] =	wrdreg $0x9  }
0xb1: {  	_ =	task.clear_ibuf [dreg:s6], $0x5FFFF;
	_ =	strace $0x90000049  }
0xb2: {  	s29 =	simm.s32 $0x9;
	_ =	strace $0x8000004B  }
0xb3: {  	_ =	swait.ge [sflag:s29], $0x1  }
0xb4: {  	[sflag:s29] =	ssyncadd.s32 $0xFFFFFFFF  }
0xb5: {  	_ =	strace $0x9000004B  }
0xb6: {  	_ =	sfence  }
0xb7: {  	s30 =	sld [smem:$0x0];
	_ =	sdelay $0x2  }
0xb8: {  	s31 =	sshll.u32 s1, $0xD;
	s1 =	sshrl.u32 s1, $0x2  }
0xb9: {  	s3 =	sand.u32 $0x4000, s31;
	s1 =	sadd.s32 s1, s30  }
0xba: {  	s0 =	sor.u32 s3, s0;
	s1 =	sshll.u32 s1, $0x11  }
0xbb: {  	s0 =	sor.u32 s1, s0  }
0xbc: {  	s0 =	sadd.s32 $0x8F2B, s0  }
0xbd: {  	[sflag:s0] =	ssyncadd.remote.s32 $0x1  }
0xbe: {  	_ =	sfence.sel $0xFFFF  }
0xbf: {  	[dreg:$0x0] =	wrdreg $0xFFFFFFFF;
	(pc) =	sbr.abs _section_cstart, $3  }
0xc0: {  	[dreg:$0x1] =	wrdreg $0xFFFFFFFF  }
0xc1: {  	_ =	task.clear_ibuf [dreg:s6], $0x2FFFF;
	_ =	strace $0x9FFFFFFF  }
0xc2: {  	(tm) =	ssettm $0x7FFFFFFF  }
0xc3: {  	_ =	shalt  }
tec
execute0_lowered:
.L_overlay_start_1:
0x0: {  	(tag) =	ssettag $0x1  }
0x1: {  	s0 =	rddreg [dreg:$0x0]  }
0x2: {  	s1 =	rddreg [dreg:$0x1]  }
0x3: {  	s19 =	simm.s32 $0x0;
	s2 =	srdreg.scid;
	s10 =	stileid.u32  }
0x4: {  	s11 =	simm.s32 $0x1E800;
	s12 =	simm.s32 $0x9;
	s13 =	simm.s32 $0x1C000  }
0x5: {  	s14 =	simm.s32 $0x1D400;
	s15 =	simm.s32 $0x40;
	s16 =	simm.s32 $0x14000  }
0x6: {  	s18 =	simm.s32 $0x16000;
	s20 =	simm.s32 $0x18000;
	s21 =	simm.s32 $0x1  }
0x7: {  	s23 =	simm.s32 $0x1A000;
	s24 =	simm.s32 $0x2;
	s29 =	simm.s32 $0x3  }
0x8: {  	s31 =	simm.s32 $0x6;
	s17 =	simm.s32 $0x8;
	s7 =	smul.u32 $0x14000, s10  }
0x9: {  	[smem:$0x7FF] =	sst s19;
	s2 =	sand.u32 $0x1, s2;
	s8 =	smul.u32 $0x50000, s10  }
0xa: {  	s4 =	sadd.s32 $0x3F400, s0;
	s5 =	sadd.s32 $0x2B400, s0;
	s10 =	smul.u32 $0x5000, s10  }
0xb: {  	s6 =	sadd.s32 $0x17400, s0;
	s3 =	smul.u32 $0x140000, s2;
	s25 =	ssub.s32 $0x2, s2  }
0xc: {  	_ =	strace $0x8000004A;
	s2 =	smul.u32 $0x50000, s2;
	s9 =	sshrl.u32 s25, $0x1  }
.Ltmp0:
0xd: {  	s28 =	sshrl.u32 s8, $0x2;
	s3 =	sadd.s32 s7, s3;
	(pc) =	sbr.rel .LBB2_1-.Ltmp0, $4  }
0xe: {  	s26 =	ssub.s32 s25, s9;
	s7 =	sadd.s32 s28, s1;
	s3 =	sshrl.u32 s3, $0x3  }
0xf: {  	s8 =	sadd.s32 s10, s2;
	s30 =	smax.u32 s26, $0x1;
	s0 =	sadd.s32 s3, s0  }
0x10: {  	s2 =	simm.s32 $0x4;
	[dreg:$0x5] =	wrdreg s30;
	s0 =	sadd.s32 $0x66600, s0  }
0x11: {  	v0 =	vimm.f32 $0.0e+00;
	s10 =	simm.s32 $0x7;
	s26 =	simm.s32 $0x5;
	[dreg:$0x4] =	wrdreg s0  }
.LBB2_10:
0x12: {  	s0 =	stileid.u32  }
0x13: {  	[bflag:$0x0] =	sbarrier.arrive $0xFFFF;
	s0 =	sshll.u32 s0, $0x6  }
0x14: {  	s3 =	sshrl.u32 s7, $0x3;
	s9 =	rddreg [dreg:$0x4];
	s0 =	sor.u32 $0x1C09, s0  }
0x15: {  	[hbm:s9], [sflag:s0] =	dma.local [spmem:s3], $0x2800  }
0x16: {  	_ =	swait.ge [sflag:s12], $0x2800  }
0x17: {  	s19 =	rddreg [dreg:$0x3]  }
0x18: {  	s30 =	rddreg [dreg:$0x5];
	s19 =	sadd.s32 $0x1, s19  }
0x19: {  	p0 =	sne.s32 s19, s30  }
.Ltmp1:
0x1a: {  	_ = 	snop;
	(pc) =	sbr.rel @!p0 .LBB2_11-.Ltmp1, $3  }
0x1b: {  	_ =	sdelay $0x1  }
0x1c: {  	[sflag:s12] =	ssyncset.done $0x0  }
0x1d: {  	[sflag:s12] =	ssyncadd.s32 $0xFFFFD800  }
.LBB2_1:
0x1e: {  	[dreg:$0x3] =	wrdreg s19;
	s19 =	simm.s32 $0x0;
	s22 =	simm.s32 $0x200  }
.LBB2_2:
0x1f: {  	p0 =	sne.s32 s22, $0x1E00;
	[tilespmem:s19+$0x1E870] =	vst v0  }
0x20: {  	[tilespmem:s19+$0x1E800] =	vst v0  }
0x21: {  	[tilespmem:s19+$0x1E810] =	vst v0  }
.Ltmp2:
0x22: {  	[tilespmem:s19+$0x1E820] =	vst v0;
	(pc) =	sbr.rel @p0 .LBB2_2-.Ltmp2, $4  }
0x23: {  	[tilespmem:s19+$0x1E830] =	vst v0  }
0x24: {  	[tilespmem:s19+$0x1E840] =	vst v0  }
0x25: {  	[tilespmem:s19+$0x1E850] =	vst v0  }
0x26: {  	[tilespmem:s19+$0x1E860] =	vst v0;
	s19 =	sshra.s32 s22, $0x2;
	s22 =	sadd.s32 $0x200, s22  }
0x27: {  	[tilespmem:s19+$0x1E870] =	vst v0  }
0x28: {  	[tilespmem:s19+$0x1E800] =	vst v0  }
0x29: {  	[tilespmem:s19+$0x1E810] =	vst v0  }
0x2a: {  	[tilespmem:s19+$0x1E820] =	vst v0  }
0x2b: {  	[tilespmem:s19+$0x1E830] =	vst v0  }
0x2c: {  	[tilespmem:s19+$0x1E840] =	vst v0  }
0x2d: {  	[tilespmem:s19+$0x1E850] =	vst v0  }
0x2e: {  	[tilespmem:s19+$0x1E860] =	vst v0;
	s30 =	sadd.s32 $0x0, s7  }
0x2f: {  	[spmem:s30] =	stream.linear.scatter [tilespmem:s11], [sflag:$0x9], $0x800, $0x38;
	[tilespmem:$0x1F000] =	vst v63  }
0x30: {  	s19 =	simm.s32 $0x2000;
	_ =	swait.ge [sflag:s12], $0x800  }
.LBB2_4:
0x31: {  	s22 =	sshra.s32 s19, $0x2;
	[sflag:s12] =	ssyncset.done $0x0;
	p0 =	sne.s32 s19, $0x4E000  }
.Ltmp3:
0x32: {  	s22 =	sadd.s32 s22, s7;
	[sflag:s12] =	ssyncadd.s32 $0xFFFFF800;
	(pc) =	sbr.rel @p0 .LBB2_4-.Ltmp3, $3  }
0x33: {  	[spmem:s22] =	stream.linear.scatter [tilespmem:s11], [sflag:$0x9], $0x800, $0x38;
	[tilespmem:$0x1F000] =	vst v63  }
0x34: {  	s19 =	sadd.s32 $0x2000, s19;
	_ =	sdelay $0x1  }
0x35: {  	_ =	swait.ge [sflag:s12], $0x800  }
.Ltmp4:
0x36: {  	(pc) =	sbr.rel .LBB2_6-.Ltmp4, $4  }
0x37: {  	[sflag:s12] =	ssyncset.done $0x0  }
0x38: {  	[sflag:s12] =	ssyncadd.s32 $0xFFFFF800  }
0x39: {  	[bflag:$0x0] =	sbarrier.arrive $0xFFFF  }
0x3a: {  	s19 =	simm.s32 $0x0;
	s22 =	simm.s32 $0x0  }
.LBB2_9:
0x3b: {  	_ =	swait.ge [sflag:s26], $0x2000  }
0x3c: {  	[sflag:s26] =	ssyncset.done $0x0  }
0x3d: {  	[sflag:s26] =	ssyncadd.s32 $0xFFFFE000  }
0x3e: {  	_ =	swait.ge [sflag:s31], $0x2000  }
0x3f: {  	[sflag:s31] =	ssyncset.done $0x0  }
0x40: {  	s22 =	sadd.s32 $0x1, s22;
	[sflag:s31] =	ssyncadd.s32 $0xFFFFE000  }
0x41: {  	p0 =	sne.s32 s22, $0x4;
	_ =	swait.ge [sflag:s10], $0x2000  }
.Ltmp5:
0x42: {  	[sflag:s10] =	ssyncset.done $0x0;
	(pc) =	sbr.rel @!p0 .LBB2_10-.Ltmp5, $4  }
0x43: {  	[sflag:s10] =	ssyncadd.s32 $0xFFFFE000  }
0x44: {  	_ =	swait.ge [sflag:s17], $0x2000  }
0x45: {  	[sflag:s17] =	ssyncset.done $0x0  }
0x46: {  	[sflag:s17] =	ssyncadd.s32 $0xFFFFE000  }
.LBB2_6:
0x47: {  	s25 =	smul.u32 $0x1400, s22;
	_ =	sdelay $0x1  }
0x48: {  	s25 =	sadd.s32 s25, s8  }
0x49: {  	s25 =	sshrl.u32 s25, $0x3  }
0x4a: {  	s28 =	sadd.s32 s5, s25  }
0x4b: {  	[tilespmem:s13], [sflag:$0x9] =	stream.linear.gather [hbm4b:s28+s19], $0x1400, $0x38;
	[tilespmem:$0x1F000] =	vst v63  }
0x4c: {  	_ =	swait.ge [sflag:s12], $0x1400  }
0x4d: {  	[sflag:s12] =	ssyncset.done $0x0  }
0x4e: {  	s25 =	sadd.s32 s6, s25;
	[sflag:s12] =	ssyncadd.s32 $0xFFFFEC00  }
0x4f: {  	[tilespmem:s14], [sflag:$0x9] =	stream.linear.gather [hbm4b:s25+s19], $0x1400, $0x38;
	[tilespmem:$0x1F000] =	vst v63  }
0x50: {  	_ =	swait.ge [sflag:s12], $0x1400  }
0x51: {  	[sflag:s12] =	ssyncset.done $0x0  }
0x52: {  	[sflag:s12] =	ssyncadd.s32 $0xFFFFEC00  }
0x53: {  	[tilespmem:s16], [sflag:$0x1] =	stream.indirect.gather [hbm4b:s4+s15], $0x80, s13, s15, $0xb8;
	[tilespmem:$0x1F000] =	vst v63  }
0x54: {  	s0 =	simm.s32 $0x1C080  }
0x55: {  	[tilespmem:s18], [sflag:$0x2] =	stream.indirect.gather [hbm4b:s4+s15], $0x80, s0, s15, $0xb8;
	[tilespmem:$0x1F000] =	vst v63  }
0x56: {  	s25 =	simm.s32 $0x1C100  }
0x57: {  	[tilespmem:s20], [sflag:$0x3] =	stream.indirect.gather [hbm4b:s4+s15], $0x80, s25, s15, $0xb8;
	[tilespmem:$0x1F000] =	vst v63  }
0x58: {  	_ =	swait.ge [sflag:s21], $0x2000  }
0x59: {  	[sflag:s21] =	ssyncset.done $0x0  }
0x5a: {  	[sflag:s21] =	ssyncadd.s32 $0xFFFFE000  }
0x5b: {  	[spmem:s1] =	stream.indirect.scatter.add.f32 [tilespmem:s16], [sflag:$0x5], $0x80, s14, s15, $0xb8;
	[tilespmem:$0x1F000] =	vst v63  }
0x5c: {  	s28 =	simm.s32 $0x1C180  }
0x5d: {  	[tilespmem:s23], [sflag:$0x4] =	stream.indirect.gather [hbm4b:s4+s15], $0x80, s28, s15, $0xb8;
	[tilespmem:$0x1F000] =	vst v63  }
0x5e: {  	_ =	swait.ge [sflag:s24], $0x2000  }
0x5f: {  	[sflag:s24] =	ssyncset.done $0x0  }
0x60: {  	s30 =	simm.s32 $0x1D480;
	[sflag:s24] =	ssyncadd.s32 $0xFFFFE000  }
0x61: {  	[spmem:s1] =	stream.indirect.scatter.add.f32 [tilespmem:s18], [sflag:$0x6], $0x80, s30, s15, $0xb8;
	[tilespmem:$0x1F000] =	vst v63  }
0x62: {  	_ =	swait.ge [sflag:s26], $0x2000  }
0x63: {  	[sflag:s26] =	ssyncset.done $0x0  }
0x64: {  	s3 =	simm.s32 $0x1C200;
	[sflag:s26] =	ssyncadd.s32 $0xFFFFE000  }
0x65: {  	[tilespmem:s16], [sflag:$0x1] =	stream.indirect.gather [hbm4b:s4+s15], $0x80, s3, s15, $0xb8;
	[tilespmem:$0x1F000] =	vst v63  }
0x66: {  	_ =	swait.ge [sflag:s29], $0x2000  }
0x67: {  	[sflag:s29] =	ssyncset.done $0x0  }
0x68: {  	s9 =	simm.s32 $0x1D500;
	[sflag:s29] =	ssyncadd.s32 $0xFFFFE000  }
0x69: {  	[spmem:s1] =	stream.indirect.scatter.add.f32 [tilespmem:s20], [sflag:$0x7], $0x80, s9, s15, $0xb8;
	[tilespmem:$0x1F000] =	vst v63  }
0x6a: {  	_ =	swait.ge [sflag:s31], $0x2000  }
0x6b: {  	[sflag:s31] =	ssyncset.done $0x0  }
0x6c: {  	s25 =	simm.s32 $0x1C280;
	[sflag:s31] =	ssyncadd.s32 $0xFFFFE000  }
0x6d: {  	[tilespmem:s18], [sflag:$0x2] =	stream.indirect.gather [hbm4b:s4+s15], $0x80, s25, s15, $0xb8;
	[tilespmem:$0x1F000] =	vst v63  }
0x6e: {  	_ =	swait.ge [sflag:s2], $0x2000  }
0x6f: {  	[sflag:s2] =	ssyncset.done $0x0  }
0x70: {  	s28 =	simm.s32 $0x1D580;
	[sflag:s2] =	ssyncadd.s32 $0xFFFFE000  }
0x71: {  	[spmem:s1] =	stream.indirect.scatter.add.f32 [tilespmem:s23], [sflag:$0x8], $0x80, s28, s15, $0xb8;
	[tilespmem:$0x1F000] =	vst v63  }
0x72: {  	_ =	swait.ge [sflag:s10], $0x2000  }
0x73: {  	[sflag:s10] =	ssyncset.done $0x0  }
0x74: {  	s30 =	simm.s32 $0x1C300;
	s25 =	simm.s32 $0x0;
	[sflag:s10] =	ssyncadd.s32 $0xFFFFE000  }
0x75: {  	[tilespmem:s20], [sflag:$0x3] =	stream.indirect.gather [hbm4b:s4+s15], $0x80, s30, s15, $0xb8;
	[tilespmem:$0x1F000] =	vst v63  }
.LBB2_7:
0x76: {  	_ =	swait.ge [sflag:s21], $0x2000  }
0x77: {  	s28 =	sshra.s32 s25, $0x2;
	[sflag:s21] =	ssyncset.done $0x0  }
0x78: {  	s30 =	sadd.s32 $0x1D600, s28;
	[sflag:s21] =	ssyncadd.s32 $0xFFFFE000  }
0x79: {  	[spmem:s1] =	stream.indirect.scatter.add.f32 [tilespmem:s16], [sflag:$0x5], $0x80, s30, s15, $0xb8;
	[tilespmem:$0x1F000] =	vst v63  }
0x7a: {  	_ =	swait.ge [sflag:s17], $0x2000  }
0x7b: {  	[sflag:s17] =	ssyncset.done $0x0  }
0x7c: {  	s3 =	sadd.s32 $0x1C380, s28;
	[sflag:s17] =	ssyncadd.s32 $0xFFFFE000  }
0x7d: {  	[tilespmem:s23], [sflag:$0x4] =	stream.indirect.gather [hbm4b:s4+s15], $0x80, s3, s15, $0xb8;
	[tilespmem:$0x1F000] =	vst v63  }
0x7e: {  	_ =	swait.ge [sflag:s24], $0x2000  }
0x7f: {  	p0 =	seq.s32 s25, $0x4000;
	[sflag:s24] =	ssyncset.done $0x0  }
0x80: {  	s9 =	sadd.s32 $0x1D680, s28;
	s30 =	simm.s32 @p0 $0x3;
	[sflag:s24] =	ssyncadd.s32 $0xFFFFE000  }
0x81: {  	[spmem:s1] =	stream.indirect.scatter.add.f32 [tilespmem:s18], [sflag:$0x6], $0x80, s9, s15, $0xb8;
	[tilespmem:$0x1F000] =	vst v63  }
0x82: {  	_ =	swait.ge @p0 [sflag:s30], $0x2000  }
0x83: {  	[sflag:s30] =	ssyncset.done @p0 $0x0  }
0x84: {  	[sflag:s30] =	ssyncadd.s32 @p0 $0xFFFFE000;
	s30 =	sshra.s32 @p0 s25, $0x2  }
0x85: {  	s0 =	simm.s32 @p0 $0x40;
	s9 =	simm.s32 @p0 $0x18000;
	s30 =	sadd.s32 @p0 $0x1D700, s30  }
0x86: {  	[spmem:s1] =	stream.indirect.scatter.add.f32 @p0 [tilespmem:s9], [sflag:$0x7], $0x80, s30, s0, $0xb8;
	[tilespmem:$0x1F000] =	vst v63  }
0x87: {  	s0 =	simm.s32 @!p0 $0x5  }
0x88: {  	_ =	swait.ge @!p0 [sflag:s0], $0x2000  }
0x89: {  	[sflag:s0] =	ssyncset.done @!p0 $0x0  }
0x8a: {  	[sflag:s0] =	ssyncadd.s32 @!p0 $0xFFFFE000;
	s0 =	sshra.s32 @!p0 s25, $0x2  }
0x8b: {  	s3 =	simm.s32 @!p0 $0x14000;
	s30 =	simm.s32 @!p0 $0x40;
	s9 =	sadd.s32 @!p0 $0x1C400, s0  }
0x8c: {  	[tilespmem:s3], [sflag:$0x1] =	stream.indirect.gather @!p0 [hbm4b:s4+s30], $0x80, s9, s30, $0xb8;
	[tilespmem:$0x1F000] =	vst v63  }
0x8d: {  	s3 =	simm.s32 @!p0 $0x3  }
0x8e: {  	_ =	swait.ge @!p0 [sflag:s3], $0x2000  }
0x8f: {  	[sflag:s3] =	ssyncset.done @!p0 $0x0  }
0x90: {  	s9 =	simm.s32 @!p0 $0x18000;
	[sflag:s3] =	ssyncadd.s32 @!p0 $0xFFFFE000;
	s3 =	sadd.s32 @!p0 $0x1D700, s0  }
0x91: {  	[spmem:s1] =	stream.indirect.scatter.add.f32 @!p0 [tilespmem:s9], [sflag:$0x7], $0x80, s3, s30, $0xb8;
	[tilespmem:$0x1F000] =	vst v63  }
0x92: {  	s3 =	simm.s32 @!p0 $0x6  }
0x93: {  	_ =	swait.ge @!p0 [sflag:s3], $0x2000  }
0x94: {  	[sflag:s3] =	ssyncset.done @!p0 $0x0  }
0x95: {  	s0 =	sadd.s32 @!p0 $0x1C480, s0;
	[sflag:s3] =	ssyncadd.s32 @!p0 $0xFFFFE000;
	s3 =	simm.s32 @!p0 $0x16000  }
0x96: {  	[tilespmem:s3], [sflag:$0x2] =	stream.indirect.gather @!p0 [hbm4b:s4+s30], $0x80, s0, s30, $0xb8;
	[tilespmem:$0x1F000] =	vst v63  }
.Ltmp6:
0x97: {  	_ = 	snop;
	(pc) =	sbr.rel @p0 .LBB2_9-.Ltmp6, $4  }
0x98: {  	_ =	swait.ge [sflag:s2], $0x2000  }
0x99: {  	[sflag:s2] =	ssyncset.done $0x0  }
0x9a: {  	s30 =	sadd.s32 $0x1D780, s28;
	[sflag:s2] =	ssyncadd.s32 $0xFFFFE000  }
0x9b: {  	[spmem:s1] =	stream.indirect.scatter.add.f32 [tilespmem:s23], [sflag:$0x8], $0x80, s30, s15, $0xb8;
	[tilespmem:$0x1F000] =	vst v63  }
.Ltmp7:
0x9c: {  	(pc) =	sbr.rel .LBB2_7-.Ltmp7, $4  }
0x9d: {  	_ =	swait.ge [sflag:s10], $0x2000  }
0x9e: {  	[sflag:s10] =	ssyncset.done $0x0  }
0x9f: {  	s0 =	sadd.s32 $0x1C500, s28;
	s25 =	sadd.s32 $0x800, s25;
	[sflag:s10] =	ssyncadd.s32 $0xFFFFE000  }
0xa0: {  	[tilespmem:s20], [sflag:$0x3] =	stream.indirect.gather [hbm4b:s4+s15], $0x80, s0, s15, $0xb8;
	[tilespmem:$0x1F000] =	vst v63  }
.LBB2_11:
0xa1: {  	_ =	sfence.sel $0x180000  }
0xa2: {  	[bflag:$0x0] =	sbarrier.arrive $0xFFFF  }
0xa3: {  	_ =	strace $0x9000004A  }
0xa4: {  	s0 =	stileid.u32;
	[bflag:$0x2] =	sbarrier.arrive $0xFFFF  }
0xa5: {  	p0 =	sne.s32 s0, $0x0;
	s0 =	rddreg [dreg:$0x2]  }
0xa6: {  	s0 =	sadd.s32 @!p0 $0x100000, s0  }
0xa7: {  	[sflag:s0] =	ssyncadd.tile.s32 @!p0 $0x1;
	_ =	shalt  }
.Lfunc_end2:
_tile_overlayer_lowered:
.L_overlay_start_2:
0xa8: {  	(tag) =	ssettag $0x2  }
0xa9: {  	s0 =	rddreg [dreg:$0x0];
	s2 =	stileid.u32  }
0xaa: {  	s1 =	rddreg [dreg:$0x1];
	p0 =	sne.s32 s2, $0x0  }
0xab: {  	s3 =	rddreg [dreg:$0x2];
	[bflag:$0x3] =	sbarrier.arrive $0xFFFF;
	s2 =	simm.s32 @!p0 $0x1C09  }
0xac: {  	[timem:s3], [sflag:s2] =	dma.local @!p0 [hbm:s0], s1  }
0xad: {  	s0 =	simm.s32 @!p0 $0x9  }
0xae: {  	_ =	swait.ge @!p0 [sflag:s0], s1  }
0xaf: {  	s1 =	ssub.s32 @!p0 $0x0, s1;
	[sflag:s0] =	ssyncset.done @!p0 $0x0  }
0xb0: {  	[sflag:s0] =	ssyncadd.s32 @!p0 s1  }
0xb1: {  	[bflag:$0x3] =	sbarrier.arrive $0xFFFF  }
0xb2: {  	_ =	shalt  }

// kernel: kernel.16.cloned.1.call-start
scs
__scs_entry_jumppad:
0x0: {  	(pc) =	sbr.rel $0x88, $3  }
0x1: {  	(tag) =	ssettag $0x0;
	lr =	simm.s32 $0x1  }
0x2: {  	[smem:$0x3F94] =	sst lr;
	_ =	strace $0xD0000000  }
0x3: {  	_ = 	snop  }
0x4: {  	_ = 	snop  }
0x5: {  	_ = 	snop  }
0x6: {  	_ = 	snop  }
0x7: {  	_ = 	snop  }
__scs_overlays_trampoline_lowered:
0x8: {  	[smem:$0x3FA3] =	sst s0  }
0x9: {  	[smem:$0x3FA4] =	sst s1  }
0xa: {  	[smem:$0x3FA5] =	sst s2  }
0xb: {  	[smem:$0x3FA6] =	sst s3  }
0xc: {  	[smem:$0x3FA7] =	sst s4  }
0xd: {  	[smem:$0x3FA8] =	sst s5  }
0xe: {  	[smem:$0x3FA9] =	sst s6  }
0xf: {  	[smem:$0x3FAA] =	sst s7  }
0x10: {  	[smem:$0x3FAB] =	sst s8  }
0x11: {  	[smem:$0x3FAC] =	sst s9;
	s0 =	simm.s32 @!p0 $0x0  }
0x12: {  	s1 =	sld [smem:$0x3F92];
	s0 =	simm.s32 @p0 $0x1  }
0x13: {  	[smem:$0x3FAD] =	sst s0;
	s0 =	simm.s32 @!p1 $0x0  }
0x14: {  	s2 =	sld [smem:$0x3F91];
	s0 =	simm.s32 @p1 $0x1  }
0x15: {  	[smem:$0x3FAE] =	sst s0;
	s0 =	simm.s32 @!p2 $0x0  }
0x16: {  	s3 =	sld [smem:$0x3FDB];
	s0 =	simm.s32 @p2 $0x1  }
0x17: {  	s4 =	simm.s32 $0x1BF5;
	[smem:$0x3FB0] =	sst s0  }
0x18: {  	s0 =	sld [smem:$0x3F93];
	_ =	swait.ge [sflag:s4], $0x0  }
0x19: {  	s7 =	sld [smem:$0x3F94]  }
0x1a: {  	s8 =	sadd.s32 $0xFFFFE003, lr  }
0x1b: {  	s9 =	sadd.s32 $0xFFFFFEF7, lr;
	s5 =	simm.s32 $0xFFFFFFFF;
	p2 =	slt.u32 s8, $0xFFFFF086  }
0x1c: {  	p1 =	slt.u32 s9, $0xF7A;
	s5 =	simm.s32 @!p2 $0x0  }
0x1d: {  	s5 =	simm.s32 @p1 $0x1;
	p0 =	seq.s32 s7, s2  }
0x1e: {  	s7 =	smul.u32 @!p0 $0xF7A, s2;
	p2 =	seq.s32 @!p0 s5, $0x0  }
0x1f: {  	s9 =	smul.u32 $0xF7A, s1;
	s8 =	simm.s32 @!p0 $0x1BF5;
	p2 =	por !p2, p0  }
0x20: {  	[sflag:s8] =	ssyncset.s32 @!p0 $0xFFFFF086;
	s6 =	sadd.s32 @!p0 s3, s7;
	s7 =	simm.s32 @!p0 $0x108  }
0x21: {  	s3 =	sadd.s32 s3, s9;
	s6 =	sadd.s32 @!p0 $0x88, s6;
	s7 =	simm.s32 @p2 $0x1082  }
0x22: {  	[simem:s7], [sflag:s8] =	dma.local @!p0 [hbm:s6], $0xF7A  }
0x23: {  	s9 =	sor.u32 $0xD0000000, s2;
	s6 =	simm.s32 $0x108;
	_ =	swait.ge @!p0 [sflag:s8], $0x0  }
0x24: {  	s3 =	sadd.s32 $0x88, s3;
	s6 =	simm.s32 @!p1 $0x1082;
	[sflag:s4] =	ssyncset.s32 $0xFFFFF086  }
0x25: {  	[simem:s6], [sflag:s4] =	dma.local [hbm:s3], $0xF7A  }
0x26: {  	[smem:$0x3F94] =	sst s1;
	(tag) =	ssettag s2;
	_ =	strace s9  }
0x27: {  	s1 =	sld [smem:$0x3FA4]  }
0x28: {  	s2 =	sld [smem:$0x3FA5]  }
0x29: {  	s4 =	sld [smem:$0x3FA7]  }
0x2a: {  	p0 =	seq.s32 s5, $0x0;
	s5 =	sld [smem:$0x3FA8]  }
0x2b: {  	s6 =	sld [smem:$0x3FA9]  }
0x2c: {  	s7 =	sld [smem:$0x3FAA]  }
0x2d: {  	s3 =	simm.s32 $0x108;
	s8 =	sld [smem:$0x3FAB]  }
0x2e: {  	s3 =	simm.s32 @!p0 $0x1082;
	s9 =	sld [smem:$0x3FAC]  }
0x2f: {  	lr =	sadd.s32 s0, s3;
	s0 =	sld [smem:$0x3FA3]  }
0x30: {  	s3 =	sld [smem:$0x3FA6]  }
0x31: {  	[smem:$0x3FAF] =	sst s10  }
0x32: {  	s10 =	sld [smem:$0x3FAD];
	_ =	sdelay $0x3  }
0x33: {  	p0 =	seq.s32 s10, $0x1;
	s10 =	sld [smem:$0x3FAF];
	_ =	sdelay $0x3  }
0x34: {  	[smem:$0x3FAF] =	sst s10  }
0x35: {  	s10 =	sld [smem:$0x3FAE];
	_ =	sdelay $0x3  }
0x36: {  	p1 =	seq.s32 s10, $0x1;
	s10 =	sld [smem:$0x3FAF];
	_ =	sdelay $0x3  }
0x37: {  	[smem:$0x3FAF] =	sst s10  }
0x38: {  	s10 =	sld [smem:$0x3FB0]  }
0x39: {  	_ = 	snop;
	(pc) =	sbr.ind lr, $3  }
0x3a: {  	_ = 	snop  }
0x3b: {  	_ = 	snop  }
0x3c: {  	p2 =	seq.s32 s10, $0x1;
	s10 =	sld [smem:$0x3FAF]  }
0x3d: {  	_ =	shalt  }
0x3e: {  	_ =	shalt  }
0x3f: {  	_ =	shalt  }
0x40: {  	_ =	shalt  }
0x41: {  	_ =	shalt  }
0x42: {  	_ =	shalt  }
0x43: {  	_ =	shalt  }
0x44: {  	_ =	shalt  }
0x45: {  	_ =	shalt  }
0x46: {  	_ =	shalt  }
0x47: {  	_ =	shalt  }
0x48: {  	_ =	shalt  }
0x49: {  	_ =	shalt  }
0x4a: {  	_ =	shalt  }
0x4b: {  	_ =	shalt  }
0x4c: {  	_ =	shalt  }
0x4d: {  	_ =	shalt  }
0x4e: {  	_ =	shalt  }
0x4f: {  	_ =	shalt  }
0x50: {  	_ =	shalt  }
0x51: {  	_ =	shalt  }
0x52: {  	_ =	shalt  }
0x53: {  	_ =	shalt  }
0x54: {  	_ =	shalt  }
0x55: {  	_ =	shalt  }
0x56: {  	_ =	shalt  }
0x57: {  	_ =	shalt  }
0x58: {  	_ =	shalt  }
0x59: {  	_ =	shalt  }
0x5a: {  	_ =	shalt  }
0x5b: {  	_ =	shalt  }
0x5c: {  	_ =	shalt  }
0x5d: {  	_ =	shalt  }
0x5e: {  	_ =	shalt  }
0x5f: {  	_ =	shalt  }
0x60: {  	_ =	shalt  }
0x61: {  	_ =	shalt  }
0x62: {  	_ =	shalt  }
0x63: {  	_ =	shalt  }
0x64: {  	_ =	shalt  }
0x65: {  	_ =	shalt  }
0x66: {  	_ =	shalt  }
0x67: {  	_ =	shalt  }
0x68: {  	_ =	shalt  }
0x69: {  	_ =	shalt  }
0x6a: {  	_ =	shalt  }
0x6b: {  	_ =	shalt  }
0x6c: {  	_ =	shalt  }
0x6d: {  	_ =	shalt  }
0x6e: {  	_ =	shalt  }
0x6f: {  	_ =	shalt  }
0x70: {  	_ =	shalt  }
0x71: {  	_ =	shalt  }
0x72: {  	_ =	shalt  }
0x73: {  	_ =	shalt  }
0x74: {  	_ =	shalt  }
0x75: {  	_ =	shalt  }
0x76: {  	_ =	shalt  }
0x77: {  	_ =	shalt  }
0x78: {  	_ =	shalt  }
0x79: {  	_ =	shalt  }
0x7a: {  	_ =	shalt  }
0x7b: {  	_ =	shalt  }
0x7c: {  	_ =	shalt  }
0x7d: {  	_ =	shalt  }
0x7e: {  	_ =	shalt  }
0x7f: {  	_ =	shalt  }
0x80: {  	_ =	shalt  }
0x81: {  	_ =	shalt  }
0x82: {  	_ =	shalt  }
0x83: {  	_ =	shalt  }
0x84: {  	_ =	shalt  }
0x85: {  	_ =	shalt  }
0x86: {  	_ =	shalt  }
0x87: {  	_ =	shalt  }
.Lfunc_end0:
.L_simem_size_0:
called_computation.2_lowered:
.L_overlay_start_0:
0x88: {  	s2 =	sld [smem:$0x3FD9]  }
0x89: {  	s3 =	sld [smem:$0x3FFE];
	_ =	sdelay $0x1  }
0x8a: {  	s1 =	srdreg.scid  }
0x8b: {  	s0 =	sand.u32 $0x1, s1  }
0x8c: {  	s16 =	sshll.u32 s0, $0xA;
	s2 =	sadd.s32 s3, s2  }
0x8d: {  	s2 =	sadd.s32 s2, s16  }
0x8e: {  	[smem:$0x3FBB] =	sst s2  }
0x8f: {  	_ = 	snop  }
0x90: {  	(tm) =	ssettm $0x1  }
0x91: {  	s17 =	sld [smem:$0x3FFB];
	_ =	sdelay $0x3  }
0x92: {  	_ =	strace s17  }
0x93: {  	s2 =	sld [smem:$0x3FFC];
	_ =	sdelay $0x3  }
0x94: {  	_ =	strace s2  }
0x95: {  	s2 =	sld [smem:$0x3FFD];
	_ =	sdelay $0x3  }
0x96: {  	_ =	strace s2  }
0x97: {  	_ =	strace $0x8FFFFFFF  }
0x98: {  	s18 =	sld [smem:$0x3FDB];
	_ =	sdelay $0x1  }
0x99: {  	s19 =	simm.s32 $_scs_section_size  }
0x9a: {  	s4 =	simm.s32 $_size__tile_overlayer_lowered;
	s5 =	simm.s32 $_tile_overlayer_lowered  }
0x9b: {  	s22 =	simm.s32 $0x1BFF;
	s21 =	sshll.u32 s5, $0x1;
	s2 =	sadd.s32 s19, s18  }
0x9c: {  	s6 =	simm.s32 $0x0;
	s20 =	sshll.u32 s4, $0x1;
	s4 =	sadd.s32 s21, s2  }
0x9d: {  	[timem:s6], [sflag:s22] =	dma.local [hbm:s4], s20  }
0x9e: {  	_ =	swait.ge [sflag:s22], s20  }
0x9f: {  	s3 =	ssub.s32 $0x0, s20;
	[sflag:s22] =	ssyncset.done $0x0  }
0xa0: {  	[sflag:s22] =	ssyncadd.s32 s3;
	_ =	sdelay $0x1  }
0xa1: {  	s23 =	simm.s32 $0x1B8B  }
0xa2: {  	_ =	swait.ge [sflag:s23], $0x1  }
0xa3: {  	[sflag:s23] =	ssyncset.done $0x0  }
0xa4: {  	s25 =	simm.s32 $0x1B8E;
	s24 =	sld [smem:$0x3FFE];
	[sflag:s23] =	ssyncadd.s32 $0xFFFFFFFF  }
0xa5: {  	s26 =	simm.s32 $execute0_lowered;
	[smem:$0x3FD2] =	sst s25  }
0xa6: {  	s4 =	sshll.u32 s26, $0x1;
	_ =	strace $0x8000004C;
	[dreg:$0x1] =	wrdreg $0xFFFFFFFF  }
0xa7: {  	s28 =	simm.s32 $_size_execute0_lowered;
	s2 =	sadd.s32 s2, s4;
	[dreg:$0x0] =	wrdreg $0x0  }
0xa8: {  	s4 =	sshll.u32 s28, $0x1;
	[dreg:$0x2] =	wrdreg s2  }
0xa9: {  	[dreg:$0x3] =	wrdreg s4  }
0xaa: {  	[dreg:$0x4] =	wrdreg $0xC0  }
0xab: {  	_ =	task [dreg:s6], $0x5FFFF  }
0xac: {  	[dreg:$0x1] =	wrdreg $0xFFFFFFFF  }
0xad: {  	[dreg:$0x0] =	wrdreg $0x60  }
0xae: {  	[dreg:$0x2] =	wrdreg s24  }
0xaf: {  	[dreg:$0x3] =	wrdreg $0x0  }
0xb0: {  	[dreg:$0x4] =	wrdreg $0x9  }
0xb1: {  	_ =	task.clear_ibuf [dreg:s6], $0x5FFFF;
	_ =	strace $0x9000004C  }
0xb2: {  	s29 =	simm.s32 $0x9;
	_ =	strace $0x8000004E  }
0xb3: {  	_ =	swait.ge [sflag:s29], $0x1  }
0xb4: {  	[sflag:s29] =	ssyncadd.s32 $0xFFFFFFFF  }
0xb5: {  	_ =	strace $0x9000004E  }
0xb6: {  	_ =	sfence  }
0xb7: {  	s30 =	sld [smem:$0x0];
	_ =	sdelay $0x2  }
0xb8: {  	s31 =	sshll.u32 s1, $0xD;
	s1 =	sshrl.u32 s1, $0x2  }
0xb9: {  	s3 =	sand.u32 $0x4000, s31;
	s1 =	sadd.s32 s1, s30  }
0xba: {  	s0 =	sor.u32 s3, s0;
	s1 =	sshll.u32 s1, $0x11  }
0xbb: {  	s0 =	sor.u32 s1, s0  }
0xbc: {  	s0 =	sadd.s32 $0x8F2B, s0  }
0xbd: {  	[sflag:s0] =	ssyncadd.remote.s32 $0x1  }
0xbe: {  	_ =	sfence.sel $0xFFFF  }
0xbf: {  	[dreg:$0x0] =	wrdreg $0xFFFFFFFF;
	(pc) =	sbr.abs _section_cstart, $3  }
0xc0: {  	[dreg:$0x1] =	wrdreg $0xFFFFFFFF  }
0xc1: {  	_ =	task.clear_ibuf [dreg:s6], $0x2FFFF;
	_ =	strace $0x9FFFFFFF  }
0xc2: {  	(tm) =	ssettm $0x7FFFFFFF  }
0xc3: {  	_ =	shalt  }
tec
execute0_lowered:
.L_overlay_start_1:
0x0: {  	(tag) =	ssettag $0x1  }
0x1: {  	s0 =	rddreg [dreg:$0x0]  }
0x2: {  	s1 =	rddreg [dreg:$0x1]  }
0x3: {  	s19 =	simm.s32 $0x0;
	s2 =	srdreg.scid;
	s10 =	stileid.u32  }
0x4: {  	s11 =	simm.s32 $0x1E800;
	s12 =	simm.s32 $0x9;
	s13 =	simm.s32 $0x1C000  }
0x5: {  	s14 =	simm.s32 $0x1D400;
	s15 =	simm.s32 $0x40;
	s16 =	simm.s32 $0x14000  }
0x6: {  	s18 =	simm.s32 $0x16000;
	s20 =	simm.s32 $0x18000;
	s21 =	simm.s32 $0x1  }
0x7: {  	s23 =	simm.s32 $0x1A000;
	s24 =	simm.s32 $0x2;
	s29 =	simm.s32 $0x3  }
0x8: {  	s31 =	simm.s32 $0x6;
	s17 =	simm.s32 $0x8;
	s7 =	smul.u32 $0x14000, s10  }
0x9: {  	[smem:$0x7FF] =	sst s19;
	s2 =	sand.u32 $0x1, s2;
	s8 =	smul.u32 $0x50000, s10  }
0xa: {  	s4 =	sadd.s32 $0x3F400, s0;
	s5 =	sadd.s32 $0x2B400, s0;
	s10 =	smul.u32 $0x5000, s10  }
0xb: {  	s6 =	sadd.s32 $0x17400, s0;
	s3 =	smul.u32 $0x140000, s2;
	s25 =	ssub.s32 $0x2, s2  }
0xc: {  	_ =	strace $0x8000004D;
	s2 =	smul.u32 $0x50000, s2;
	s9 =	sshrl.u32 s25, $0x1  }
.Ltmp0:
0xd: {  	s28 =	sshrl.u32 s8, $0x2;
	s3 =	sadd.s32 s7, s3;
	(pc) =	sbr.rel .LBB2_1-.Ltmp0, $4  }
0xe: {  	s26 =	ssub.s32 s25, s9;
	s7 =	sadd.s32 s28, s1;
	s3 =	sshrl.u32 s3, $0x3  }
0xf: {  	s8 =	sadd.s32 s10, s2;
	s30 =	smax.u32 s26, $0x1;
	s0 =	sadd.s32 s3, s0  }
0x10: {  	s2 =	simm.s32 $0x4;
	[dreg:$0x5] =	wrdreg s30;
	s0 =	sadd.s32 $0x66600, s0  }
0x11: {  	v0 =	vimm.f32 $0.0e+00;
	s10 =	simm.s32 $0x7;
	s26 =	simm.s32 $0x5;
	[dreg:$0x4] =	wrdreg s0  }
.LBB2_10:
0x12: {  	s0 =	stileid.u32  }
0x13: {  	[bflag:$0x0] =	sbarrier.arrive $0xFFFF;
	s0 =	sshll.u32 s0, $0x6  }
0x14: {  	s3 =	sshrl.u32 s7, $0x3;
	s9 =	rddreg [dreg:$0x4];
	s0 =	sor.u32 $0x1C09, s0  }
0x15: {  	[hbm:s9], [sflag:s0] =	dma.local [spmem:s3], $0x2800  }
0x16: {  	_ =	swait.ge [sflag:s12], $0x2800  }
0x17: {  	s19 =	rddreg [dreg:$0x3]  }
0x18: {  	s30 =	rddreg [dreg:$0x5];
	s19 =	sadd.s32 $0x1, s19  }
0x19: {  	p0 =	sne.s32 s19, s30  }
.Ltmp1:
0x1a: {  	_ = 	snop;
	(pc) =	sbr.rel @!p0 .LBB2_11-.Ltmp1, $3  }
0x1b: {  	_ =	sdelay $0x1  }
0x1c: {  	[sflag:s12] =	ssyncset.done $0x0  }
0x1d: {  	[sflag:s12] =	ssyncadd.s32 $0xFFFFD800  }
.LBB2_1:
0x1e: {  	[dreg:$0x3] =	wrdreg s19;
	s19 =	simm.s32 $0x0;
	s22 =	simm.s32 $0x200  }
.LBB2_2:
0x1f: {  	p0 =	sne.s32 s22, $0x1E00;
	[tilespmem:s19+$0x1E870] =	vst v0  }
0x20: {  	[tilespmem:s19+$0x1E800] =	vst v0  }
0x21: {  	[tilespmem:s19+$0x1E810] =	vst v0  }
.Ltmp2:
0x22: {  	[tilespmem:s19+$0x1E820] =	vst v0;
	(pc) =	sbr.rel @p0 .LBB2_2-.Ltmp2, $4  }
0x23: {  	[tilespmem:s19+$0x1E830] =	vst v0  }
0x24: {  	[tilespmem:s19+$0x1E840] =	vst v0  }
0x25: {  	[tilespmem:s19+$0x1E850] =	vst v0  }
0x26: {  	[tilespmem:s19+$0x1E860] =	vst v0;
	s19 =	sshra.s32 s22, $0x2;
	s22 =	sadd.s32 $0x200, s22  }
0x27: {  	[tilespmem:s19+$0x1E870] =	vst v0  }
0x28: {  	[tilespmem:s19+$0x1E800] =	vst v0  }
0x29: {  	[tilespmem:s19+$0x1E810] =	vst v0  }
0x2a: {  	[tilespmem:s19+$0x1E820] =	vst v0  }
0x2b: {  	[tilespmem:s19+$0x1E830] =	vst v0  }
0x2c: {  	[tilespmem:s19+$0x1E840] =	vst v0  }
0x2d: {  	[tilespmem:s19+$0x1E850] =	vst v0  }
0x2e: {  	[tilespmem:s19+$0x1E860] =	vst v0;
	s30 =	sadd.s32 $0x0, s7  }
0x2f: {  	[spmem:s30] =	stream.linear.scatter [tilespmem:s11], [sflag:$0x9], $0x800, $0x38;
	[tilespmem:$0x1F000] =	vst v63  }
0x30: {  	s19 =	simm.s32 $0x2000;
	_ =	swait.ge [sflag:s12], $0x800  }
.LBB2_4:
0x31: {  	s22 =	sshra.s32 s19, $0x2;
	[sflag:s12] =	ssyncset.done $0x0;
	p0 =	sne.s32 s19, $0x4E000  }
.Ltmp3:
0x32: {  	s22 =	sadd.s32 s22, s7;
	[sflag:s12] =	ssyncadd.s32 $0xFFFFF800;
	(pc) =	sbr.rel @p0 .LBB2_4-.Ltmp3, $3  }
0x33: {  	[spmem:s22] =	stream.linear.scatter [tilespmem:s11], [sflag:$0x9], $0x800, $0x38;
	[tilespmem:$0x1F000] =	vst v63  }
0x34: {  	s19 =	sadd.s32 $0x2000, s19;
	_ =	sdelay $0x1  }
0x35: {  	_ =	swait.ge [sflag:s12], $0x800  }
.Ltmp4:
0x36: {  	(pc) =	sbr.rel .LBB2_6-.Ltmp4, $4  }
0x37: {  	[sflag:s12] =	ssyncset.done $0x0  }
0x38: {  	[sflag:s12] =	ssyncadd.s32 $0xFFFFF800  }
0x39: {  	[bflag:$0x0] =	sbarrier.arrive $0xFFFF  }
0x3a: {  	s19 =	simm.s32 $0x0;
	s22 =	simm.s32 $0x0  }
.LBB2_9:
0x3b: {  	_ =	swait.ge [sflag:s26], $0x2000  }
0x3c: {  	[sflag:s26] =	ssyncset.done $0x0  }
0x3d: {  	[sflag:s26] =	ssyncadd.s32 $0xFFFFE000  }
0x3e: {  	_ =	swait.ge [sflag:s31], $0x2000  }
0x3f: {  	[sflag:s31] =	ssyncset.done $0x0  }
0x40: {  	s22 =	sadd.s32 $0x1, s22;
	[sflag:s31] =	ssyncadd.s32 $0xFFFFE000  }
0x41: {  	p0 =	sne.s32 s22, $0x4;
	_ =	swait.ge [sflag:s10], $0x2000  }
.Ltmp5:
0x42: {  	[sflag:s10] =	ssyncset.done $0x0;
	(pc) =	sbr.rel @!p0 .LBB2_10-.Ltmp5, $4  }
0x43: {  	[sflag:s10] =	ssyncadd.s32 $0xFFFFE000  }
0x44: {  	_ =	swait.ge [sflag:s17], $0x2000  }
0x45: {  	[sflag:s17] =	ssyncset.done $0x0  }
0x46: {  	[sflag:s17] =	ssyncadd.s32 $0xFFFFE000  }
.LBB2_6:
0x47: {  	s25 =	smul.u32 $0x1400, s22;
	_ =	sdelay $0x1  }
0x48: {  	s25 =	sadd.s32 s25, s8  }
0x49: {  	s25 =	sshrl.u32 s25, $0x3  }
0x4a: {  	s28 =	sadd.s32 s5, s25  }
0x4b: {  	[tilespmem:s13], [sflag:$0x9] =	stream.linear.gather [hbm4b:s28+s19], $0x1400, $0x38;
	[tilespmem:$0x1F000] =	vst v63  }
0x4c: {  	_ =	swait.ge [sflag:s12], $0x1400  }
0x4d: {  	[sflag:s12] =	ssyncset.done $0x0  }
0x4e: {  	s25 =	sadd.s32 s6, s25;
	[sflag:s12] =	ssyncadd.s32 $0xFFFFEC00  }
0x4f: {  	[tilespmem:s14], [sflag:$0x9] =	stream.linear.gather [hbm4b:s25+s19], $0x1400, $0x38;
	[tilespmem:$0x1F000] =	vst v63  }
0x50: {  	_ =	swait.ge [sflag:s12], $0x1400  }
0x51: {  	[sflag:s12] =	ssyncset.done $0x0  }
0x52: {  	[sflag:s12] =	ssyncadd.s32 $0xFFFFEC00  }
0x53: {  	[tilespmem:s16], [sflag:$0x1] =	stream.indirect.gather [hbm4b:s4+s15], $0x80, s13, s15, $0xb8;
	[tilespmem:$0x1F000] =	vst v63  }
0x54: {  	s0 =	simm.s32 $0x1C080  }
0x55: {  	[tilespmem:s18], [sflag:$0x2] =	stream.indirect.gather [hbm4b:s4+s15], $0x80, s0, s15, $0xb8;
	[tilespmem:$0x1F000] =	vst v63  }
0x56: {  	s25 =	simm.s32 $0x1C100  }
0x57: {  	[tilespmem:s20], [sflag:$0x3] =	stream.indirect.gather [hbm4b:s4+s15], $0x80, s25, s15, $0xb8;
	[tilespmem:$0x1F000] =	vst v63  }
0x58: {  	_ =	swait.ge [sflag:s21], $0x2000  }
0x59: {  	[sflag:s21] =	ssyncset.done $0x0  }
0x5a: {  	[sflag:s21] =	ssyncadd.s32 $0xFFFFE000  }
0x5b: {  	[spmem:s1] =	stream.indirect.scatter.add.f32 [tilespmem:s16], [sflag:$0x5], $0x80, s14, s15, $0xb8;
	[tilespmem:$0x1F000] =	vst v63  }
0x5c: {  	s28 =	simm.s32 $0x1C180  }
0x5d: {  	[tilespmem:s23], [sflag:$0x4] =	stream.indirect.gather [hbm4b:s4+s15], $0x80, s28, s15, $0xb8;
	[tilespmem:$0x1F000] =	vst v63  }
0x5e: {  	_ =	swait.ge [sflag:s24], $0x2000  }
0x5f: {  	[sflag:s24] =	ssyncset.done $0x0  }
0x60: {  	s30 =	simm.s32 $0x1D480;
	[sflag:s24] =	ssyncadd.s32 $0xFFFFE000  }
0x61: {  	[spmem:s1] =	stream.indirect.scatter.add.f32 [tilespmem:s18], [sflag:$0x6], $0x80, s30, s15, $0xb8;
	[tilespmem:$0x1F000] =	vst v63  }
0x62: {  	_ =	swait.ge [sflag:s26], $0x2000  }
0x63: {  	[sflag:s26] =	ssyncset.done $0x0  }
0x64: {  	s3 =	simm.s32 $0x1C200;
	[sflag:s26] =	ssyncadd.s32 $0xFFFFE000  }
0x65: {  	[tilespmem:s16], [sflag:$0x1] =	stream.indirect.gather [hbm4b:s4+s15], $0x80, s3, s15, $0xb8;
	[tilespmem:$0x1F000] =	vst v63  }
0x66: {  	_ =	swait.ge [sflag:s29], $0x2000  }
0x67: {  	[sflag:s29] =	ssyncset.done $0x0  }
0x68: {  	s9 =	simm.s32 $0x1D500;
	[sflag:s29] =	ssyncadd.s32 $0xFFFFE000  }
0x69: {  	[spmem:s1] =	stream.indirect.scatter.add.f32 [tilespmem:s20], [sflag:$0x7], $0x80, s9, s15, $0xb8;
	[tilespmem:$0x1F000] =	vst v63  }
0x6a: {  	_ =	swait.ge [sflag:s31], $0x2000  }
0x6b: {  	[sflag:s31] =	ssyncset.done $0x0  }
0x6c: {  	s25 =	simm.s32 $0x1C280;
	[sflag:s31] =	ssyncadd.s32 $0xFFFFE000  }
0x6d: {  	[tilespmem:s18], [sflag:$0x2] =	stream.indirect.gather [hbm4b:s4+s15], $0x80, s25, s15, $0xb8;
	[tilespmem:$0x1F000] =	vst v63  }
0x6e: {  	_ =	swait.ge [sflag:s2], $0x2000  }
0x6f: {  	[sflag:s2] =	ssyncset.done $0x0  }
0x70: {  	s28 =	simm.s32 $0x1D580;
	[sflag:s2] =	ssyncadd.s32 $0xFFFFE000  }
0x71: {  	[spmem:s1] =	stream.indirect.scatter.add.f32 [tilespmem:s23], [sflag:$0x8], $0x80, s28, s15, $0xb8;
	[tilespmem:$0x1F000] =	vst v63  }
0x72: {  	_ =	swait.ge [sflag:s10], $0x2000  }
0x73: {  	[sflag:s10] =	ssyncset.done $0x0  }
0x74: {  	s30 =	simm.s32 $0x1C300;
	s25 =	simm.s32 $0x0;
	[sflag:s10] =	ssyncadd.s32 $0xFFFFE000  }
0x75: {  	[tilespmem:s20], [sflag:$0x3] =	stream.indirect.gather [hbm4b:s4+s15], $0x80, s30, s15, $0xb8;
	[tilespmem:$0x1F000] =	vst v63  }
.LBB2_7:
0x76: {  	_ =	swait.ge [sflag:s21], $0x2000  }
0x77: {  	s28 =	sshra.s32 s25, $0x2;
	[sflag:s21] =	ssyncset.done $0x0  }
0x78: {  	s30 =	sadd.s32 $0x1D600, s28;
	[sflag:s21] =	ssyncadd.s32 $0xFFFFE000  }
0x79: {  	[spmem:s1] =	stream.indirect.scatter.add.f32 [tilespmem:s16], [sflag:$0x5], $0x80, s30, s15, $0xb8;
	[tilespmem:$0x1F000] =	vst v63  }
0x7a: {  	_ =	swait.ge [sflag:s17], $0x2000  }
0x7b: {  	[sflag:s17] =	ssyncset.done $0x0  }
0x7c: {  	s3 =	sadd.s32 $0x1C380, s28;
	[sflag:s17] =	ssyncadd.s32 $0xFFFFE000  }
0x7d: {  	[tilespmem:s23], [sflag:$0x4] =	stream.indirect.gather [hbm4b:s4+s15], $0x80, s3, s15, $0xb8;
	[tilespmem:$0x1F000] =	vst v63  }
0x7e: {  	_ =	swait.ge [sflag:s24], $0x2000  }
0x7f: {  	p0 =	seq.s32 s25, $0x4000;
	[sflag:s24] =	ssyncset.done $0x0  }
0x80: {  	s9 =	sadd.s32 $0x1D680, s28;
	s30 =	simm.s32 @p0 $0x3;
	[sflag:s24] =	ssyncadd.s32 $0xFFFFE000  }
0x81: {  	[spmem:s1] =	stream.indirect.scatter.add.f32 [tilespmem:s18], [sflag:$0x6], $0x80, s9, s15, $0xb8;
	[tilespmem:$0x1F000] =	vst v63  }
0x82: {  	_ =	swait.ge @p0 [sflag:s30], $0x2000  }
0x83: {  	[sflag:s30] =	ssyncset.done @p0 $0x0  }
0x84: {  	[sflag:s30] =	ssyncadd.s32 @p0 $0xFFFFE000;
	s30 =	sshra.s32 @p0 s25, $0x2  }
0x85: {  	s0 =	simm.s32 @p0 $0x40;
	s9 =	simm.s32 @p0 $0x18000;
	s30 =	sadd.s32 @p0 $0x1D700, s30  }
0x86: {  	[spmem:s1] =	stream.indirect.scatter.add.f32 @p0 [tilespmem:s9], [sflag:$0x7], $0x80, s30, s0, $0xb8;
	[tilespmem:$0x1F000] =	vst v63  }
0x87: {  	s0 =	simm.s32 @!p0 $0x5  }
0x88: {  	_ =	swait.ge @!p0 [sflag:s0], $0x2000  }
0x89: {  	[sflag:s0] =	ssyncset.done @!p0 $0x0  }
0x8a: {  	[sflag:s0] =	ssyncadd.s32 @!p0 $0xFFFFE000;
	s0 =	sshra.s32 @!p0 s25, $0x2  }
0x8b: {  	s3 =	simm.s32 @!p0 $0x14000;
	s30 =	simm.s32 @!p0 $0x40;
	s9 =	sadd.s32 @!p0 $0x1C400, s0  }
0x8c: {  	[tilespmem:s3], [sflag:$0x1] =	stream.indirect.gather @!p0 [hbm4b:s4+s30], $0x80, s9, s30, $0xb8;
	[tilespmem:$0x1F000] =	vst v63  }
0x8d: {  	s3 =	simm.s32 @!p0 $0x3  }
0x8e: {  	_ =	swait.ge @!p0 [sflag:s3], $0x2000  }
0x8f: {  	[sflag:s3] =	ssyncset.done @!p0 $0x0  }
0x90: {  	s9 =	simm.s32 @!p0 $0x18000;
	[sflag:s3] =	ssyncadd.s32 @!p0 $0xFFFFE000;
	s3 =	sadd.s32 @!p0 $0x1D700, s0  }
0x91: {  	[spmem:s1] =	stream.indirect.scatter.add.f32 @!p0 [tilespmem:s9], [sflag:$0x7], $0x80, s3, s30, $0xb8;
	[tilespmem:$0x1F000] =	vst v63  }
0x92: {  	s3 =	simm.s32 @!p0 $0x6  }
0x93: {  	_ =	swait.ge @!p0 [sflag:s3], $0x2000  }
0x94: {  	[sflag:s3] =	ssyncset.done @!p0 $0x0  }
0x95: {  	s0 =	sadd.s32 @!p0 $0x1C480, s0;
	[sflag:s3] =	ssyncadd.s32 @!p0 $0xFFFFE000;
	s3 =	simm.s32 @!p0 $0x16000  }
0x96: {  	[tilespmem:s3], [sflag:$0x2] =	stream.indirect.gather @!p0 [hbm4b:s4+s30], $0x80, s0, s30, $0xb8;
	[tilespmem:$0x1F000] =	vst v63  }
.Ltmp6:
0x97: {  	_ = 	snop;
	(pc) =	sbr.rel @p0 .LBB2_9-.Ltmp6, $4  }
0x98: {  	_ =	swait.ge [sflag:s2], $0x2000  }
0x99: {  	[sflag:s2] =	ssyncset.done $0x0  }
0x9a: {  	s30 =	sadd.s32 $0x1D780, s28;
	[sflag:s2] =	ssyncadd.s32 $0xFFFFE000  }
0x9b: {  	[spmem:s1] =	stream.indirect.scatter.add.f32 [tilespmem:s23], [sflag:$0x8], $0x80, s30, s15, $0xb8;
	[tilespmem:$0x1F000] =	vst v63  }
.Ltmp7:
0x9c: {  	(pc) =	sbr.rel .LBB2_7-.Ltmp7, $4  }
0x9d: {  	_ =	swait.ge [sflag:s10], $0x2000  }
0x9e: {  	[sflag:s10] =	ssyncset.done $0x0  }
0x9f: {  	s0 =	sadd.s32 $0x1C500, s28;
	s25 =	sadd.s32 $0x800, s25;
	[sflag:s10] =	ssyncadd.s32 $0xFFFFE000  }
0xa0: {  	[tilespmem:s20], [sflag:$0x3] =	stream.indirect.gather [hbm4b:s4+s15], $0x80, s0, s15, $0xb8;
	[tilespmem:$0x1F000] =	vst v63  }
.LBB2_11:
0xa1: {  	_ =	sfence.sel $0x180000  }
0xa2: {  	[bflag:$0x0] =	sbarrier.arrive $0xFFFF  }
0xa3: {  	_ =	strace $0x9000004D  }
0xa4: {  	s0 =	stileid.u32;
	[bflag:$0x2] =	sbarrier.arrive $0xFFFF  }
0xa5: {  	p0 =	sne.s32 s0, $0x0;
	s0 =	rddreg [dreg:$0x2]  }
0xa6: {  	s0 =	sadd.s32 @!p0 $0x100000, s0  }
0xa7: {  	[sflag:s0] =	ssyncadd.tile.s32 @!p0 $0x1;
	_ =	shalt  }
.Lfunc_end2:
_tile_overlayer_lowered:
.L_overlay_start_2:
0xa8: {  	(tag) =	ssettag $0x2  }
0xa9: {  	s0 =	rddreg [dreg:$0x0];
	s2 =	stileid.u32  }
0xaa: {  	s1 =	rddreg [dreg:$0x1];
	p0 =	sne.s32 s2, $0x0  }
0xab: {  	s3 =	rddreg [dreg:$0x2];
	[bflag:$0x3] =	sbarrier.arrive $0xFFFF;
	s2 =	simm.s32 @!p0 $0x1C09  }
0xac: {  	[timem:s3], [sflag:s2] =	dma.local @!p0 [hbm:s0], s1  }
0xad: {  	s0 =	simm.s32 @!p0 $0x9  }
0xae: {  	_ =	swait.ge @!p0 [sflag:s0], s1  }
0xaf: {  	s1 =	ssub.s32 @!p0 $0x0, s1;
	[sflag:s0] =	ssyncset.done @!p0 $0x0  }
0xb0: {  	[sflag:s0] =	ssyncadd.s32 @!p0 s1  }
0xb1: {  	[bflag:$0x3] =	sbarrier.arrive $0xFFFF  }
0xb2: {  	_ =	shalt  }

// kernel: kernel.19.cloned.1.call-start
scs
__scs_entry_jumppad:
0x0: {  	(pc) =	sbr.rel $0x88, $3  }
0x1: {  	(tag) =	ssettag $0x0;
	lr =	simm.s32 $0x1  }
0x2: {  	[smem:$0x3F94] =	sst lr;
	_ =	strace $0xD0000000  }
0x3: {  	_ = 	snop  }
0x4: {  	_ = 	snop  }
0x5: {  	_ = 	snop  }
0x6: {  	_ = 	snop  }
0x7: {  	_ = 	snop  }
__scs_overlays_trampoline_lowered:
0x8: {  	[smem:$0x3FA3] =	sst s0  }
0x9: {  	[smem:$0x3FA4] =	sst s1  }
0xa: {  	[smem:$0x3FA5] =	sst s2  }
0xb: {  	[smem:$0x3FA6] =	sst s3  }
0xc: {  	[smem:$0x3FA7] =	sst s4  }
0xd: {  	[smem:$0x3FA8] =	sst s5  }
0xe: {  	[smem:$0x3FA9] =	sst s6  }
0xf: {  	[smem:$0x3FAA] =	sst s7  }
0x10: {  	[smem:$0x3FAB] =	sst s8  }
0x11: {  	[smem:$0x3FAC] =	sst s9;
	s0 =	simm.s32 @!p0 $0x0  }
0x12: {  	s1 =	sld [smem:$0x3F92];
	s0 =	simm.s32 @p0 $0x1  }
0x13: {  	[smem:$0x3FAD] =	sst s0;
	s0 =	simm.s32 @!p1 $0x0  }
0x14: {  	s2 =	sld [smem:$0x3F91];
	s0 =	simm.s32 @p1 $0x1  }
0x15: {  	[smem:$0x3FAE] =	sst s0;
	s0 =	simm.s32 @!p2 $0x0  }
0x16: {  	s3 =	sld [smem:$0x3FDB];
	s0 =	simm.s32 @p2 $0x1  }
0x17: {  	s4 =	simm.s32 $0x1BF5;
	[smem:$0x3FB0] =	sst s0  }
0x18: {  	s0 =	sld [smem:$0x3F93];
	_ =	swait.ge [sflag:s4], $0x0  }
0x19: {  	s7 =	sld [smem:$0x3F94]  }
0x1a: {  	s8 =	sadd.s32 $0xFFFFE003, lr  }
0x1b: {  	s9 =	sadd.s32 $0xFFFFFEF7, lr;
	s5 =	simm.s32 $0xFFFFFFFF;
	p2 =	slt.u32 s8, $0xFFFFF086  }
0x1c: {  	p1 =	slt.u32 s9, $0xF7A;
	s5 =	simm.s32 @!p2 $0x0  }
0x1d: {  	s5 =	simm.s32 @p1 $0x1;
	p0 =	seq.s32 s7, s2  }
0x1e: {  	s7 =	smul.u32 @!p0 $0xF7A, s2;
	p2 =	seq.s32 @!p0 s5, $0x0  }
0x1f: {  	s9 =	smul.u32 $0xF7A, s1;
	s8 =	simm.s32 @!p0 $0x1BF5;
	p2 =	por !p2, p0  }
0x20: {  	[sflag:s8] =	ssyncset.s32 @!p0 $0xFFFFF086;
	s6 =	sadd.s32 @!p0 s3, s7;
	s7 =	simm.s32 @!p0 $0x108  }
0x21: {  	s3 =	sadd.s32 s3, s9;
	s6 =	sadd.s32 @!p0 $0x88, s6;
	s7 =	simm.s32 @p2 $0x1082  }
0x22: {  	[simem:s7], [sflag:s8] =	dma.local @!p0 [hbm:s6], $0xF7A  }
0x23: {  	s9 =	sor.u32 $0xD0000000, s2;
	s6 =	simm.s32 $0x108;
	_ =	swait.ge @!p0 [sflag:s8], $0x0  }
0x24: {  	s3 =	sadd.s32 $0x88, s3;
	s6 =	simm.s32 @!p1 $0x1082;
	[sflag:s4] =	ssyncset.s32 $0xFFFFF086  }
0x25: {  	[simem:s6], [sflag:s4] =	dma.local [hbm:s3], $0xF7A  }
0x26: {  	[smem:$0x3F94] =	sst s1;
	(tag) =	ssettag s2;
	_ =	strace s9  }
0x27: {  	s1 =	sld [smem:$0x3FA4]  }
0x28: {  	s2 =	sld [smem:$0x3FA5]  }
0x29: {  	s4 =	sld [smem:$0x3FA7]  }
0x2a: {  	p0 =	seq.s32 s5, $0x0;
	s5 =	sld [smem:$0x3FA8]  }
0x2b: {  	s6 =	sld [smem:$0x3FA9]  }
0x2c: {  	s7 =	sld [smem:$0x3FAA]  }
0x2d: {  	s3 =	simm.s32 $0x108;
	s8 =	sld [smem:$0x3FAB]  }
0x2e: {  	s3 =	simm.s32 @!p0 $0x1082;
	s9 =	sld [smem:$0x3FAC]  }
0x2f: {  	lr =	sadd.s32 s0, s3;
	s0 =	sld [smem:$0x3FA3]  }
0x30: {  	s3 =	sld [smem:$0x3FA6]  }
0x31: {  	[smem:$0x3FAF] =	sst s10  }
0x32: {  	s10 =	sld [smem:$0x3FAD];
	_ =	sdelay $0x3  }
0x33: {  	p0 =	seq.s32 s10, $0x1;
	s10 =	sld [smem:$0x3FAF];
	_ =	sdelay $0x3  }
0x34: {  	[smem:$0x3FAF] =	sst s10  }
0x35: {  	s10 =	sld [smem:$0x3FAE];
	_ =	sdelay $0x3  }
0x36: {  	p1 =	seq.s32 s10, $0x1;
	s10 =	sld [smem:$0x3FAF];
	_ =	sdelay $0x3  }
0x37: {  	[smem:$0x3FAF] =	sst s10  }
0x38: {  	s10 =	sld [smem:$0x3FB0]  }
0x39: {  	_ = 	snop;
	(pc) =	sbr.ind lr, $3  }
0x3a: {  	_ = 	snop  }
0x3b: {  	_ = 	snop  }
0x3c: {  	p2 =	seq.s32 s10, $0x1;
	s10 =	sld [smem:$0x3FAF]  }
0x3d: {  	_ =	shalt  }
0x3e: {  	_ =	shalt  }
0x3f: {  	_ =	shalt  }
0x40: {  	_ =	shalt  }
0x41: {  	_ =	shalt  }
0x42: {  	_ =	shalt  }
0x43: {  	_ =	shalt  }
0x44: {  	_ =	shalt  }
0x45: {  	_ =	shalt  }
0x46: {  	_ =	shalt  }
0x47: {  	_ =	shalt  }
0x48: {  	_ =	shalt  }
0x49: {  	_ =	shalt  }
0x4a: {  	_ =	shalt  }
0x4b: {  	_ =	shalt  }
0x4c: {  	_ =	shalt  }
0x4d: {  	_ =	shalt  }
0x4e: {  	_ =	shalt  }
0x4f: {  	_ =	shalt  }
0x50: {  	_ =	shalt  }
0x51: {  	_ =	shalt  }
0x52: {  	_ =	shalt  }
0x53: {  	_ =	shalt  }
0x54: {  	_ =	shalt  }
0x55: {  	_ =	shalt  }
0x56: {  	_ =	shalt  }
0x57: {  	_ =	shalt  }
0x58: {  	_ =	shalt  }
0x59: {  	_ =	shalt  }
0x5a: {  	_ =	shalt  }
0x5b: {  	_ =	shalt  }
0x5c: {  	_ =	shalt  }
0x5d: {  	_ =	shalt  }
0x5e: {  	_ =	shalt  }
0x5f: {  	_ =	shalt  }
0x60: {  	_ =	shalt  }
0x61: {  	_ =	shalt  }
0x62: {  	_ =	shalt  }
0x63: {  	_ =	shalt  }
0x64: {  	_ =	shalt  }
0x65: {  	_ =	shalt  }
0x66: {  	_ =	shalt  }
0x67: {  	_ =	shalt  }
0x68: {  	_ =	shalt  }
0x69: {  	_ =	shalt  }
0x6a: {  	_ =	shalt  }
0x6b: {  	_ =	shalt  }
0x6c: {  	_ =	shalt  }
0x6d: {  	_ =	shalt  }
0x6e: {  	_ =	shalt  }
0x6f: {  	_ =	shalt  }
0x70: {  	_ =	shalt  }
0x71: {  	_ =	shalt  }
0x72: {  	_ =	shalt  }
0x73: {  	_ =	shalt  }
0x74: {  	_ =	shalt  }
0x75: {  	_ =	shalt  }
0x76: {  	_ =	shalt  }
0x77: {  	_ =	shalt  }
0x78: {  	_ =	shalt  }
0x79: {  	_ =	shalt  }
0x7a: {  	_ =	shalt  }
0x7b: {  	_ =	shalt  }
0x7c: {  	_ =	shalt  }
0x7d: {  	_ =	shalt  }
0x7e: {  	_ =	shalt  }
0x7f: {  	_ =	shalt  }
0x80: {  	_ =	shalt  }
0x81: {  	_ =	shalt  }
0x82: {  	_ =	shalt  }
0x83: {  	_ =	shalt  }
0x84: {  	_ =	shalt  }
0x85: {  	_ =	shalt  }
0x86: {  	_ =	shalt  }
0x87: {  	_ =	shalt  }
.Lfunc_end0:
.L_simem_size_0:
called_computation.3_lowered:
.L_overlay_start_0:
0x88: {  	s2 =	sld [smem:$0x3FD9]  }
0x89: {  	s3 =	sld [smem:$0x3FFE];
	_ =	sdelay $0x1  }
0x8a: {  	s1 =	srdreg.scid  }
0x8b: {  	s0 =	sand.u32 $0x1, s1  }
0x8c: {  	s16 =	sshll.u32 s0, $0xA;
	s2 =	sadd.s32 s3, s2  }
0x8d: {  	s2 =	sadd.s32 s2, s16  }
0x8e: {  	[smem:$0x3FBB] =	sst s2  }
0x8f: {  	_ = 	snop  }
0x90: {  	(tm) =	ssettm $0x1  }
0x91: {  	s17 =	sld [smem:$0x3FFB];
	_ =	sdelay $0x3  }
0x92: {  	_ =	strace s17  }
0x93: {  	s2 =	sld [smem:$0x3FFC];
	_ =	sdelay $0x3  }
0x94: {  	_ =	strace s2  }
0x95: {  	s2 =	sld [smem:$0x3FFD];
	_ =	sdelay $0x3  }
0x96: {  	_ =	strace s2  }
0x97: {  	_ =	strace $0x8FFFFFFF  }
0x98: {  	s18 =	sld [smem:$0x3FDB];
	_ =	sdelay $0x1  }
0x99: {  	s19 =	simm.s32 $_scs_section_size  }
0x9a: {  	s4 =	simm.s32 $_size__tile_overlayer_lowered;
	s5 =	simm.s32 $_tile_overlayer_lowered  }
0x9b: {  	s22 =	simm.s32 $0x1BFF;
	s21 =	sshll.u32 s5, $0x1;
	s2 =	sadd.s32 s19, s18  }
0x9c: {  	s6 =	simm.s32 $0x0;
	s20 =	sshll.u32 s4, $0x1;
	s4 =	sadd.s32 s21, s2  }
0x9d: {  	[timem:s6], [sflag:s22] =	dma.local [hbm:s4], s20  }
0x9e: {  	_ =	swait.ge [sflag:s22], s20  }
0x9f: {  	s3 =	ssub.s32 $0x0, s20;
	[sflag:s22] =	ssyncset.done $0x0  }
0xa0: {  	[sflag:s22] =	ssyncadd.s32 s3;
	_ =	sdelay $0x1  }
0xa1: {  	s23 =	simm.s32 $0x1B8B  }
0xa2: {  	_ =	swait.ge [sflag:s23], $0x1  }
0xa3: {  	[sflag:s23] =	ssyncset.done $0x0  }
0xa4: {  	s25 =	simm.s32 $0x1B8E;
	s24 =	sld [smem:$0x3FFE];
	[sflag:s23] =	ssyncadd.s32 $0xFFFFFFFF  }
0xa5: {  	s26 =	simm.s32 $execute0_lowered;
	[smem:$0x3FD2] =	sst s25  }
0xa6: {  	s4 =	sshll.u32 s26, $0x1;
	_ =	strace $0x8000004F;
	[dreg:$0x1] =	wrdreg $0xFFFFFFFF  }
0xa7: {  	s28 =	simm.s32 $_size_execute0_lowered;
	s2 =	sadd.s32 s2, s4;
	[dreg:$0x0] =	wrdreg $0x0  }
0xa8: {  	s4 =	sshll.u32 s28, $0x1;
	[dreg:$0x2] =	wrdreg s2  }
0xa9: {  	[dreg:$0x3] =	wrdreg s4  }
0xaa: {  	[dreg:$0x4] =	wrdreg $0xC0  }
0xab: {  	_ =	task [dreg:s6], $0x5FFFF  }
0xac: {  	[dreg:$0x1] =	wrdreg $0xFFFFFFFF  }
0xad: {  	[dreg:$0x0] =	wrdreg $0x60  }
0xae: {  	[dreg:$0x2] =	wrdreg s24  }
0xaf: {  	[dreg:$0x3] =	wrdreg $0x0  }
0xb0: {  	[dreg:$0x4] =	wrdreg $0x9  }
0xb1: {  	_ =	task.clear_ibuf [dreg:s6], $0x5FFFF;
	_ =	strace $0x9000004F  }
0xb2: {  	s29 =	simm.s32 $0x9;
	_ =	strace $0x80000051  }
0xb3: {  	_ =	swait.ge [sflag:s29], $0x1  }
0xb4: {  	[sflag:s29] =	ssyncadd.s32 $0xFFFFFFFF  }
0xb5: {  	_ =	strace $0x90000051  }
0xb6: {  	_ =	sfence  }
0xb7: {  	s30 =	sld [smem:$0x0];
	_ =	sdelay $0x2  }
0xb8: {  	s31 =	sshll.u32 s1, $0xD;
	s1 =	sshrl.u32 s1, $0x2  }
0xb9: {  	s3 =	sand.u32 $0x4000, s31;
	s1 =	sadd.s32 s1, s30  }
0xba: {  	s0 =	sor.u32 s3, s0;
	s1 =	sshll.u32 s1, $0x11  }
0xbb: {  	s0 =	sor.u32 s1, s0  }
0xbc: {  	s0 =	sadd.s32 $0x8F2B, s0  }
0xbd: {  	[sflag:s0] =	ssyncadd.remote.s32 $0x1  }
0xbe: {  	_ =	sfence.sel $0xFFFF  }
0xbf: {  	[dreg:$0x0] =	wrdreg $0xFFFFFFFF;
	(pc) =	sbr.abs _section_cstart, $3  }
0xc0: {  	[dreg:$0x1] =	wrdreg $0xFFFFFFFF  }
0xc1: {  	_ =	task.clear_ibuf [dreg:s6], $0x2FFFF;
	_ =	strace $0x9FFFFFFF  }
0xc2: {  	(tm) =	ssettm $0x7FFFFFFF  }
0xc3: {  	_ =	shalt  }
tec
execute0_lowered:
.L_overlay_start_1:
0x0: {  	(tag) =	ssettag $0x1  }
0x1: {  	s0 =	rddreg [dreg:$0x0]  }
0x2: {  	s1 =	rddreg [dreg:$0x1]  }
0x3: {  	s19 =	simm.s32 $0x0;
	s2 =	srdreg.scid;
	s10 =	stileid.u32  }
0x4: {  	s11 =	simm.s32 $0x1E800;
	s12 =	simm.s32 $0x9;
	s13 =	simm.s32 $0x1C000  }
0x5: {  	s14 =	simm.s32 $0x1D400;
	s15 =	simm.s32 $0x40;
	s16 =	simm.s32 $0x14000  }
0x6: {  	s18 =	simm.s32 $0x16000;
	s20 =	simm.s32 $0x18000;
	s21 =	simm.s32 $0x1  }
0x7: {  	s23 =	simm.s32 $0x1A000;
	s24 =	simm.s32 $0x2;
	s29 =	simm.s32 $0x3  }
0x8: {  	s31 =	simm.s32 $0x6;
	s17 =	simm.s32 $0x8;
	s7 =	smul.u32 $0x14000, s10  }
0x9: {  	[smem:$0x7FF] =	sst s19;
	s2 =	sand.u32 $0x1, s2;
	s8 =	smul.u32 $0x50000, s10  }
0xa: {  	s4 =	sadd.s32 $0x3F400, s0;
	s5 =	sadd.s32 $0x2B400, s0;
	s10 =	smul.u32 $0x5000, s10  }
0xb: {  	s6 =	sadd.s32 $0x17400, s0;
	s3 =	smul.u32 $0x140000, s2;
	s25 =	ssub.s32 $0x2, s2  }
0xc: {  	_ =	strace $0x80000050;
	s2 =	smul.u32 $0x50000, s2;
	s9 =	sshrl.u32 s25, $0x1  }
.Ltmp0:
0xd: {  	s28 =	sshrl.u32 s8, $0x2;
	s3 =	sadd.s32 s7, s3;
	(pc) =	sbr.rel .LBB2_1-.Ltmp0, $4  }
0xe: {  	s26 =	ssub.s32 s25, s9;
	s7 =	sadd.s32 s28, s1;
	s3 =	sshrl.u32 s3, $0x3  }
0xf: {  	s8 =	sadd.s32 s10, s2;
	s30 =	smax.u32 s26, $0x1;
	s0 =	sadd.s32 s3, s0  }
0x10: {  	s2 =	simm.s32 $0x4;
	[dreg:$0x5] =	wrdreg s30;
	s0 =	sadd.s32 $0x66600, s0  }
0x11: {  	v0 =	vimm.f32 $0.0e+00;
	s10 =	simm.s32 $0x7;
	s26 =	simm.s32 $0x5;
	[dreg:$0x4] =	wrdreg s0  }
.LBB2_10:
0x12: {  	s0 =	stileid.u32  }
0x13: {  	[bflag:$0x0] =	sbarrier.arrive $0xFFFF;
	s0 =	sshll.u32 s0, $0x6  }
0x14: {  	s3 =	sshrl.u32 s7, $0x3;
	s9 =	rddreg [dreg:$0x4];
	s0 =	sor.u32 $0x1C09, s0  }
0x15: {  	[hbm:s9], [sflag:s0] =	dma.local [spmem:s3], $0x2800  }
0x16: {  	_ =	swait.ge [sflag:s12], $0x2800  }
0x17: {  	s19 =	rddreg [dreg:$0x3]  }
0x18: {  	s30 =	rddreg [dreg:$0x5];
	s19 =	sadd.s32 $0x1, s19  }
0x19: {  	p0 =	sne.s32 s19, s30  }
.Ltmp1:
0x1a: {  	_ = 	snop;
	(pc) =	sbr.rel @!p0 .LBB2_11-.Ltmp1, $3  }
0x1b: {  	_ =	sdelay $0x1  }
0x1c: {  	[sflag:s12] =	ssyncset.done $0x0  }
0x1d: {  	[sflag:s12] =	ssyncadd.s32 $0xFFFFD800  }
.LBB2_1:
0x1e: {  	[dreg:$0x3] =	wrdreg s19;
	s19 =	simm.s32 $0x0;
	s22 =	simm.s32 $0x200  }
.LBB2_2:
0x1f: {  	p0 =	sne.s32 s22, $0x1E00;
	[tilespmem:s19+$0x1E870] =	vst v0  }
0x20: {  	[tilespmem:s19+$0x1E800] =	vst v0  }
0x21: {  	[tilespmem:s19+$0x1E810] =	vst v0  }
.Ltmp2:
0x22: {  	[tilespmem:s19+$0x1E820] =	vst v0;
	(pc) =	sbr.rel @p0 .LBB2_2-.Ltmp2, $4  }
0x23: {  	[tilespmem:s19+$0x1E830] =	vst v0  }
0x24: {  	[tilespmem:s19+$0x1E840] =	vst v0  }
0x25: {  	[tilespmem:s19+$0x1E850] =	vst v0  }
0x26: {  	[tilespmem:s19+$0x1E860] =	vst v0;
	s19 =	sshra.s32 s22, $0x2;
	s22 =	sadd.s32 $0x200, s22  }
0x27: {  	[tilespmem:s19+$0x1E870] =	vst v0  }
0x28: {  	[tilespmem:s19+$0x1E800] =	vst v0  }
0x29: {  	[tilespmem:s19+$0x1E810] =	vst v0  }
0x2a: {  	[tilespmem:s19+$0x1E820] =	vst v0  }
0x2b: {  	[tilespmem:s19+$0x1E830] =	vst v0  }
0x2c: {  	[tilespmem:s19+$0x1E840] =	vst v0  }
0x2d: {  	[tilespmem:s19+$0x1E850] =	vst v0  }
0x2e: {  	[tilespmem:s19+$0x1E860] =	vst v0;
	s30 =	sadd.s32 $0x0, s7  }
0x2f: {  	[spmem:s30] =	stream.linear.scatter [tilespmem:s11], [sflag:$0x9], $0x800, $0x38;
	[tilespmem:$0x1F000] =	vst v63  }
0x30: {  	s19 =	simm.s32 $0x2000;
	_ =	swait.ge [sflag:s12], $0x800  }
.LBB2_4:
0x31: {  	s22 =	sshra.s32 s19, $0x2;
	[sflag:s12] =	ssyncset.done $0x0;
	p0 =	sne.s32 s19, $0x4E000  }
.Ltmp3:
0x32: {  	s22 =	sadd.s32 s22, s7;
	[sflag:s12] =	ssyncadd.s32 $0xFFFFF800;
	(pc) =	sbr.rel @p0 .LBB2_4-.Ltmp3, $3  }
0x33: {  	[spmem:s22] =	stream.linear.scatter [tilespmem:s11], [sflag:$0x9], $0x800, $0x38;
	[tilespmem:$0x1F000] =	vst v63  }
0x34: {  	s19 =	sadd.s32 $0x2000, s19;
	_ =	sdelay $0x1  }
0x35: {  	_ =	swait.ge [sflag:s12], $0x800  }
.Ltmp4:
0x36: {  	(pc) =	sbr.rel .LBB2_6-.Ltmp4, $4  }
0x37: {  	[sflag:s12] =	ssyncset.done $0x0  }
0x38: {  	[sflag:s12] =	ssyncadd.s32 $0xFFFFF800  }
0x39: {  	[bflag:$0x0] =	sbarrier.arrive $0xFFFF  }
0x3a: {  	s19 =	simm.s32 $0x0;
	s22 =	simm.s32 $0x0  }
.LBB2_9:
0x3b: {  	_ =	swait.ge [sflag:s26], $0x2000  }
0x3c: {  	[sflag:s26] =	ssyncset.done $0x0  }
0x3d: {  	[sflag:s26] =	ssyncadd.s32 $0xFFFFE000  }
0x3e: {  	_ =	swait.ge [sflag:s31], $0x2000  }
0x3f: {  	[sflag:s31] =	ssyncset.done $0x0  }
0x40: {  	s22 =	sadd.s32 $0x1, s22;
	[sflag:s31] =	ssyncadd.s32 $0xFFFFE000  }
0x41: {  	p0 =	sne.s32 s22, $0x4;
	_ =	swait.ge [sflag:s10], $0x2000  }
.Ltmp5:
0x42: {  	[sflag:s10] =	ssyncset.done $0x0;
	(pc) =	sbr.rel @!p0 .LBB2_10-.Ltmp5, $4  }
0x43: {  	[sflag:s10] =	ssyncadd.s32 $0xFFFFE000  }
0x44: {  	_ =	swait.ge [sflag:s17], $0x2000  }
0x45: {  	[sflag:s17] =	ssyncset.done $0x0  }
0x46: {  	[sflag:s17] =	ssyncadd.s32 $0xFFFFE000  }
.LBB2_6:
0x47: {  	s25 =	smul.u32 $0x1400, s22;
	_ =	sdelay $0x1  }
0x48: {  	s25 =	sadd.s32 s25, s8  }
0x49: {  	s25 =	sshrl.u32 s25, $0x3  }
0x4a: {  	s28 =	sadd.s32 s5, s25  }
0x4b: {  	[tilespmem:s13], [sflag:$0x9] =	stream.linear.gather [hbm4b:s28+s19], $0x1400, $0x38;
	[tilespmem:$0x1F000] =	vst v63  }
0x4c: {  	_ =	swait.ge [sflag:s12], $0x1400  }
0x4d: {  	[sflag:s12] =	ssyncset.done $0x0  }
0x4e: {  	s25 =	sadd.s32 s6, s25;
	[sflag:s12] =	ssyncadd.s32 $0xFFFFEC00  }
0x4f: {  	[tilespmem:s14], [sflag:$0x9] =	stream.linear.gather [hbm4b:s25+s19], $0x1400, $0x38;
	[tilespmem:$0x1F000] =	vst v63  }
0x50: {  	_ =	swait.ge [sflag:s12], $0x1400  }
0x51: {  	[sflag:s12] =	ssyncset.done $0x0  }
0x52: {  	[sflag:s12] =	ssyncadd.s32 $0xFFFFEC00  }
0x53: {  	[tilespmem:s16], [sflag:$0x1] =	stream.indirect.gather [hbm4b:s4+s15], $0x80, s13, s15, $0xb8;
	[tilespmem:$0x1F000] =	vst v63  }
0x54: {  	s0 =	simm.s32 $0x1C080  }
0x55: {  	[tilespmem:s18], [sflag:$0x2] =	stream.indirect.gather [hbm4b:s4+s15], $0x80, s0, s15, $0xb8;
	[tilespmem:$0x1F000] =	vst v63  }
0x56: {  	s25 =	simm.s32 $0x1C100  }
0x57: {  	[tilespmem:s20], [sflag:$0x3] =	stream.indirect.gather [hbm4b:s4+s15], $0x80, s25, s15, $0xb8;
	[tilespmem:$0x1F000] =	vst v63  }
0x58: {  	_ =	swait.ge [sflag:s21], $0x2000  }
0x59: {  	[sflag:s21] =	ssyncset.done $0x0  }
0x5a: {  	[sflag:s21] =	ssyncadd.s32 $0xFFFFE000  }
0x5b: {  	[spmem:s1] =	stream.indirect.scatter.add.f32 [tilespmem:s16], [sflag:$0x5], $0x80, s14, s15, $0xb8;
	[tilespmem:$0x1F000] =	vst v63  }
0x5c: {  	s28 =	simm.s32 $0x1C180  }
0x5d: {  	[tilespmem:s23], [sflag:$0x4] =	stream.indirect.gather [hbm4b:s4+s15], $0x80, s28, s15, $0xb8;
	[tilespmem:$0x1F000] =	vst v63  }
0x5e: {  	_ =	swait.ge [sflag:s24], $0x2000  }
0x5f: {  	[sflag:s24] =	ssyncset.done $0x0  }
0x60: {  	s30 =	simm.s32 $0x1D480;
	[sflag:s24] =	ssyncadd.s32 $0xFFFFE000  }
0x61: {  	[spmem:s1] =	stream.indirect.scatter.add.f32 [tilespmem:s18], [sflag:$0x6], $0x80, s30, s15, $0xb8;
	[tilespmem:$0x1F000] =	vst v63  }
0x62: {  	_ =	swait.ge [sflag:s26], $0x2000  }
0x63: {  	[sflag:s26] =	ssyncset.done $0x0  }
0x64: {  	s3 =	simm.s32 $0x1C200;
	[sflag:s26] =	ssyncadd.s32 $0xFFFFE000  }
0x65: {  	[tilespmem:s16], [sflag:$0x1] =	stream.indirect.gather [hbm4b:s4+s15], $0x80, s3, s15, $0xb8;
	[tilespmem:$0x1F000] =	vst v63  }
0x66: {  	_ =	swait.ge [sflag:s29], $0x2000  }
0x67: {  	[sflag:s29] =	ssyncset.done $0x0  }
0x68: {  	s9 =	simm.s32 $0x1D500;
	[sflag:s29] =	ssyncadd.s32 $0xFFFFE000  }
0x69: {  	[spmem:s1] =	stream.indirect.scatter.add.f32 [tilespmem:s20], [sflag:$0x7], $0x80, s9, s15, $0xb8;
	[tilespmem:$0x1F000] =	vst v63  }
0x6a: {  	_ =	swait.ge [sflag:s31], $0x2000  }
0x6b: {  	[sflag:s31] =	ssyncset.done $0x0  }
0x6c: {  	s25 =	simm.s32 $0x1C280;
	[sflag:s31] =	ssyncadd.s32 $0xFFFFE000  }
0x6d: {  	[tilespmem:s18], [sflag:$0x2] =	stream.indirect.gather [hbm4b:s4+s15], $0x80, s25, s15, $0xb8;
	[tilespmem:$0x1F000] =	vst v63  }
0x6e: {  	_ =	swait.ge [sflag:s2], $0x2000  }
0x6f: {  	[sflag:s2] =	ssyncset.done $0x0  }
0x70: {  	s28 =	simm.s32 $0x1D580;
	[sflag:s2] =	ssyncadd.s32 $0xFFFFE000  }
0x71: {  	[spmem:s1] =	stream.indirect.scatter.add.f32 [tilespmem:s23], [sflag:$0x8], $0x80, s28, s15, $0xb8;
	[tilespmem:$0x1F000] =	vst v63  }
0x72: {  	_ =	swait.ge [sflag:s10], $0x2000  }
0x73: {  	[sflag:s10] =	ssyncset.done $0x0  }
0x74: {  	s30 =	simm.s32 $0x1C300;
	s25 =	simm.s32 $0x0;
	[sflag:s10] =	ssyncadd.s32 $0xFFFFE000  }
0x75: {  	[tilespmem:s20], [sflag:$0x3] =	stream.indirect.gather [hbm4b:s4+s15], $0x80, s30, s15, $0xb8;
	[tilespmem:$0x1F000] =	vst v63  }
.LBB2_7:
0x76: {  	_ =	swait.ge [sflag:s21], $0x2000  }
0x77: {  	s28 =	sshra.s32 s25, $0x2;
	[sflag:s21] =	ssyncset.done $0x0  }
0x78: {  	s30 =	sadd.s32 $0x1D600, s28;
	[sflag:s21] =	ssyncadd.s32 $0xFFFFE000  }
0x79: {  	[spmem:s1] =	stream.indirect.scatter.add.f32 [tilespmem:s16], [sflag:$0x5], $0x80, s30, s15, $0xb8;
	[tilespmem:$0x1F000] =	vst v63  }
0x7a: {  	_ =	swait.ge [sflag:s17], $0x2000  }
0x7b: {  	[sflag:s17] =	ssyncset.done $0x0  }
0x7c: {  	s3 =	sadd.s32 $0x1C380, s28;
	[sflag:s17] =	ssyncadd.s32 $0xFFFFE000  }
0x7d: {  	[tilespmem:s23], [sflag:$0x4] =	stream.indirect.gather [hbm4b:s4+s15], $0x80, s3, s15, $0xb8;
	[tilespmem:$0x1F000] =	vst v63  }
0x7e: {  	_ =	swait.ge [sflag:s24], $0x2000  }
0x7f: {  	p0 =	seq.s32 s25, $0x4000;
	[sflag:s24] =	ssyncset.done $0x0  }
0x80: {  	s9 =	sadd.s32 $0x1D680, s28;
	s30 =	simm.s32 @p0 $0x3;
	[sflag:s24] =	ssyncadd.s32 $0xFFFFE000  }
0x81: {  	[spmem:s1] =	stream.indirect.scatter.add.f32 [tilespmem:s18], [sflag:$0x6], $0x80, s9, s15, $0xb8;
	[tilespmem:$0x1F000] =	vst v63  }
0x82: {  	_ =	swait.ge @p0 [sflag:s30], $0x2000  }
0x83: {  	[sflag:s30] =	ssyncset.done @p0 $0x0  }
0x84: {  	[sflag:s30] =	ssyncadd.s32 @p0 $0xFFFFE000;
	s30 =	sshra.s32 @p0 s25, $0x2  }
0x85: {  	s0 =	simm.s32 @p0 $0x40;
	s9 =	simm.s32 @p0 $0x18000;
	s30 =	sadd.s32 @p0 $0x1D700, s30  }
0x86: {  	[spmem:s1] =	stream.indirect.scatter.add.f32 @p0 [tilespmem:s9], [sflag:$0x7], $0x80, s30, s0, $0xb8;
	[tilespmem:$0x1F000] =	vst v63  }
0x87: {  	s0 =	simm.s32 @!p0 $0x5  }
0x88: {  	_ =	swait.ge @!p0 [sflag:s0], $0x2000  }
0x89: {  	[sflag:s0] =	ssyncset.done @!p0 $0x0  }
0x8a: {  	[sflag:s0] =	ssyncadd.s32 @!p0 $0xFFFFE000;
	s0 =	sshra.s32 @!p0 s25, $0x2  }
0x8b: {  	s3 =	simm.s32 @!p0 $0x14000;
	s30 =	simm.s32 @!p0 $0x40;
	s9 =	sadd.s32 @!p0 $0x1C400, s0  }
0x8c: {  	[tilespmem:s3], [sflag:$0x1] =	stream.indirect.gather @!p0 [hbm4b:s4+s30], $0x80, s9, s30, $0xb8;
	[tilespmem:$0x1F000] =	vst v63  }
0x8d: {  	s3 =	simm.s32 @!p0 $0x3  }
0x8e: {  	_ =	swait.ge @!p0 [sflag:s3], $0x2000  }
0x8f: {  	[sflag:s3] =	ssyncset.done @!p0 $0x0  }
0x90: {  	s9 =	simm.s32 @!p0 $0x18000;
	[sflag:s3] =	ssyncadd.s32 @!p0 $0xFFFFE000;
	s3 =	sadd.s32 @!p0 $0x1D700, s0  }
0x91: {  	[spmem:s1] =	stream.indirect.scatter.add.f32 @!p0 [tilespmem:s9], [sflag:$0x7], $0x80, s3, s30, $0xb8;
	[tilespmem:$0x1F000] =	vst v63  }
0x92: {  	s3 =	simm.s32 @!p0 $0x6  }
0x93: {  	_ =	swait.ge @!p0 [sflag:s3], $0x2000  }
0x94: {  	[sflag:s3] =	ssyncset.done @!p0 $0x0  }
0x95: {  	s0 =	sadd.s32 @!p0 $0x1C480, s0;
	[sflag:s3] =	ssyncadd.s32 @!p0 $0xFFFFE000;
	s3 =	simm.s32 @!p0 $0x16000  }
0x96: {  	[tilespmem:s3], [sflag:$0x2] =	stream.indirect.gather @!p0 [hbm4b:s4+s30], $0x80, s0, s30, $0xb8;
	[tilespmem:$0x1F000] =	vst v63  }
.Ltmp6:
0x97: {  	_ = 	snop;
	(pc) =	sbr.rel @p0 .LBB2_9-.Ltmp6, $4  }
0x98: {  	_ =	swait.ge [sflag:s2], $0x2000  }
0x99: {  	[sflag:s2] =	ssyncset.done $0x0  }
0x9a: {  	s30 =	sadd.s32 $0x1D780, s28;
	[sflag:s2] =	ssyncadd.s32 $0xFFFFE000  }
0x9b: {  	[spmem:s1] =	stream.indirect.scatter.add.f32 [tilespmem:s23], [sflag:$0x8], $0x80, s30, s15, $0xb8;
	[tilespmem:$0x1F000] =	vst v63  }
.Ltmp7:
0x9c: {  	(pc) =	sbr.rel .LBB2_7-.Ltmp7, $4  }
0x9d: {  	_ =	swait.ge [sflag:s10], $0x2000  }
0x9e: {  	[sflag:s10] =	ssyncset.done $0x0  }
0x9f: {  	s0 =	sadd.s32 $0x1C500, s28;
	s25 =	sadd.s32 $0x800, s25;
	[sflag:s10] =	ssyncadd.s32 $0xFFFFE000  }
0xa0: {  	[tilespmem:s20], [sflag:$0x3] =	stream.indirect.gather [hbm4b:s4+s15], $0x80, s0, s15, $0xb8;
	[tilespmem:$0x1F000] =	vst v63  }
.LBB2_11:
0xa1: {  	_ =	sfence.sel $0x180000  }
0xa2: {  	[bflag:$0x0] =	sbarrier.arrive $0xFFFF  }
0xa3: {  	_ =	strace $0x90000050  }
0xa4: {  	s0 =	stileid.u32;
	[bflag:$0x2] =	sbarrier.arrive $0xFFFF  }
0xa5: {  	p0 =	sne.s32 s0, $0x0;
	s0 =	rddreg [dreg:$0x2]  }
0xa6: {  	s0 =	sadd.s32 @!p0 $0x100000, s0  }
0xa7: {  	[sflag:s0] =	ssyncadd.tile.s32 @!p0 $0x1;
	_ =	shalt  }
.Lfunc_end2:
_tile_overlayer_lowered:
.L_overlay_start_2:
0xa8: {  	(tag) =	ssettag $0x2  }
0xa9: {  	s0 =	rddreg [dreg:$0x0];
	s2 =	stileid.u32  }
0xaa: {  	s1 =	rddreg [dreg:$0x1];
	p0 =	sne.s32 s2, $0x0  }
0xab: {  	s3 =	rddreg [dreg:$0x2];
	[bflag:$0x3] =	sbarrier.arrive $0xFFFF;
	s2 =	simm.s32 @!p0 $0x1C09  }
0xac: {  	[timem:s3], [sflag:s2] =	dma.local @!p0 [hbm:s0], s1  }
0xad: {  	s0 =	simm.s32 @!p0 $0x9  }
0xae: {  	_ =	swait.ge @!p0 [sflag:s0], s1  }
0xaf: {  	s1 =	ssub.s32 @!p0 $0x0, s1;
	[sflag:s0] =	ssyncset.done @!p0 $0x0  }
0xb0: {  	[sflag:s0] =	ssyncadd.s32 @!p0 s1  }
0xb1: {  	[bflag:$0x3] =	sbarrier.arrive $0xFFFF  }
0xb2: {  	_ =	shalt  }

</sc_bundles>
